<compile_context>
chip_gen: v7x
topology: tpu7x:2x2x1
jax: 0.10.2.dev20260603
libtpu: 0.0.44.dev20260713+nightly
codegen_flags: <defaults>
</compile_context>

<pallas_src>
import dataclasses
import functools

import jax
import jax.numpy as jnp
from jax import lax
from jax.experimental import pallas as pl
from jax.experimental.pallas import tpu as pltpu
from jax.experimental.pallas import tpu_sc as plsc

_NC = 2
_NS = 16
_LN = 16
_CH = 128
_IDXB = 16
_BLK = 2048
_NBUF = 3
_CHP = 120


def _sc_compiler_params():
    cp = pltpu.CompilerParams()
    if "needs_layout_passes" in pltpu.CompilerParams.__dataclass_fields__:
        cp = dataclasses.replace(cp, needs_layout_passes=False)
    return cp


def _mm(a, b):
    return lax.dot_general(a, b, (((1,), (0,)), ((), ())),
                           precision=lax.Precision.HIGHEST,
                           preferred_element_type=jnp.float32)


def _sc_degree(col2d, n_pad):
    chunks = col2d.shape[0]
    per_tile = chunks // (_NC * _NS)
    mesh = plsc.VectorSubcoreMesh(core_axis_name="c", subcore_axis_name="s")

    @functools.partial(
        pl.kernel,
        out_type=jax.ShapeDtypeStruct((_NC * _NS, n_pad), jnp.float32),
        mesh=mesh,
        compiler_params=_sc_compiler_params(),
        scratch_types=[
            pltpu.VMEM((n_pad,), jnp.float32),
            pltpu.VMEM((_IDXB, _CH), jnp.int32),
        ],
    )
    def k(col_hbm, out_hbm, hist, idx):
        c = lax.axis_index("c")
        s = lax.axis_index("s")
        wid = s * _NC + c
        zeros = jnp.zeros((_LN,), jnp.float32)
        ones = jnp.ones((_LN,), jnp.float32)

        @pl.loop(0, n_pad // _LN)
        def _(i):
            hist[pl.ds(i * _LN, _LN)] = zeros

        base = wid * per_tile

        @pl.loop(0, per_tile // _IDXB)
        def _(b):
            pltpu.sync_copy(col_hbm.at[pl.ds(base + b * _IDXB, _IDXB)], idx)

            @pl.loop(0, _IDXB)
            def _(j):
                @pl.loop(0, _CH // _LN)
                def _(q):
                    idx16 = idx[j, pl.ds(q * _LN, _LN)]
                    plsc.addupdate_scatter(hist, [idx16], ones)

        pltpu.sync_copy(hist, out_hbm.at[wid])

    return k(col2d)


def _sc_propagate(row3d, col3d, g, n, n_pad):
    half_blocks = row3d.shape[0]
    per_tile_hb = half_blocks // (_NC * _NS)
    nT = per_tile_hb // 2
    d = g.shape[1]
    arows = -(-n // (_NS * 8)) * 8
    na = _NS * arows
    afull = arows // _CHP
    arem = arows - afull * _CHP
    mesh = plsc.VectorSubcoreMesh(core_axis_name="c", subcore_axis_name="s")

    @functools.partial(
        pl.kernel,
        out_type=jax.ShapeDtypeStruct((_NC, n_pad, d), jnp.float32),
        mesh=mesh,
        scratch_types=[
            pltpu.VMEM((3, _CHP), jnp.int32),
            pltpu.VMEM((3, _CHP), jnp.int32),
            pltpu.VMEM((3, _CHP), jnp.int32),
            pltpu.VMEM((3, _CHP), jnp.int32),
            pltpu.VMEM((3, _CHP, d), jnp.float32),
            pltpu.VMEM_SHARED((na, d), jnp.float32),
            pltpu.SemaphoreType.DMA,
            pltpu.SemaphoreType.DMA,
        ],
    )
    def k(row_hbm, col_hbm, g_hbm, out_hbm, ridxA, ridxB, cidxA, cidxB,
          gbufs, acc, gsem, ssem):
        c = lax.axis_index("c")
        s = lax.axis_index("s")
        zeros = jnp.zeros((_LN,), jnp.float32)

        zbuf = gbufs.at[0]

        @pl.loop(0, _CHP)
        def _(i):
            @pl.loop(0, d // _LN)
            def _(j):
                zbuf[i, pl.ds(j * _LN, _LN)] = zeros

        @pl.loop(0, afull)
        def _(i):
            pltpu.sync_copy(zbuf,
                            acc.at[pl.ds(s * arows + i * _CHP, _CHP)])

        if arem:
            pltpu.sync_copy(
                zbuf.at[pl.ds(0, arem)],
                acc.at[pl.ds(s * arows + afull * _CHP, arem)])

        plsc.subcore_barrier()

        hb = (s * _NC + c) * per_tile_hb

        def g_fire(b, idxrow):
            pltpu.async_copy(g_hbm.at[idxrow], gbufs.at[b], gsem)

        def g_wait(b):
            pltpu.make_async_copy(g_hbm.at[ridxA.at[0]], gbufs.at[b],
                                  gsem).wait()

        def s_fire(b, idxrow):
            pltpu.async_copy(gbufs.at[b], acc.at[idxrow], ssem, add=True)

        def s_drain(b):
            pltpu.make_async_copy(gbufs.at[b], acc.at[cidxA.at[0]],
                                  ssem).wait()

        pltpu.sync_copy(row_hbm.at[hb], ridxA)
        pltpu.sync_copy(col_hbm.at[hb], cidxA)
        g_fire(0, ridxA.at[0])
        g_fire(1, ridxA.at[1])

        @pl.loop(0, nT)
        def _(t):
            g_wait(0)
            s_fire(0, cidxA.at[0])

            @pl.when(t > 0)
            def _():
                s_drain(2)
            g_fire(2, ridxA.at[2])

            pltpu.sync_copy(row_hbm.at[hb + 2 * t + 1], ridxB)
            pltpu.sync_copy(col_hbm.at[hb + 2 * t + 1], cidxB)

            g_wait(1)
            s_fire(1, cidxA.at[1])
            s_drain(0)
            g_fire(0, ridxB.at[0])

            g_wait(2)
            s_fire(2, cidxA.at[2])
            s_drain(1)
            g_fire(1, ridxB.at[1])

            g_wait(0)
            s_fire(0, cidxB.at[0])
            s_drain(2)
            g_fire(2, ridxB.at[2])

            @pl.when(t + 1 < nT)
            def _():
                pltpu.sync_copy(row_hbm.at[hb + 2 * t + 2], ridxA)
                pltpu.sync_copy(col_hbm.at[hb + 2 * t + 2], cidxA)

            g_wait(1)
            s_fire(1, cidxB.at[1])
            s_drain(0)

            @pl.when(t + 1 < nT)
            def _():
                g_fire(0, ridxA.at[0])

            g_wait(2)
            s_fire(2, cidxB.at[2])
            s_drain(1)

            @pl.when(t + 1 < nT)
            def _():
                g_fire(1, ridxA.at[1])

        s_drain(2)

        plsc.subcore_barrier()
        pltpu.sync_copy(acc.at[pl.ds(s * arows, arows)],
                        out_hbm.at[c].at[pl.ds(s * arows, arows)])

    return k(row3d, col3d, g)


def _tc_prep(x, w1, parts):
    n, d = x.shape
    grid = n // _BLK

    def body(x_ref, w_ref, p_ref, g_ref, dis_ref):
        deg = jnp.sum(p_ref[...], axis=0) + 1.0
        dis = lax.rsqrt(deg)
        g_ref[...] = _mm(x_ref[...], w_ref[...]) * dis[:, None]
        dis_ref[...] = dis[:, None]

    return pl.pallas_call(
        body,
        grid=(grid,),
        in_specs=[
            pl.BlockSpec((_BLK, d), lambda i: (i, 0)),
            pl.BlockSpec((d, d), lambda i: (0, 0)),
            pl.BlockSpec((_NC * _NS, _BLK), lambda i: (0, i)),
        ],
        out_specs=[
            pl.BlockSpec((_BLK, d), lambda i: (i, 0)),
            pl.BlockSpec((_BLK, 1), lambda i: (i, 0)),
        ],
        out_shape=[
            jax.ShapeDtypeStruct((n, d), jnp.float32),
            jax.ShapeDtypeStruct((n, 1), jnp.float32),
        ],
    )(x, w1, parts)


def _tc_mid(acc, g1, dis, b1, w2):
    _, n, d = acc.shape
    grid = n // _BLK

    def body(a_ref, g_ref, dis_ref, b_ref, w_ref, o_ref):
        comb = a_ref[0] + a_ref[1] + g_ref[...]
        dis = dis_ref[...]
        z = jnp.maximum(comb * dis + b_ref[...], 0.0)
        o_ref[...] = _mm(z, w_ref[...]) * dis

    return pl.pallas_call(
        body,
        grid=(grid,),
        in_specs=[
            pl.BlockSpec((2, _BLK, d), lambda i: (0, i, 0)),
            pl.BlockSpec((_BLK, d), lambda i: (i, 0)),
            pl.BlockSpec((_BLK, 1), lambda i: (i, 0)),
            pl.BlockSpec((1, d), lambda i: (0, 0)),
            pl.BlockSpec((d, d), lambda i: (0, 0)),
        ],
        out_specs=pl.BlockSpec((_BLK, d), lambda i: (i, 0)),
        out_shape=jax.ShapeDtypeStruct((n, d), jnp.float32),
    )(acc, g1, dis, b1, w2)


def _tc_final(acc, g2, dis, b2, fc1w, fc1b, fc2w, fc2b):
    _, n, d = acc.shape
    dout = fc2w.shape[1]
    grid = n // _BLK

    def body(a_ref, g_ref, dis_ref, b_ref, w1_ref, b1_ref, w2_ref, b2_ref,
             zs_ref, res_ref):
        comb = a_ref[0] + a_ref[1] + g_ref[...]
        zs = comb * dis_ref[...] + b_ref[...]
        zs_ref[...] = zs
        hh = _mm(zs, w1_ref[...]) + b1_ref[...]
        h = jnp.where(hh > 0, hh, jnp.exp(jnp.minimum(hh, 0.0)) - 1.0)
        t = _mm(h, w2_ref[...]) + b2_ref[...]
        m = jnp.max(t, axis=1, keepdims=True)
        lse = m + jnp.log(jnp.sum(jnp.exp(t - m), axis=1, keepdims=True))
        res_ref[...] = t - lse

    return pl.pallas_call(
        body,
        grid=(grid,),
        in_specs=[
            pl.BlockSpec((2, _BLK, d), lambda i: (0, i, 0)),
            pl.BlockSpec((_BLK, d), lambda i: (i, 0)),
            pl.BlockSpec((_BLK, 1), lambda i: (i, 0)),
            pl.BlockSpec((1, d), lambda i: (0, 0)),
            pl.BlockSpec((d, d), lambda i: (0, 0)),
            pl.BlockSpec((1, d), lambda i: (0, 0)),
            pl.BlockSpec((d, dout), lambda i: (0, 0)),
            pl.BlockSpec((1, dout), lambda i: (0, 0)),
        ],
        out_specs=[
            pl.BlockSpec((_BLK, d), lambda i: (i, 0)),
            pl.BlockSpec((_BLK, dout), lambda i: (i, 0)),
        ],
        out_shape=[
            jax.ShapeDtypeStruct((n, d), jnp.float32),
            jax.ShapeDtypeStruct((n, dout), jnp.float32),
        ],
    )(acc, g2, dis, b2, fc1w, fc1b, fc2w, fc2b)


def kernel(x, edge_index, W1, b1, W2, b2, fc1_W, fc1_b, fc2_W, fc2_b):
    n, d = x.shape
    e = edge_index.shape[1]
    n_pad = -(-n // (_NS * _CH)) * (_NS * _CH)

    align = _NC * _NS * _CH * _IDXB
    ep = -(-e // align) * align
    pad = ep - e
    arows = -(-n // (_NS * 8)) * 8
    na = _NS * arows
    pad_i = jnp.arange(pad, dtype=edge_index.dtype)
    col_deg = jnp.concatenate([edge_index[1], n + pad_i % (n_pad - n)])
    col2d = col_deg.reshape(-1, _CH)

    alignp = _NC * _NS * _CHP * 6
    epp = -(-e // alignp) * alignp
    padp = epp - e
    pad_j = jnp.arange(padp, dtype=edge_index.dtype)
    rowp = jnp.concatenate([edge_index[0], pad_j % n])
    colp = jnp.concatenate([edge_index[1], n + pad_j % (na - n)])
    row3d = rowp.reshape(-1, 3, _CHP)
    col3d = colp.reshape(-1, 3, _CHP)
    x_p = jnp.concatenate([x, jnp.zeros((n_pad - n, d), x.dtype)], axis=0)

    parts = _sc_degree(col2d, n_pad)
    g1, dis = _tc_prep(x_p, W1, parts)
    acc1 = _sc_propagate(row3d, col3d, g1, n, n_pad)
    g2 = _tc_mid(acc1, g1, dis, b1.reshape(1, -1), W2)
    acc2 = _sc_propagate(row3d, col3d, g2, n, n_pad)
    zs, res = _tc_final(acc2, g2, dis, b2.reshape(1, -1), fc1_W,
                        fc1_b.reshape(1, -1), fc2_W, fc2_b.reshape(1, -1))
    return (zs[:n], res[:n])

# --- scband reference (transcript-rebuilt; emitter-appended) ---
"""Pipeline reference for scband-hlclconv-supervised-90555090468876 (READ-ONLY COPY).

The authoritative reference and input builder live on the scoring server;
editing this copy changes nothing except your own understanding.
"""

import jax, jax.numpy as jnp
import numpy as np

N = 10000
E = 320000
D_IN = 128
D_H = 128
D_PROJ = 128
D_OUT = 64


def setup_inputs(seed: int = 0) -> dict:
    key = jax.random.key(seed)
    ks = jax.random.split(key, 10)
    x = jax.random.normal(ks[0], (N, D_IN), dtype=jnp.float32)
    edge_index = jax.random.randint(ks[1], (2, E), 0, N, dtype=jnp.int32)
    # Mix_Pass layer 0: Linear(input_dim, hidden_dim, bias=False) + bias Parameter
    W1 = jax.random.normal(ks[2], (D_IN, D_H), dtype=jnp.float32) / np.sqrt(D_IN)
    b1 = jnp.zeros((D_H,), dtype=jnp.float32)
    # Mix_Pass layer 1: Linear(hidden_dim, hidden_dim, bias=False) + bias Parameter
    W2 = jax.random.normal(ks[3], (D_H, D_H), dtype=jnp.float32) / np.sqrt(D_H)
    b2 = jnp.zeros((D_H,), dtype=jnp.float32)
    # projection head
    fc1_W = jax.random.normal(ks[4], (D_H, D_PROJ), dtype=jnp.float32) / np.sqrt(D_H)
    fc1_b = jnp.zeros((D_PROJ,), dtype=jnp.float32)
    fc2_W = jax.random.normal(ks[5], (D_PROJ, D_OUT), dtype=jnp.float32) / np.sqrt(D_PROJ)
    fc2_b = jnp.zeros((D_OUT,), dtype=jnp.float32)
    return {"x": x, "edge_index": edge_index, "W1": W1, "b1": b1, "W2": W2,
            "b2": b2, "fc1_W": fc1_W, "fc1_b": fc1_b, "fc2_W": fc2_W, "fc2_b": fc2_b}


def _mix_pass_low(x, edge_index, W, b):
    # add_self_loops
    row = edge_index[0]
    col = edge_index[1]
    loop = jnp.arange(N, dtype=edge_index.dtype)
    row = jnp.concatenate([row, loop])
    col = jnp.concatenate([col, loop])
    w = jnp.ones(row.shape[0], dtype=x.dtype)
    # gcn_norm (sym): deg over destination (col), norm = d^-1/2[row] * w * d^-1/2[col]
    deg = jnp.zeros((N,), dtype=x.dtype).at[col].add(w)
    deg_inv_sqrt = jnp.where(deg > 0, 1.0 / jnp.sqrt(deg), 0.0)
    norm = deg_inv_sqrt[row] * w * deg_inv_sqrt[col]
    # x = lin(x)
    h = x @ W
    # propagate: message = norm * x_j, aggr='add' at col
    msg = norm[:, None] * h[row]
    out = jnp.zeros((N, h.shape[1]), dtype=x.dtype).at[col].add(msg)
    return out + b


def reference(x, edge_index, W1, b1, W2, b2, fc1_W, fc1_b, fc2_W, fc2_b):
    # eval mode: dropout is identity. num_layers=2, high_pass=False (low-pass gcn path)
    z = _mix_pass_low(x, edge_index, W1, b1)
    z = jax.nn.relu(z)
    zs = _mix_pass_low(z, edge_index, W2, b2)
    # project: elu(fc1) -> log_softmax(fc2)
    h = jax.nn.elu(zs @ fc1_W + fc1_b)
    res = jax.nn.log_softmax(h @ fc2_W + fc2_b, axis=1)
    return (zs, res)

if __name__ == "__main__":
    import jax
    _d = setup_inputs()
    print(jax.jit(kernel)(*tuple(_d.values())))

</pallas_src>

<mosaic_0001>
#map = affine_map<(d0, d1) -> (0, 0, 0)>
#map1 = affine_map<(d0, d1) -> (0, 0)>
module attributes {stable_mosaic.version = 14 : i64} {
  func.func @k(%arg0: i32, %arg1: i32, %arg2: memref<896x3x120xi32, #tpu.memory_space<hbm>>, %arg3: memref<896x3x120xi32, #tpu.memory_space<hbm>>, %arg4: memref<10240x128xf32, #tpu.memory_space<hbm>>, %arg5: memref<2x10240x128xf32, #tpu.memory_space<hbm>>, %arg6: memref<3x120xi32, #tpu.memory_space<vmem>>, %arg7: memref<3x120xi32, #tpu.memory_space<vmem>>, %arg8: memref<3x120xi32, #tpu.memory_space<vmem>>, %arg9: memref<3x120xi32, #tpu.memory_space<vmem>>, %arg10: memref<3x120x128xf32, #tpu.memory_space<vmem>>, %arg11: memref<10112x128xf32, #tpu.memory_space<vmem_shared>>, %arg12: memref<!tpu.dma_semaphore, #tpu.memory_space<semaphore_mem>>, %arg13: memref<!tpu.dma_semaphore, #tpu.memory_space<semaphore_mem>>) attributes {dimension_semantics = [#tpu.dimension_semantics<core_parallel>, #tpu.dimension_semantics<subcore_parallel>], iteration_bounds = array<i64: 2, 16>, scalar_prefetch = 0 : i64, scratch_operands = 8 : i64, tpu.core_type = #tpu.core_type<sc_vector_subcore>, window_params = [{transform_indices = #map}, {transform_indices = #map}, {transform_indices = #map1}, {transform_indices = #map}]} {
    %broadcast_in_dim3A = arith.constant 0.000000e+00 : f32
    %broadcast_in_dim3A_0 = vector.broadcast %broadcast_in_dim3A : f32 to vector<16xf32>
    %scan3A = arith.constant 0 : i32
    %scan3A_1 = arith.constant 0 : i32
    %scan3A_2 = arith.constant 120 : i32
    %scan3A_3 = arith.addi %scan3A_1, %scan3A_2 : i32
    %scan3A_4 = arith.constant 1 : i32
    scf.for %scan3A_63 = %scan3A_1 to %scan3A_3 step %scan3A_4  : i32 {
      %mul3A_64 = arith.constant 1 : i32
      %mul3A_65 = arith.muli %scan3A_63, %mul3A_64 : i32
      %add3A_66 = arith.constant 0 : i32
      %add3A_67 = arith.addi %add3A_66, %mul3A_65 : i32
      %scan3A_68 = arith.constant 0 : i32
      %scan3A_69 = arith.constant 8 : i32
      %scan3A_70 = arith.addi %scan3A_68, %scan3A_69 : i32
      %scan3A_71 = arith.constant 1 : i32
      scf.for %scan3A_73 = %scan3A_68 to %scan3A_70 step %scan3A_71  : i32 {
        %mul3A_74 = arith.constant 1 : i32
        %mul3A_75 = arith.muli %scan3A_73, %mul3A_74 : i32
        %add3A_76 = arith.constant 0 : i32
        %add3A_77 = arith.addi %add3A_76, %mul3A_75 : i32
        %mul3A_78 = arith.constant 16 : i32
        %mul3A_79 = arith.muli %add3A_77, %mul3A_78 : i32
        %swap3A = arith.constant 0 : i32
        %swap3A_80 = arith.constant 0 : i32
        %swap3A_81 = tpu.memref_slice %arg10[%scan3A, %swap3A, %swap3A_80] : memref<3x120x128xf32, #tpu.memory_space<vmem>> -> memref<1x120x128xf32, #tpu.memory_space<vmem>>
        %swap3A_82 = tpu.memref_squeeze %swap3A_81 : memref<1x120x128xf32, #tpu.memory_space<vmem>> -> memref<120x128xf32, #tpu.memory_space<vmem>>
        %swap3A_83 = arith.index_cast %add3A_67 : i32 to index
        %swap3A_84 = arith.index_cast %mul3A_79 : i32 to index
        %swap3A_85 = tpu.vector_load %swap3A_82[%swap3A_83, %swap3A_84] {strides = array<i32>} : memref<120x128xf32, #tpu.memory_space<vmem>>, vector<1x16xf32>,
        %swap3A_86 = vector.shape_cast %swap3A_85 : vector<1x16xf32> to vector<16xf32>
        %swap3A_87 = vector.shape_cast %broadcast_in_dim3A_0 : vector<16xf32> to vector<1x16xf32>
        tpu.vector_store %swap3A_82[%swap3A_83, %swap3A_84], %swap3A_87 {strides = array<i32>} : memref<120x128xf32, #tpu.memory_space<vmem>>, vector<1x16xf32>,
      }
      %scan3A_72 = arith.constant 8 : i32
    }
    %scan3A_5 = arith.constant 120 : i32
    %scan3A_6 = arith.constant 0 : i32
    %scan3A_7 = arith.constant 0 : i32
    %scan3A_8 = arith.constant 5 : i32
    %scan3A_9 = arith.addi %scan3A_7, %scan3A_8 : i32
    %scan3A_10 = arith.constant 1 : i32
    scf.for %scan3A_63 = %scan3A_7 to %scan3A_9 step %scan3A_10  : i32 {
      %mul3A_64 = arith.constant 1 : i32
      %mul3A_65 = arith.muli %scan3A_63, %mul3A_64 : i32
      %add3A_66 = arith.constant 0 : i32
      %add3A_67 = arith.addi %add3A_66, %mul3A_65 : i32
      %mul3A_68 = arith.constant 632 : i32
      %mul3A_69 = arith.muli %arg1, %mul3A_68 : i32
      %mul3A_70 = arith.constant 120 : i32
      %mul3A_71 = arith.muli %add3A_67, %mul3A_70 : i32
      %add3A_72 = arith.addi %mul3A_69, %mul3A_71 : i32
      "tpu.region"() ({
        %run_scoped3A_73 = tpu.sem_alloc : memref<!tpu.dma_semaphore, #tpu.memory_space<semaphore_mem>>
        %dma_start3A_74 = arith.constant 0 : i32
        %dma_start3A_75 = arith.constant 0 : i32
        %dma_start3A_76 = tpu.memref_slice %arg10[%scan3A_6, %dma_start3A_74, %dma_start3A_75] : memref<3x120x128xf32, #tpu.memory_space<vmem>> -> memref<1x120x128xf32, #tpu.memory_space<vmem>>
        %dma_start3A_77 = tpu.memref_squeeze %dma_start3A_76 : memref<1x120x128xf32, #tpu.memory_space<vmem>> -> memref<120x128xf32, #tpu.memory_space<vmem>>
        %dma_start3A_78 = arith.constant 0 : i32
        %dma_start3A_79 = tpu.memref_slice %arg11[%add3A_72, %dma_start3A_78] : memref<10112x128xf32, #tpu.memory_space<vmem_shared>> -> memref<120x128xf32, #tpu.memory_space<vmem_shared>>
        %dma_start3A_80 = arith.constant 0 : i32
        %dma_start3A_81 = tpu.memref_slice %arg11[%add3A_72, %dma_start3A_80] : memref<10112x128xf32, #tpu.memory_space<vmem_shared>> -> memref<120x128xf32, #tpu.memory_space<vmem_shared>>
        %dma_start3A_82 = arith.constant 0 : i32
        %dma_start3A_83 = arith.constant 0 : i32
        %dma_start3A_84 = tpu.memref_slice %arg10[%scan3A_6, %dma_start3A_82, %dma_start3A_83] : memref<3x120x128xf32, #tpu.memory_space<vmem>> -> memref<1x120x128xf32, #tpu.memory_space<vmem>>
        %dma_start3A_85 = tpu.memref_squeeze %dma_start3A_84 : memref<1x120x128xf32, #tpu.memory_space<vmem>> -> memref<120x128xf32, #tpu.memory_space<vmem>>
        tpu.enqueue_dma source(%dma_start3A_85 : memref<120x128xf32, #tpu.memory_space<vmem>>) target(%dma_start3A_81 : memref<120x128xf32, #tpu.memory_space<vmem_shared>>) target_semaphore(%run_scoped3A_73 : memref<!tpu.dma_semaphore, #tpu.memory_space<semaphore_mem>>)
        %dma_wait3A_86 = arith.constant 0 : i32
        %dma_wait3A_87 = arith.constant 0 : i32
        %dma_wait3A_88 = tpu.memref_slice %arg10[%scan3A_6, %dma_wait3A_86, %dma_wait3A_87] : memref<3x120x128xf32, #tpu.memory_space<vmem>> -> memref<1x120x128xf32, #tpu.memory_space<vmem>>
        %dma_wait3A_89 = tpu.memref_squeeze %dma_wait3A_88 : memref<1x120x128xf32, #tpu.memory_space<vmem>> -> memref<120x128xf32, #tpu.memory_space<vmem>>
        %dma_wait3A_90 = arith.constant 0 : i32
        %dma_wait3A_91 = tpu.memref_slice %arg11[%add3A_72, %dma_wait3A_90] : memref<10112x128xf32, #tpu.memory_space<vmem_shared>> -> memref<120x128xf32, #tpu.memory_space<vmem_shared>>
        %dma_wait3A_92 = arith.constant 0 : i32
        %dma_wait3A_93 = tpu.memref_slice %arg11[%add3A_72, %dma_wait3A_92] : memref<10112x128xf32, #tpu.memory_space<vmem_shared>> -> memref<120x128xf32, #tpu.memory_space<vmem_shared>>
        %dma_wait3A_94 = arith.constant 0 : i32
        %dma_wait3A_95 = arith.constant 0 : i32
        %dma_wait3A_96 = tpu.memref_slice %arg10[%scan3A_6, %dma_wait3A_94, %dma_wait3A_95] : memref<3x120x128xf32, #tpu.memory_space<vmem>> -> memref<1x120x128xf32, #tpu.memory_space<vmem>>
        %dma_wait3A_97 = tpu.memref_squeeze %dma_wait3A_96 : memref<1x120x128xf32, #tpu.memory_space<vmem>> -> memref<120x128xf32, #tpu.memory_space<vmem>>
        tpu.wait_dma2 semaphore(%run_scoped3A_73 : memref<!tpu.dma_semaphore, #tpu.memory_space<semaphore_mem>>) src(%dma_wait3A_97 : memref<120x128xf32, #tpu.memory_space<vmem>>) dst(%dma_wait3A_93 : memref<120x128xf32, #tpu.memory_space<vmem_shared>>)
        tpu.yield
      }) : () -> ()
    }
    %scan3A_11 = arith.constant 5 : i32
    %mul3A = arith.constant 632 : i32
    %mul3A_12 = arith.muli %arg1, %mul3A : i32
    %add3A = arith.constant 600 : i32
    %add3A_13 = arith.addi %mul3A_12, %add3A : i32
    %run_scoped3A = arith.constant 0 : i32
    "tpu.region"() ({
      %run_scoped3A_63 = tpu.sem_alloc : memref<!tpu.dma_semaphore, #tpu.memory_space<semaphore_mem>>
      %dma_start3A_64 = arith.constant 0 : i32
      %dma_start3A_65 = arith.constant 0 : i32
      %dma_start3A_66 = tpu.memref_slice %arg10[%run_scoped3A, %dma_start3A_64, %dma_start3A_65] : memref<3x120x128xf32, #tpu.memory_space<vmem>> -> memref<1x120x128xf32, #tpu.memory_space<vmem>>
      %dma_start3A_67 = tpu.memref_squeeze %dma_start3A_66 : memref<1x120x128xf32, #tpu.memory_space<vmem>> -> memref<120x128xf32, #tpu.memory_space<vmem>>
      %dma_start3A_68 = arith.constant 0 : i32
      %dma_start3A_69 = arith.constant 0 : i32
      %dma_start3A_70 = tpu.memref_slice %dma_start3A_67[%dma_start3A_68, %dma_start3A_69] : memref<120x128xf32, #tpu.memory_space<vmem>> -> memref<32x128xf32, #tpu.memory_space<vmem>>
      %dma_start3A_71 = arith.constant 0 : i32
      %dma_start3A_72 = tpu.memref_slice %arg11[%add3A_13, %dma_start3A_71] : memref<10112x128xf32, #tpu.memory_space<vmem_shared>> -> memref<32x128xf32, #tpu.memory_space<vmem_shared>>
      %dma_start3A_73 = arith.constant 0 : i32
      %dma_start3A_74 = tpu.memref_slice %arg11[%add3A_13, %dma_start3A_73] : memref<10112x128xf32, #tpu.memory_space<vmem_shared>> -> memref<32x128xf32, #tpu.memory_space<vmem_shared>>
      %dma_start3A_75 = arith.constant 0 : i32
      %dma_start3A_76 = arith.constant 0 : i32
      %dma_start3A_77 = tpu.memref_slice %arg10[%run_scoped3A, %dma_start3A_75, %dma_start3A_76] : memref<3x120x128xf32, #tpu.memory_space<vmem>> -> memref<1x120x128xf32, #tpu.memory_space<vmem>>
      %dma_start3A_78 = tpu.memref_squeeze %dma_start3A_77 : memref<1x120x128xf32, #tpu.memory_space<vmem>> -> memref<120x128xf32, #tpu.memory_space<vmem>>
      %dma_start3A_79 = arith.constant 0 : i32
      %dma_start3A_80 = arith.constant 0 : i32
      %dma_start3A_81 = tpu.memref_slice %dma_start3A_78[%dma_start3A_79, %dma_start3A_80] : memref<120x128xf32, #tpu.memory_space<vmem>> -> memref<32x128xf32, #tpu.memory_space<vmem>>
      tpu.enqueue_dma source(%dma_start3A_81 : memref<32x128xf32, #tpu.memory_space<vmem>>) target(%dma_start3A_74 : memref<32x128xf32, #tpu.memory_space<vmem_shared>>) target_semaphore(%run_scoped3A_63 : memref<!tpu.dma_semaphore, #tpu.memory_space<semaphore_mem>>)
      %dma_wait3A_82 = arith.constant 0 : i32
      %dma_wait3A_83 = arith.constant 0 : i32
      %dma_wait3A_84 = tpu.memref_slice %arg10[%run_scoped3A, %dma_wait3A_82, %dma_wait3A_83] : memref<3x120x128xf32, #tpu.memory_space<vmem>> -> memref<1x120x128xf32, #tpu.memory_space<vmem>>
      %dma_wait3A_85 = tpu.memref_squeeze %dma_wait3A_84 : memref<1x120x128xf32, #tpu.memory_space<vmem>> -> memref<120x128xf32, #tpu.memory_space<vmem>>
      %dma_wait3A_86 = arith.constant 0 : i32
      %dma_wait3A_87 = arith.constant 0 : i32
      %dma_wait3A_88 = tpu.memref_slice %dma_wait3A_85[%dma_wait3A_86, %dma_wait3A_87] : memref<120x128xf32, #tpu.memory_space<vmem>> -> memref<32x128xf32, #tpu.memory_space<vmem>>
      %dma_wait3A_89 = arith.constant 0 : i32
      %dma_wait3A_90 = tpu.memref_slice %arg11[%add3A_13, %dma_wait3A_89] : memref<10112x128xf32, #tpu.memory_space<vmem_shared>> -> memref<32x128xf32, #tpu.memory_space<vmem_shared>>
      %dma_wait3A_91 = arith.constant 0 : i32
      %dma_wait3A_92 = tpu.memref_slice %arg11[%add3A_13, %dma_wait3A_91] : memref<10112x128xf32, #tpu.memory_space<vmem_shared>> -> memref<32x128xf32, #tpu.memory_space<vmem_shared>>
      %dma_wait3A_93 = arith.constant 0 : i32
      %dma_wait3A_94 = arith.constant 0 : i32
      %dma_wait3A_95 = tpu.memref_slice %arg10[%run_scoped3A, %dma_wait3A_93, %dma_wait3A_94] : memref<3x120x128xf32, #tpu.memory_space<vmem>> -> memref<1x120x128xf32, #tpu.memory_space<vmem>>
      %dma_wait3A_96 = tpu.memref_squeeze %dma_wait3A_95 : memref<1x120x128xf32, #tpu.memory_space<vmem>> -> memref<120x128xf32, #tpu.memory_space<vmem>>
      %dma_wait3A_97 = arith.constant 0 : i32
      %dma_wait3A_98 = arith.constant 0 : i32
      %dma_wait3A_99 = tpu.memref_slice %dma_wait3A_96[%dma_wait3A_97, %dma_wait3A_98] : memref<120x128xf32, #tpu.memory_space<vmem>> -> memref<32x128xf32, #tpu.memory_space<vmem>>
      tpu.wait_dma2 semaphore(%run_scoped3A_63 : memref<!tpu.dma_semaphore, #tpu.memory_space<semaphore_mem>>) src(%dma_wait3A_99 : memref<32x128xf32, #tpu.memory_space<vmem>>) dst(%dma_wait3A_92 : memref<32x128xf32, #tpu.memory_space<vmem_shared>>)
      tpu.yield
    }) : () -> ()
    %barrier3A = arith.constant 0 : index
    tpu.barrier barrier_id(%barrier3A)
    %mul3A_14 = arith.constant 2 : i32
    %mul3A_15 = arith.muli %arg1, %mul3A_14 : i32
    %add3A_16 = arith.addi %mul3A_15, %arg0 : i32
    %mul3A_17 = arith.constant 28 : i32
    %mul3A_18 = arith.muli %add3A_16, %mul3A_17 : i32
    "tpu.region"() ({
      %run_scoped3A_63 = tpu.sem_alloc : memref<!tpu.dma_semaphore, #tpu.memory_space<semaphore_mem>>
      %dma_start3A_64 = arith.constant 0 : i32
      %dma_start3A_65 = arith.constant 0 : i32
      %dma_start3A_66 = tpu.memref_slice %arg2[%mul3A_18, %dma_start3A_64, %dma_start3A_65] : memref<896x3x120xi32, #tpu.memory_space<hbm>> -> memref<1x3x120xi32, #tpu.memory_space<hbm>>
      %dma_start3A_67 = tpu.memref_squeeze %dma_start3A_66 : memref<1x3x120xi32, #tpu.memory_space<hbm>> -> memref<3x120xi32, #tpu.memory_space<hbm>>
      %dma_start3A_68 = arith.constant 0 : i32
      %dma_start3A_69 = arith.constant 0 : i32
      %dma_start3A_70 = tpu.memref_slice %arg2[%mul3A_18, %dma_start3A_68, %dma_start3A_69] : memref<896x3x120xi32, #tpu.memory_space<hbm>> -> memref<1x3x120xi32, #tpu.memory_space<hbm>>
      %dma_start3A_71 = tpu.memref_squeeze %dma_start3A_70 : memref<1x3x120xi32, #tpu.memory_space<hbm>> -> memref<3x120xi32, #tpu.memory_space<hbm>>
      tpu.enqueue_dma source(%dma_start3A_71 : memref<3x120xi32, #tpu.memory_space<hbm>>) target(%arg6 : memref<3x120xi32, #tpu.memory_space<vmem>>) target_semaphore(%run_scoped3A_63 : memref<!tpu.dma_semaphore, #tpu.memory_space<semaphore_mem>>)
      %dma_wait3A_72 = arith.constant 0 : i32
      %dma_wait3A_73 = arith.constant 0 : i32
      %dma_wait3A_74 = tpu.memref_slice %arg2[%mul3A_18, %dma_wait3A_72, %dma_wait3A_73] : memref<896x3x120xi32, #tpu.memory_space<hbm>> -> memref<1x3x120xi32, #tpu.memory_space<hbm>>
      %dma_wait3A_75 = tpu.memref_squeeze %dma_wait3A_74 : memref<1x3x120xi32, #tpu.memory_space<hbm>> -> memref<3x120xi32, #tpu.memory_space<hbm>>
      %dma_wait3A_76 = arith.constant 0 : i32
      %dma_wait3A_77 = arith.constant 0 : i32
      %dma_wait3A_78 = tpu.memref_slice %arg2[%mul3A_18, %dma_wait3A_76, %dma_wait3A_77] : memref<896x3x120xi32, #tpu.memory_space<hbm>> -> memref<1x3x120xi32, #tpu.memory_space<hbm>>
      %dma_wait3A_79 = tpu.memref_squeeze %dma_wait3A_78 : memref<1x3x120xi32, #tpu.memory_space<hbm>> -> memref<3x120xi32, #tpu.memory_space<hbm>>
      tpu.wait_dma2 semaphore(%run_scoped3A_63 : memref<!tpu.dma_semaphore, #tpu.memory_space<semaphore_mem>>) src(%dma_wait3A_79 : memref<3x120xi32, #tpu.memory_space<hbm>>) dst(%arg6 : memref<3x120xi32, #tpu.memory_space<vmem>>)
      tpu.yield
    }) : () -> ()
    "tpu.region"() ({
      %run_scoped3A_63 = tpu.sem_alloc : memref<!tpu.dma_semaphore, #tpu.memory_space<semaphore_mem>>
      %dma_start3A_64 = arith.constant 0 : i32
      %dma_start3A_65 = arith.constant 0 : i32
      %dma_start3A_66 = tpu.memref_slice %arg3[%mul3A_18, %dma_start3A_64, %dma_start3A_65] : memref<896x3x120xi32, #tpu.memory_space<hbm>> -> memref<1x3x120xi32, #tpu.memory_space<hbm>>
      %dma_start3A_67 = tpu.memref_squeeze %dma_start3A_66 : memref<1x3x120xi32, #tpu.memory_space<hbm>> -> memref<3x120xi32, #tpu.memory_space<hbm>>
      %dma_start3A_68 = arith.constant 0 : i32
      %dma_start3A_69 = arith.constant 0 : i32
      %dma_start3A_70 = tpu.memref_slice %arg3[%mul3A_18, %dma_start3A_68, %dma_start3A_69] : memref<896x3x120xi32, #tpu.memory_space<hbm>> -> memref<1x3x120xi32, #tpu.memory_space<hbm>>
      %dma_start3A_71 = tpu.memref_squeeze %dma_start3A_70 : memref<1x3x120xi32, #tpu.memory_space<hbm>> -> memref<3x120xi32, #tpu.memory_space<hbm>>
      tpu.enqueue_dma source(%dma_start3A_71 : memref<3x120xi32, #tpu.memory_space<hbm>>) target(%arg8 : memref<3x120xi32, #tpu.memory_space<vmem>>) target_semaphore(%run_scoped3A_63 : memref<!tpu.dma_semaphore, #tpu.memory_space<semaphore_mem>>)
      %dma_wait3A_72 = arith.constant 0 : i32
      %dma_wait3A_73 = arith.constant 0 : i32
      %dma_wait3A_74 = tpu.memref_slice %arg3[%mul3A_18, %dma_wait3A_72, %dma_wait3A_73] : memref<896x3x120xi32, #tpu.memory_space<hbm>> -> memref<1x3x120xi32, #tpu.memory_space<hbm>>
      %dma_wait3A_75 = tpu.memref_squeeze %dma_wait3A_74 : memref<1x3x120xi32, #tpu.memory_space<hbm>> -> memref<3x120xi32, #tpu.memory_space<hbm>>
      %dma_wait3A_76 = arith.constant 0 : i32
      %dma_wait3A_77 = arith.constant 0 : i32
      %dma_wait3A_78 = tpu.memref_slice %arg3[%mul3A_18, %dma_wait3A_76, %dma_wait3A_77] : memref<896x3x120xi32, #tpu.memory_space<hbm>> -> memref<1x3x120xi32, #tpu.memory_space<hbm>>
      %dma_wait3A_79 = tpu.memref_squeeze %dma_wait3A_78 : memref<1x3x120xi32, #tpu.memory_space<hbm>> -> memref<3x120xi32, #tpu.memory_space<hbm>>
      tpu.wait_dma2 semaphore(%run_scoped3A_63 : memref<!tpu.dma_semaphore, #tpu.memory_space<semaphore_mem>>) src(%dma_wait3A_79 : memref<3x120xi32, #tpu.memory_space<hbm>>) dst(%arg8 : memref<3x120xi32, #tpu.memory_space<vmem>>)
      tpu.yield
    }) : () -> ()
    %dma_start3A = arith.constant 0 : i32
    %dma_start3A_19 = arith.constant 0 : i32
    %dma_start3A_20 = arith.constant 0 : i32
    %dma_start3A_21 = arith.constant 0 : i32
    %dma_start3A_22 = tpu.memref_slice %arg10[%dma_start3A_19, %dma_start3A_20, %dma_start3A_21] : memref<3x120x128xf32, #tpu.memory_space<vmem>> -> memref<1x120x128xf32, #tpu.memory_space<vmem>>
    %dma_start3A_23 = tpu.memref_squeeze %dma_start3A_22 : memref<1x120x128xf32, #tpu.memory_space<vmem>> -> memref<120x128xf32, #tpu.memory_space<vmem>>
    %dma_start3A_24 = arith.constant 0 : i32
    %dma_start3A_25 = tpu.memref_slice %arg6[%dma_start3A, %dma_start3A_24] : memref<3x120xi32, #tpu.memory_space<vmem>> -> memref<1x120xi32, #tpu.memory_space<vmem>>
    %dma_start3A_26 = tpu.memref_squeeze %dma_start3A_25 : memref<1x120xi32, #tpu.memory_space<vmem>> -> memref<120xi32, #tpu.memory_space<vmem>>
    %dma_start3A_27 = arith.constant 0 : i32
    %dma_start3A_28 = arith.constant 0 : i32
    %dma_start3A_29 = tpu.memref_slice %arg4[%dma_start3A_27, %dma_start3A_28] : memref<10240x128xf32, #tpu.memory_space<hbm>> -> memref<10240x128xf32, #tpu.memory_space<hbm>>
    tpu.enqueue_indirect_dma source(%dma_start3A_29 : memref<10240x128xf32, #tpu.memory_space<hbm>>) target(%dma_start3A_23 : memref<120x128xf32, #tpu.memory_space<vmem>>) offsets(%dma_start3A_26 : memref<120xi32, #tpu.memory_space<vmem>>) semaphore(%arg12 : memref<!tpu.dma_semaphore, #tpu.memory_space<semaphore_mem>>)
    %dma_start3A_30 = arith.constant 1 : i32
    %dma_start3A_31 = arith.constant 1 : i32
    %dma_start3A_32 = arith.constant 0 : i32
    %dma_start3A_33 = arith.constant 0 : i32
    %dma_start3A_34 = tpu.memref_slice %arg10[%dma_start3A_31, %dma_start3A_32, %dma_start3A_33] : memref<3x120x128xf32, #tpu.memory_space<vmem>> -> memref<1x120x128xf32, #tpu.memory_space<vmem>>
    %dma_start3A_35 = tpu.memref_squeeze %dma_start3A_34 : memref<1x120x128xf32, #tpu.memory_space<vmem>> -> memref<120x128xf32, #tpu.memory_space<vmem>>
    %dma_start3A_36 = arith.constant 0 : i32
    %dma_start3A_37 = tpu.memref_slice %arg6[%dma_start3A_30, %dma_start3A_36] : memref<3x120xi32, #tpu.memory_space<vmem>> -> memref<1x120xi32, #tpu.memory_space<vmem>>
    %dma_start3A_38 = tpu.memref_squeeze %dma_start3A_37 : memref<1x120xi32, #tpu.memory_space<vmem>> -> memref<120xi32, #tpu.memory_space<vmem>>
    %dma_start3A_39 = arith.constant 0 : i32
    %dma_start3A_40 = arith.constant 0 : i32
    %dma_start3A_41 = tpu.memref_slice %arg4[%dma_start3A_39, %dma_start3A_40] : memref<10240x128xf32, #tpu.memory_space<hbm>> -> memref<10240x128xf32, #tpu.memory_space<hbm>>
    tpu.enqueue_indirect_dma source(%dma_start3A_41 : memref<10240x128xf32, #tpu.memory_space<hbm>>) target(%dma_start3A_35 : memref<120x128xf32, #tpu.memory_space<vmem>>) offsets(%dma_start3A_38 : memref<120xi32, #tpu.memory_space<vmem>>) semaphore(%arg12 : memref<!tpu.dma_semaphore, #tpu.memory_space<semaphore_mem>>)
    %scan3A_42 = arith.constant 0 : i32
    %scan3A_43 = arith.constant 14 : i32
    %scan3A_44 = arith.addi %scan3A_42, %scan3A_43 : i32
    %scan3A_45 = arith.constant 1 : i32
    scf.for %scan3A_63 = %scan3A_42 to %scan3A_44 step %scan3A_45  : i32 {
      %mul3A_64 = arith.constant 1 : i32
      %mul3A_65 = arith.muli %scan3A_63, %mul3A_64 : i32
      %add3A_66 = arith.constant 0 : i32
      %add3A_67 = arith.addi %add3A_66, %mul3A_65 : i32
      %dma_wait3A_68 = arith.constant 0 : i32
      %dma_wait3A_69 = arith.constant 0 : i32
      %dma_wait3A_70 = arith.constant 0 : i32
      %dma_wait3A_71 = arith.constant 0 : i32
      %dma_wait3A_72 = tpu.memref_slice %arg10[%dma_wait3A_69, %dma_wait3A_70, %dma_wait3A_71] : memref<3x120x128xf32, #tpu.memory_space<vmem>> -> memref<1x120x128xf32, #tpu.memory_space<vmem>>
      %dma_wait3A_73 = tpu.memref_squeeze %dma_wait3A_72 : memref<1x120x128xf32, #tpu.memory_space<vmem>> -> memref<120x128xf32, #tpu.memory_space<vmem>>
      %dma_wait3A_74 = arith.constant 0 : i32
      %dma_wait3A_75 = tpu.memref_slice %arg6[%dma_wait3A_68, %dma_wait3A_74] : memref<3x120xi32, #tpu.memory_space<vmem>> -> memref<1x120xi32, #tpu.memory_space<vmem>>
      %dma_wait3A_76 = tpu.memref_squeeze %dma_wait3A_75 : memref<1x120xi32, #tpu.memory_space<vmem>> -> memref<120xi32, #tpu.memory_space<vmem>>
      %dma_wait3A_77 = arith.constant 0 : i32
      %dma_wait3A_78 = arith.constant 0 : i32
      %dma_wait3A_79 = tpu.memref_slice %arg4[%dma_wait3A_77, %dma_wait3A_78] : memref<10240x128xf32, #tpu.memory_space<hbm>> -> memref<10240x128xf32, #tpu.memory_space<hbm>>
      tpu.wait_indirect_dma semaphore(%arg12 : memref<!tpu.dma_semaphore, #tpu.memory_space<semaphore_mem>>) src(%dma_wait3A_79 : memref<10240x128xf32, #tpu.memory_space<hbm>>) dst(%dma_wait3A_73 : memref<120x128xf32, #tpu.memory_space<vmem>>)
      %dma_start3A_80 = arith.constant 0 : i32
      %dma_start3A_81 = arith.constant 0 : i32
      %dma_start3A_82 = arith.constant 0 : i32
      %dma_start3A_83 = arith.constant 0 : i32
      %dma_start3A_84 = tpu.memref_slice %arg10[%dma_start3A_80, %dma_start3A_82, %dma_start3A_83] : memref<3x120x128xf32, #tpu.memory_space<vmem>> -> memref<1x120x128xf32, #tpu.memory_space<vmem>>
      %dma_start3A_85 = tpu.memref_squeeze %dma_start3A_84 : memref<1x120x128xf32, #tpu.memory_space<vmem>> -> memref<120x128xf32, #tpu.memory_space<vmem>>
      %dma_start3A_86 = arith.constant 0 : i32
      %dma_start3A_87 = tpu.memref_slice %arg8[%dma_start3A_81, %dma_start3A_86] : memref<3x120xi32, #tpu.memory_space<vmem>> -> memref<1x120xi32, #tpu.memory_space<vmem>>
      %dma_start3A_88 = tpu.memref_squeeze %dma_start3A_87 : memref<1x120xi32, #tpu.memory_space<vmem>> -> memref<120xi32, #tpu.memory_space<vmem>>
      %dma_start3A_89 = arith.constant 0 : i32
      %dma_start3A_90 = arith.constant 0 : i32
      %dma_start3A_91 = tpu.memref_slice %arg11[%dma_start3A_89, %dma_start3A_90] : memref<10112x128xf32, #tpu.memory_space<vmem_shared>> -> memref<10112x128xf32, #tpu.memory_space<vmem_shared>>
      tpu.enqueue_indirect_dma source(%dma_start3A_85 : memref<120x128xf32, #tpu.memory_space<vmem>>) target(%dma_start3A_91 : memref<10112x128xf32, #tpu.memory_space<vmem_shared>>) offsets(%dma_start3A_88 : memref<120xi32, #tpu.memory_space<vmem>>) semaphore(%arg13 : memref<!tpu.dma_semaphore, #tpu.memory_space<semaphore_mem>>) {add = true}
      %gt3A = arith.constant 0 : i32
      %gt3A_92 = arith.cmpi sgt, %add3A_67, %gt3A : i32
      %convert_element_type3A = arith.extui %gt3A_92 : i1 to i32
      %cond3A = arith.constant 0 : i32
      %cond3A_93 = arith.cmpi ne, %convert_element_type3A, %cond3A : i32
      scf.if %cond3A_93 {
        %dma_wait3A_352 = arith.constant 2 : i32
        %dma_wait3A_353 = arith.constant 0 : i32
        %dma_wait3A_354 = arith.constant 0 : i32
        %dma_wait3A_355 = arith.constant 0 : i32
        %dma_wait3A_356 = tpu.memref_slice %arg10[%dma_wait3A_352, %dma_wait3A_354, %dma_wait3A_355] : memref<3x120x128xf32, #tpu.memory_space<vmem>> -> memref<1x120x128xf32, #tpu.memory_space<vmem>>
        %dma_wait3A_357 = tpu.memref_squeeze %dma_wait3A_356 : memref<1x120x128xf32, #tpu.memory_space<vmem>> -> memref<120x128xf32, #tpu.memory_space<vmem>>
        %dma_wait3A_358 = arith.constant 0 : i32
        %dma_wait3A_359 = tpu.memref_slice %arg8[%dma_wait3A_353, %dma_wait3A_358] : memref<3x120xi32, #tpu.memory_space<vmem>> -> memref<1x120xi32, #tpu.memory_space<vmem>>
        %dma_wait3A_360 = tpu.memref_squeeze %dma_wait3A_359 : memref<1x120xi32, #tpu.memory_space<vmem>> -> memref<120xi32, #tpu.memory_space<vmem>>
        %dma_wait3A_361 = arith.constant 0 : i32
        %dma_wait3A_362 = arith.constant 0 : i32
        %dma_wait3A_363 = tpu.memref_slice %arg11[%dma_wait3A_361, %dma_wait3A_362] : memref<10112x128xf32, #tpu.memory_space<vmem_shared>> -> memref<10112x128xf32, #tpu.memory_space<vmem_shared>>
        tpu.wait_indirect_dma semaphore(%arg13 : memref<!tpu.dma_semaphore, #tpu.memory_space<semaphore_mem>>) src(%dma_wait3A_357 : memref<120x128xf32, #tpu.memory_space<vmem>>) dst(%dma_wait3A_363 : memref<10112x128xf32, #tpu.memory_space<vmem_shared>>)
      } else {
      }
      %dma_start3A_94 = arith.constant 2 : i32
      %dma_start3A_95 = arith.constant 2 : i32
      %dma_start3A_96 = arith.constant 0 : i32
      %dma_start3A_97 = arith.constant 0 : i32
      %dma_start3A_98 = tpu.memref_slice %arg10[%dma_start3A_95, %dma_start3A_96, %dma_start3A_97] : memref<3x120x128xf32, #tpu.memory_space<vmem>> -> memref<1x120x128xf32, #tpu.memory_space<vmem>>
      %dma_start3A_99 = tpu.memref_squeeze %dma_start3A_98 : memref<1x120x128xf32, #tpu.memory_space<vmem>> -> memref<120x128xf32, #tpu.memory_space<vmem>>
      %dma_start3A_100 = arith.constant 0 : i32
      %dma_start3A_101 = tpu.memref_slice %arg6[%dma_start3A_94, %dma_start3A_100] : memref<3x120xi32, #tpu.memory_space<vmem>> -> memref<1x120xi32, #tpu.memory_space<vmem>>
      %dma_start3A_102 = tpu.memref_squeeze %dma_start3A_101 : memref<1x120xi32, #tpu.memory_space<vmem>> -> memref<120xi32, #tpu.memory_space<vmem>>
      %dma_start3A_103 = arith.constant 0 : i32
      %dma_start3A_104 = arith.constant 0 : i32
      %dma_start3A_105 = tpu.memref_slice %arg4[%dma_start3A_103, %dma_start3A_104] : memref<10240x128xf32, #tpu.memory_space<hbm>> -> memref<10240x128xf32, #tpu.memory_space<hbm>>
      tpu.enqueue_indirect_dma source(%dma_start3A_105 : memref<10240x128xf32, #tpu.memory_space<hbm>>) target(%dma_start3A_99 : memref<120x128xf32, #tpu.memory_space<vmem>>) offsets(%dma_start3A_102 : memref<120xi32, #tpu.memory_space<vmem>>) semaphore(%arg12 : memref<!tpu.dma_semaphore, #tpu.memory_space<semaphore_mem>>)
      %mul3A_106 = arith.constant 2 : i32
      %mul3A_107 = arith.muli %mul3A_106, %add3A_67 : i32
      %add3A_108 = arith.addi %mul3A_18, %mul3A_107 : i32
      %add3A_109 = arith.constant 1 : i32
      %add3A_110 = arith.addi %add3A_108, %add3A_109 : i32
      "tpu.region"() ({
        %run_scoped3A_352 = tpu.sem_alloc : memref<!tpu.dma_semaphore, #tpu.memory_space<semaphore_mem>>
        %dma_start3A_353 = arith.constant 0 : i32
        %dma_start3A_354 = arith.constant 0 : i32
        %dma_start3A_355 = tpu.memref_slice %arg2[%add3A_110, %dma_start3A_353, %dma_start3A_354] : memref<896x3x120xi32, #tpu.memory_space<hbm>> -> memref<1x3x120xi32, #tpu.memory_space<hbm>>
        %dma_start3A_356 = tpu.memref_squeeze %dma_start3A_355 : memref<1x3x120xi32, #tpu.memory_space<hbm>> -> memref<3x120xi32, #tpu.memory_space<hbm>>
        %dma_start3A_357 = arith.constant 0 : i32
        %dma_start3A_358 = arith.constant 0 : i32
        %dma_start3A_359 = tpu.memref_slice %arg2[%add3A_110, %dma_start3A_357, %dma_start3A_358] : memref<896x3x120xi32, #tpu.memory_space<hbm>> -> memref<1x3x120xi32, #tpu.memory_space<hbm>>
        %dma_start3A_360 = tpu.memref_squeeze %dma_start3A_359 : memref<1x3x120xi32, #tpu.memory_space<hbm>> -> memref<3x120xi32, #tpu.memory_space<hbm>>
        tpu.enqueue_dma source(%dma_start3A_360 : memref<3x120xi32, #tpu.memory_space<hbm>>) target(%arg7 : memref<3x120xi32, #tpu.memory_space<vmem>>) target_semaphore(%run_scoped3A_352 : memref<!tpu.dma_semaphore, #tpu.memory_space<semaphore_mem>>)
        %dma_wait3A_361 = arith.constant 0 : i32
        %dma_wait3A_362 = arith.constant 0 : i32
        %dma_wait3A_363 = tpu.memref_slice %arg2[%add3A_110, %dma_wait3A_361, %dma_wait3A_362] : memref<896x3x120xi32, #tpu.memory_space<hbm>> -> memref<1x3x120xi32, #tpu.memory_space<hbm>>
        %dma_wait3A_364 = tpu.memref_squeeze %dma_wait3A_363 : memref<1x3x120xi32, #tpu.memory_space<hbm>> -> memref<3x120xi32, #tpu.memory_space<hbm>>
        %dma_wait3A_365 = arith.constant 0 : i32
        %dma_wait3A_366 = arith.constant 0 : i32
        %dma_wait3A_367 = tpu.memref_slice %arg2[%add3A_110, %dma_wait3A_365, %dma_wait3A_366] : memref<896x3x120xi32, #tpu.memory_space<hbm>> -> memref<1x3x120xi32, #tpu.memory_space<hbm>>
        %dma_wait3A_368 = tpu.memref_squeeze %dma_wait3A_367 : memref<1x3x120xi32, #tpu.memory_space<hbm>> -> memref<3x120xi32, #tpu.memory_space<hbm>>
        tpu.wait_dma2 semaphore(%run_scoped3A_352 : memref<!tpu.dma_semaphore, #tpu.memory_space<semaphore_mem>>) src(%dma_wait3A_368 : memref<3x120xi32, #tpu.memory_space<hbm>>) dst(%arg7 : memref<3x120xi32, #tpu.memory_space<vmem>>)
        tpu.yield
      }) : () -> ()
      %mul3A_111 = arith.constant 2 : i32
      %mul3A_112 = arith.muli %mul3A_111, %add3A_67 : i32
      %add3A_113 = arith.addi %mul3A_18, %mul3A_112 : i32
      %add3A_114 = arith.constant 1 : i32
      %add3A_115 = arith.addi %add3A_113, %add3A_114 : i32
      "tpu.region"() ({
        %run_scoped3A_352 = tpu.sem_alloc : memref<!tpu.dma_semaphore, #tpu.memory_space<semaphore_mem>>
        %dma_start3A_353 = arith.constant 0 : i32
        %dma_start3A_354 = arith.constant 0 : i32
        %dma_start3A_355 = tpu.memref_slice %arg3[%add3A_115, %dma_start3A_353, %dma_start3A_354] : memref<896x3x120xi32, #tpu.memory_space<hbm>> -> memref<1x3x120xi32, #tpu.memory_space<hbm>>
        %dma_start3A_356 = tpu.memref_squeeze %dma_start3A_355 : memref<1x3x120xi32, #tpu.memory_space<hbm>> -> memref<3x120xi32, #tpu.memory_space<hbm>>
        %dma_start3A_357 = arith.constant 0 : i32
        %dma_start3A_358 = arith.constant 0 : i32
        %dma_start3A_359 = tpu.memref_slice %arg3[%add3A_115, %dma_start3A_357, %dma_start3A_358] : memref<896x3x120xi32, #tpu.memory_space<hbm>> -> memref<1x3x120xi32, #tpu.memory_space<hbm>>
        %dma_start3A_360 = tpu.memref_squeeze %dma_start3A_359 : memref<1x3x120xi32, #tpu.memory_space<hbm>> -> memref<3x120xi32, #tpu.memory_space<hbm>>
        tpu.enqueue_dma source(%dma_start3A_360 : memref<3x120xi32, #tpu.memory_space<hbm>>) target(%arg9 : memref<3x120xi32, #tpu.memory_space<vmem>>) target_semaphore(%run_scoped3A_352 : memref<!tpu.dma_semaphore, #tpu.memory_space<semaphore_mem>>)
        %dma_wait3A_361 = arith.constant 0 : i32
        %dma_wait3A_362 = arith.constant 0 : i32
        %dma_wait3A_363 = tpu.memref_slice %arg3[%add3A_115, %dma_wait3A_361, %dma_wait3A_362] : memref<896x3x120xi32, #tpu.memory_space<hbm>> -> memref<1x3x120xi32, #tpu.memory_space<hbm>>
        %dma_wait3A_364 = tpu.memref_squeeze %dma_wait3A_363 : memref<1x3x120xi32, #tpu.memory_space<hbm>> -> memref<3x120xi32, #tpu.memory_space<hbm>>
        %dma_wait3A_365 = arith.constant 0 : i32
        %dma_wait3A_366 = arith.constant 0 : i32
        %dma_wait3A_367 = tpu.memref_slice %arg3[%add3A_115, %dma_wait3A_365, %dma_wait3A_366] : memref<896x3x120xi32, #tpu.memory_space<hbm>> -> memref<1x3x120xi32, #tpu.memory_space<hbm>>
        %dma_wait3A_368 = tpu.memref_squeeze %dma_wait3A_367 : memref<1x3x120xi32, #tpu.memory_space<hbm>> -> memref<3x120xi32, #tpu.memory_space<hbm>>
        tpu.wait_dma2 semaphore(%run_scoped3A_352 : memref<!tpu.dma_semaphore, #tpu.memory_space<semaphore_mem>>) src(%dma_wait3A_368 : memref<3x120xi32, #tpu.memory_space<hbm>>) dst(%arg9 : memref<3x120xi32, #tpu.memory_space<vmem>>)
        tpu.yield
      }) : () -> ()
      %dma_wait3A_116 = arith.constant 0 : i32
      %dma_wait3A_117 = arith.constant 1 : i32
      %dma_wait3A_118 = arith.constant 0 : i32
      %dma_wait3A_119 = arith.constant 0 : i32
      %dma_wait3A_120 = tpu.memref_slice %arg10[%dma_wait3A_117, %dma_wait3A_118, %dma_wait3A_119] : memref<3x120x128xf32, #tpu.memory_space<vmem>> -> memref<1x120x128xf32, #tpu.memory_space<vmem>>
      %dma_wait3A_121 = tpu.memref_squeeze %dma_wait3A_120 : memref<1x120x128xf32, #tpu.memory_space<vmem>> -> memref<120x128xf32, #tpu.memory_space<vmem>>
      %dma_wait3A_122 = arith.constant 0 : i32
      %dma_wait3A_123 = tpu.memref_slice %arg6[%dma_wait3A_116, %dma_wait3A_122] : memref<3x120xi32, #tpu.memory_space<vmem>> -> memref<1x120xi32, #tpu.memory_space<vmem>>
      %dma_wait3A_124 = tpu.memref_squeeze %dma_wait3A_123 : memref<1x120xi32, #tpu.memory_space<vmem>> -> memref<120xi32, #tpu.memory_space<vmem>>
      %dma_wait3A_125 = arith.constant 0 : i32
      %dma_wait3A_126 = arith.constant 0 : i32
      %dma_wait3A_127 = tpu.memref_slice %arg4[%dma_wait3A_125, %dma_wait3A_126] : memref<10240x128xf32, #tpu.memory_space<hbm>> -> memref<10240x128xf32, #tpu.memory_space<hbm>>
      tpu.wait_indirect_dma semaphore(%arg12 : memref<!tpu.dma_semaphore, #tpu.memory_space<semaphore_mem>>) src(%dma_wait3A_127 : memref<10240x128xf32, #tpu.memory_space<hbm>>) dst(%dma_wait3A_121 : memref<120x128xf32, #tpu.memory_space<vmem>>)
      %dma_start3A_128 = arith.constant 1 : i32
      %dma_start3A_129 = arith.constant 1 : i32
      %dma_start3A_130 = arith.constant 0 : i32
      %dma_start3A_131 = arith.constant 0 : i32
      %dma_start3A_132 = tpu.memref_slice %arg10[%dma_start3A_128, %dma_start3A_130, %dma_start3A_131] : memref<3x120x128xf32, #tpu.memory_space<vmem>> -> memref<1x120x128xf32, #tpu.memory_space<vmem>>
      %dma_start3A_133 = tpu.memref_squeeze %dma_start3A_132 : memref<1x120x128xf32, #tpu.memory_space<vmem>> -> memref<120x128xf32, #tpu.memory_space<vmem>>
      %dma_start3A_134 = arith.constant 0 : i32
      %dma_start3A_135 = tpu.memref_slice %arg8[%dma_start3A_129, %dma_start3A_134] : memref<3x120xi32, #tpu.memory_space<vmem>> -> memref<1x120xi32, #tpu.memory_space<vmem>>
      %dma_start3A_136 = tpu.memref_squeeze %dma_start3A_135 : memref<1x120xi32, #tpu.memory_space<vmem>> -> memref<120xi32, #tpu.memory_space<vmem>>
      %dma_start3A_137 = arith.constant 0 : i32
      %dma_start3A_138 = arith.constant 0 : i32
      %dma_start3A_139 = tpu.memref_slice %arg11[%dma_start3A_137, %dma_start3A_138] : memref<10112x128xf32, #tpu.memory_space<vmem_shared>> -> memref<10112x128xf32, #tpu.memory_space<vmem_shared>>
      tpu.enqueue_indirect_dma source(%dma_start3A_133 : memref<120x128xf32, #tpu.memory_space<vmem>>) target(%dma_start3A_139 : memref<10112x128xf32, #tpu.memory_space<vmem_shared>>) offsets(%dma_start3A_136 : memref<120xi32, #tpu.memory_space<vmem>>) semaphore(%arg13 : memref<!tpu.dma_semaphore, #tpu.memory_space<semaphore_mem>>) {add = true}
      %dma_wait3A_140 = arith.constant 0 : i32
      %dma_wait3A_141 = arith.constant 0 : i32
      %dma_wait3A_142 = arith.constant 0 : i32
      %dma_wait3A_143 = arith.constant 0 : i32
      %dma_wait3A_144 = tpu.memref_slice %arg10[%dma_wait3A_140, %dma_wait3A_142, %dma_wait3A_143] : memref<3x120x128xf32, #tpu.memory_space<vmem>> -> memref<1x120x128xf32, #tpu.memory_space<vmem>>
      %dma_wait3A_145 = tpu.memref_squeeze %dma_wait3A_144 : memref<1x120x128xf32, #tpu.memory_space<vmem>> -> memref<120x128xf32, #tpu.memory_space<vmem>>
      %dma_wait3A_146 = arith.constant 0 : i32
      %dma_wait3A_147 = tpu.memref_slice %arg8[%dma_wait3A_141, %dma_wait3A_146] : memref<3x120xi32, #tpu.memory_space<vmem>> -> memref<1x120xi32, #tpu.memory_space<vmem>>
      %dma_wait3A_148 = tpu.memref_squeeze %dma_wait3A_147 : memref<1x120xi32, #tpu.memory_space<vmem>> -> memref<120xi32, #tpu.memory_space<vmem>>
      %dma_wait3A_149 = arith.constant 0 : i32
      %dma_wait3A_150 = arith.constant 0 : i32
      %dma_wait3A_151 = tpu.memref_slice %arg11[%dma_wait3A_149, %dma_wait3A_150] : memref<10112x128xf32, #tpu.memory_space<vmem_shared>> -> memref<10112x128xf32, #tpu.memory_space<vmem_shared>>
      tpu.wait_indirect_dma semaphore(%arg13 : memref<!tpu.dma_semaphore, #tpu.memory_space<semaphore_mem>>) src(%dma_wait3A_145 : memref<120x128xf32, #tpu.memory_space<vmem>>) dst(%dma_wait3A_151 : memref<10112x128xf32, #tpu.memory_space<vmem_shared>>)
      %dma_start3A_152 = arith.constant 0 : i32
      %dma_start3A_153 = arith.constant 0 : i32
      %dma_start3A_154 = arith.constant 0 : i32
      %dma_start3A_155 = arith.constant 0 : i32
      %dma_start3A_156 = tpu.memref_slice %arg10[%dma_start3A_153, %dma_start3A_154, %dma_start3A_155] : memref<3x120x128xf32, #tpu.memory_space<vmem>> -> memref<1x120x128xf32, #tpu.memory_space<vmem>>
      %dma_start3A_157 = tpu.memref_squeeze %dma_start3A_156 : memref<1x120x128xf32, #tpu.memory_space<vmem>> -> memref<120x128xf32, #tpu.memory_space<vmem>>
      %dma_start3A_158 = arith.constant 0 : i32
      %dma_start3A_159 = tpu.memref_slice %arg7[%dma_start3A_152, %dma_start3A_158] : memref<3x120xi32, #tpu.memory_space<vmem>> -> memref<1x120xi32, #tpu.memory_space<vmem>>
      %dma_start3A_160 = tpu.memref_squeeze %dma_start3A_159 : memref<1x120xi32, #tpu.memory_space<vmem>> -> memref<120xi32, #tpu.memory_space<vmem>>
      %dma_start3A_161 = arith.constant 0 : i32
      %dma_start3A_162 = arith.constant 0 : i32
      %dma_start3A_163 = tpu.memref_slice %arg4[%dma_start3A_161, %dma_start3A_162] : memref<10240x128xf32, #tpu.memory_space<hbm>> -> memref<10240x128xf32, #tpu.memory_space<hbm>>
      tpu.enqueue_indirect_dma source(%dma_start3A_163 : memref<10240x128xf32, #tpu.memory_space<hbm>>) target(%dma_start3A_157 : memref<120x128xf32, #tpu.memory_space<vmem>>) offsets(%dma_start3A_160 : memref<120xi32, #tpu.memory_space<vmem>>) semaphore(%arg12 : memref<!tpu.dma_semaphore, #tpu.memory_space<semaphore_mem>>)
      %dma_wait3A_164 = arith.constant 0 : i32
      %dma_wait3A_165 = arith.constant 2 : i32
      %dma_wait3A_166 = arith.constant 0 : i32
      %dma_wait3A_167 = arith.constant 0 : i32
      %dma_wait3A_168 = tpu.memref_slice %arg10[%dma_wait3A_165, %dma_wait3A_166, %dma_wait3A_167] : memref<3x120x128xf32, #tpu.memory_space<vmem>> -> memref<1x120x128xf32, #tpu.memory_space<vmem>>
      %dma_wait3A_169 = tpu.memref_squeeze %dma_wait3A_168 : memref<1x120x128xf32, #tpu.memory_space<vmem>> -> memref<120x128xf32, #tpu.memory_space<vmem>>
      %dma_wait3A_170 = arith.constant 0 : i32
      %dma_wait3A_171 = tpu.memref_slice %arg6[%dma_wait3A_164, %dma_wait3A_170] : memref<3x120xi32, #tpu.memory_space<vmem>> -> memref<1x120xi32, #tpu.memory_space<vmem>>
      %dma_wait3A_172 = tpu.memref_squeeze %dma_wait3A_171 : memref<1x120xi32, #tpu.memory_space<vmem>> -> memref<120xi32, #tpu.memory_space<vmem>>
      %dma_wait3A_173 = arith.constant 0 : i32
      %dma_wait3A_174 = arith.constant 0 : i32
      %dma_wait3A_175 = tpu.memref_slice %arg4[%dma_wait3A_173, %dma_wait3A_174] : memref<10240x128xf32, #tpu.memory_space<hbm>> -> memref<10240x128xf32, #tpu.memory_space<hbm>>
      tpu.wait_indirect_dma semaphore(%arg12 : memref<!tpu.dma_semaphore, #tpu.memory_space<semaphore_mem>>) src(%dma_wait3A_175 : memref<10240x128xf32, #tpu.memory_space<hbm>>) dst(%dma_wait3A_169 : memref<120x128xf32, #tpu.memory_space<vmem>>)
      %dma_start3A_176 = arith.constant 2 : i32
      %dma_start3A_177 = arith.constant 2 : i32
      %dma_start3A_178 = arith.constant 0 : i32
      %dma_start3A_179 = arith.constant 0 : i32
      %dma_start3A_180 = tpu.memref_slice %arg10[%dma_start3A_176, %dma_start3A_178, %dma_start3A_179] : memref<3x120x128xf32, #tpu.memory_space<vmem>> -> memref<1x120x128xf32, #tpu.memory_space<vmem>>
      %dma_start3A_181 = tpu.memref_squeeze %dma_start3A_180 : memref<1x120x128xf32, #tpu.memory_space<vmem>> -> memref<120x128xf32, #tpu.memory_space<vmem>>
      %dma_start3A_182 = arith.constant 0 : i32
      %dma_start3A_183 = tpu.memref_slice %arg8[%dma_start3A_177, %dma_start3A_182] : memref<3x120xi32, #tpu.memory_space<vmem>> -> memref<1x120xi32, #tpu.memory_space<vmem>>
      %dma_start3A_184 = tpu.memref_squeeze %dma_start3A_183 : memref<1x120xi32, #tpu.memory_space<vmem>> -> memref<120xi32, #tpu.memory_space<vmem>>
      %dma_start3A_185 = arith.constant 0 : i32
      %dma_start3A_186 = arith.constant 0 : i32
      %dma_start3A_187 = tpu.memref_slice %arg11[%dma_start3A_185, %dma_start3A_186] : memref<10112x128xf32, #tpu.memory_space<vmem_shared>> -> memref<10112x128xf32, #tpu.memory_space<vmem_shared>>
      tpu.enqueue_indirect_dma source(%dma_start3A_181 : memref<120x128xf32, #tpu.memory_space<vmem>>) target(%dma_start3A_187 : memref<10112x128xf32, #tpu.memory_space<vmem_shared>>) offsets(%dma_start3A_184 : memref<120xi32, #tpu.memory_space<vmem>>) semaphore(%arg13 : memref<!tpu.dma_semaphore, #tpu.memory_space<semaphore_mem>>) {add = true}
      %dma_wait3A_188 = arith.constant 1 : i32
      %dma_wait3A_189 = arith.constant 0 : i32
      %dma_wait3A_190 = arith.constant 0 : i32
      %dma_wait3A_191 = arith.constant 0 : i32
      %dma_wait3A_192 = tpu.memref_slice %arg10[%dma_wait3A_188, %dma_wait3A_190, %dma_wait3A_191] : memref<3x120x128xf32, #tpu.memory_space<vmem>> -> memref<1x120x128xf32, #tpu.memory_space<vmem>>
      %dma_wait3A_193 = tpu.memref_squeeze %dma_wait3A_192 : memref<1x120x128xf32, #tpu.memory_space<vmem>> -> memref<120x128xf32, #tpu.memory_space<vmem>>
      %dma_wait3A_194 = arith.constant 0 : i32
      %dma_wait3A_195 = tpu.memref_slice %arg8[%dma_wait3A_189, %dma_wait3A_194] : memref<3x120xi32, #tpu.memory_space<vmem>> -> memref<1x120xi32, #tpu.memory_space<vmem>>
      %dma_wait3A_196 = tpu.memref_squeeze %dma_wait3A_195 : memref<1x120xi32, #tpu.memory_space<vmem>> -> memref<120xi32, #tpu.memory_space<vmem>>
      %dma_wait3A_197 = arith.constant 0 : i32
      %dma_wait3A_198 = arith.constant 0 : i32
      %dma_wait3A_199 = tpu.memref_slice %arg11[%dma_wait3A_197, %dma_wait3A_198] : memref<10112x128xf32, #tpu.memory_space<vmem_shared>> -> memref<10112x128xf32, #tpu.memory_space<vmem_shared>>
      tpu.wait_indirect_dma semaphore(%arg13 : memref<!tpu.dma_semaphore, #tpu.memory_space<semaphore_mem>>) src(%dma_wait3A_193 : memref<120x128xf32, #tpu.memory_space<vmem>>) dst(%dma_wait3A_199 : memref<10112x128xf32, #tpu.memory_space<vmem_shared>>)
      %dma_start3A_200 = arith.constant 1 : i32
      %dma_start3A_201 = arith.constant 1 : i32
      %dma_start3A_202 = arith.constant 0 : i32
      %dma_start3A_203 = arith.constant 0 : i32
      %dma_start3A_204 = tpu.memref_slice %arg10[%dma_start3A_201, %dma_start3A_202, %dma_start3A_203] : memref<3x120x128xf32, #tpu.memory_space<vmem>> -> memref<1x120x128xf32, #tpu.memory_space<vmem>>
      %dma_start3A_205 = tpu.memref_squeeze %dma_start3A_204 : memref<1x120x128xf32, #tpu.memory_space<vmem>> -> memref<120x128xf32, #tpu.memory_space<vmem>>
      %dma_start3A_206 = arith.constant 0 : i32
      %dma_start3A_207 = tpu.memref_slice %arg7[%dma_start3A_200, %dma_start3A_206] : memref<3x120xi32, #tpu.memory_space<vmem>> -> memref<1x120xi32, #tpu.memory_space<vmem>>
      %dma_start3A_208 = tpu.memref_squeeze %dma_start3A_207 : memref<1x120xi32, #tpu.memory_space<vmem>> -> memref<120xi32, #tpu.memory_space<vmem>>
      %dma_start3A_209 = arith.constant 0 : i32
      %dma_start3A_210 = arith.constant 0 : i32
      %dma_start3A_211 = tpu.memref_slice %arg4[%dma_start3A_209, %dma_start3A_210] : memref<10240x128xf32, #tpu.memory_space<hbm>> -> memref<10240x128xf32, #tpu.memory_space<hbm>>
      tpu.enqueue_indirect_dma source(%dma_start3A_211 : memref<10240x128xf32, #tpu.memory_space<hbm>>) target(%dma_start3A_205 : memref<120x128xf32, #tpu.memory_space<vmem>>) offsets(%dma_start3A_208 : memref<120xi32, #tpu.memory_space<vmem>>) semaphore(%arg12 : memref<!tpu.dma_semaphore, #tpu.memory_space<semaphore_mem>>)
      %dma_wait3A_212 = arith.constant 0 : i32
      %dma_wait3A_213 = arith.constant 0 : i32
      %dma_wait3A_214 = arith.constant 0 : i32
      %dma_wait3A_215 = arith.constant 0 : i32
      %dma_wait3A_216 = tpu.memref_slice %arg10[%dma_wait3A_213, %dma_wait3A_214, %dma_wait3A_215] : memref<3x120x128xf32, #tpu.memory_space<vmem>> -> memref<1x120x128xf32, #tpu.memory_space<vmem>>
      %dma_wait3A_217 = tpu.memref_squeeze %dma_wait3A_216 : memref<1x120x128xf32, #tpu.memory_space<vmem>> -> memref<120x128xf32, #tpu.memory_space<vmem>>
      %dma_wait3A_218 = arith.constant 0 : i32
      %dma_wait3A_219 = tpu.memref_slice %arg6[%dma_wait3A_212, %dma_wait3A_218] : memref<3x120xi32, #tpu.memory_space<vmem>> -> memref<1x120xi32, #tpu.memory_space<vmem>>
      %dma_wait3A_220 = tpu.memref_squeeze %dma_wait3A_219 : memref<1x120xi32, #tpu.memory_space<vmem>> -> memref<120xi32, #tpu.memory_space<vmem>>
      %dma_wait3A_221 = arith.constant 0 : i32
      %dma_wait3A_222 = arith.constant 0 : i32
      %dma_wait3A_223 = tpu.memref_slice %arg4[%dma_wait3A_221, %dma_wait3A_222] : memref<10240x128xf32, #tpu.memory_space<hbm>> -> memref<10240x128xf32, #tpu.memory_space<hbm>>
      tpu.wait_indirect_dma semaphore(%arg12 : memref<!tpu.dma_semaphore, #tpu.memory_space<semaphore_mem>>) src(%dma_wait3A_223 : memref<10240x128xf32, #tpu.memory_space<hbm>>) dst(%dma_wait3A_217 : memref<120x128xf32, #tpu.memory_space<vmem>>)
      %dma_start3A_224 = arith.constant 0 : i32
      %dma_start3A_225 = arith.constant 0 : i32
      %dma_start3A_226 = arith.constant 0 : i32
      %dma_start3A_227 = arith.constant 0 : i32
      %dma_start3A_228 = tpu.memref_slice %arg10[%dma_start3A_224, %dma_start3A_226, %dma_start3A_227] : memref<3x120x128xf32, #tpu.memory_space<vmem>> -> memref<1x120x128xf32, #tpu.memory_space<vmem>>
      %dma_start3A_229 = tpu.memref_squeeze %dma_start3A_228 : memref<1x120x128xf32, #tpu.memory_space<vmem>> -> memref<120x128xf32, #tpu.memory_space<vmem>>
      %dma_start3A_230 = arith.constant 0 : i32
      %dma_start3A_231 = tpu.memref_slice %arg9[%dma_start3A_225, %dma_start3A_230] : memref<3x120xi32, #tpu.memory_space<vmem>> -> memref<1x120xi32, #tpu.memory_space<vmem>>
      %dma_start3A_232 = tpu.memref_squeeze %dma_start3A_231 : memref<1x120xi32, #tpu.memory_space<vmem>> -> memref<120xi32, #tpu.memory_space<vmem>>
      %dma_start3A_233 = arith.constant 0 : i32
      %dma_start3A_234 = arith.constant 0 : i32
      %dma_start3A_235 = tpu.memref_slice %arg11[%dma_start3A_233, %dma_start3A_234] : memref<10112x128xf32, #tpu.memory_space<vmem_shared>> -> memref<10112x128xf32, #tpu.memory_space<vmem_shared>>
      tpu.enqueue_indirect_dma source(%dma_start3A_229 : memref<120x128xf32, #tpu.memory_space<vmem>>) target(%dma_start3A_235 : memref<10112x128xf32, #tpu.memory_space<vmem_shared>>) offsets(%dma_start3A_232 : memref<120xi32, #tpu.memory_space<vmem>>) semaphore(%arg13 : memref<!tpu.dma_semaphore, #tpu.memory_space<semaphore_mem>>) {add = true}
      %dma_wait3A_236 = arith.constant 2 : i32
      %dma_wait3A_237 = arith.constant 0 : i32
      %dma_wait3A_238 = arith.constant 0 : i32
      %dma_wait3A_239 = arith.constant 0 : i32
      %dma_wait3A_240 = tpu.memref_slice %arg10[%dma_wait3A_236, %dma_wait3A_238, %dma_wait3A_239] : memref<3x120x128xf32, #tpu.memory_space<vmem>> -> memref<1x120x128xf32, #tpu.memory_space<vmem>>
      %dma_wait3A_241 = tpu.memref_squeeze %dma_wait3A_240 : memref<1x120x128xf32, #tpu.memory_space<vmem>> -> memref<120x128xf32, #tpu.memory_space<vmem>>
      %dma_wait3A_242 = arith.constant 0 : i32
      %dma_wait3A_243 = tpu.memref_slice %arg8[%dma_wait3A_237, %dma_wait3A_242] : memref<3x120xi32, #tpu.memory_space<vmem>> -> memref<1x120xi32, #tpu.memory_space<vmem>>
      %dma_wait3A_244 = tpu.memref_squeeze %dma_wait3A_243 : memref<1x120xi32, #tpu.memory_space<vmem>> -> memref<120xi32, #tpu.memory_space<vmem>>
      %dma_wait3A_245 = arith.constant 0 : i32
      %dma_wait3A_246 = arith.constant 0 : i32
      %dma_wait3A_247 = tpu.memref_slice %arg11[%dma_wait3A_245, %dma_wait3A_246] : memref<10112x128xf32, #tpu.memory_space<vmem_shared>> -> memref<10112x128xf32, #tpu.memory_space<vmem_shared>>
      tpu.wait_indirect_dma semaphore(%arg13 : memref<!tpu.dma_semaphore, #tpu.memory_space<semaphore_mem>>) src(%dma_wait3A_241 : memref<120x128xf32, #tpu.memory_space<vmem>>) dst(%dma_wait3A_247 : memref<10112x128xf32, #tpu.memory_space<vmem_shared>>)
      %dma_start3A_248 = arith.constant 2 : i32
      %dma_start3A_249 = arith.constant 2 : i32
      %dma_start3A_250 = arith.constant 0 : i32
      %dma_start3A_251 = arith.constant 0 : i32
      %dma_start3A_252 = tpu.memref_slice %arg10[%dma_start3A_249, %dma_start3A_250, %dma_start3A_251] : memref<3x120x128xf32, #tpu.memory_space<vmem>> -> memref<1x120x128xf32, #tpu.memory_space<vmem>>
      %dma_start3A_253 = tpu.memref_squeeze %dma_start3A_252 : memref<1x120x128xf32, #tpu.memory_space<vmem>> -> memref<120x128xf32, #tpu.memory_space<vmem>>
      %dma_start3A_254 = arith.constant 0 : i32
      %dma_start3A_255 = tpu.memref_slice %arg7[%dma_start3A_248, %dma_start3A_254] : memref<3x120xi32, #tpu.memory_space<vmem>> -> memref<1x120xi32, #tpu.memory_space<vmem>>
      %dma_start3A_256 = tpu.memref_squeeze %dma_start3A_255 : memref<1x120xi32, #tpu.memory_space<vmem>> -> memref<120xi32, #tpu.memory_space<vmem>>
      %dma_start3A_257 = arith.constant 0 : i32
      %dma_start3A_258 = arith.constant 0 : i32
      %dma_start3A_259 = tpu.memref_slice %arg4[%dma_start3A_257, %dma_start3A_258] : memref<10240x128xf32, #tpu.memory_space<hbm>> -> memref<10240x128xf32, #tpu.memory_space<hbm>>
      tpu.enqueue_indirect_dma source(%dma_start3A_259 : memref<10240x128xf32, #tpu.memory_space<hbm>>) target(%dma_start3A_253 : memref<120x128xf32, #tpu.memory_space<vmem>>) offsets(%dma_start3A_256 : memref<120xi32, #tpu.memory_space<vmem>>) semaphore(%arg12 : memref<!tpu.dma_semaphore, #tpu.memory_space<semaphore_mem>>)
      %add3A_260 = arith.constant 1 : i32
      %add3A_261 = arith.addi %add3A_67, %add3A_260 : i32
      %lt3A = arith.constant 14 : i32
      %lt3A_262 = arith.cmpi slt, %add3A_261, %lt3A : i32
      %convert_element_type3A_263 = arith.extui %lt3A_262 : i1 to i32
      %cond3A_264 = arith.constant 0 : i32
      %cond3A_265 = arith.cmpi ne, %convert_element_type3A_263, %cond3A_264 : i32
      scf.if %cond3A_265 {
        %mul3A_352 = arith.constant 2 : i32
        %mul3A_353 = arith.muli %mul3A_352, %add3A_67 : i32
        %add3A_354 = arith.addi %mul3A_18, %mul3A_353 : i32
        %add3A_355 = arith.constant 2 : i32
        %add3A_356 = arith.addi %add3A_354, %add3A_355 : i32
        "tpu.region"() ({
          %run_scoped3A_362 = tpu.sem_alloc : memref<!tpu.dma_semaphore, #tpu.memory_space<semaphore_mem>>
          %dma_start3A_363 = arith.constant 0 : i32
          %dma_start3A_364 = arith.constant 0 : i32
          %dma_start3A_365 = tpu.memref_slice %arg2[%add3A_356, %dma_start3A_363, %dma_start3A_364] : memref<896x3x120xi32, #tpu.memory_space<hbm>> -> memref<1x3x120xi32, #tpu.memory_space<hbm>>
          %dma_start3A_366 = tpu.memref_squeeze %dma_start3A_365 : memref<1x3x120xi32, #tpu.memory_space<hbm>> -> memref<3x120xi32, #tpu.memory_space<hbm>>
          %dma_start3A_367 = arith.constant 0 : i32
          %dma_start3A_368 = arith.constant 0 : i32
          %dma_start3A_369 = tpu.memref_slice %arg2[%add3A_356, %dma_start3A_367, %dma_start3A_368] : memref<896x3x120xi32, #tpu.memory_space<hbm>> -> memref<1x3x120xi32, #tpu.memory_space<hbm>>
          %dma_start3A_370 = tpu.memref_squeeze %dma_start3A_369 : memref<1x3x120xi32, #tpu.memory_space<hbm>> -> memref<3x120xi32, #tpu.memory_space<hbm>>
          tpu.enqueue_dma source(%dma_start3A_370 : memref<3x120xi32, #tpu.memory_space<hbm>>) target(%arg6 : memref<3x120xi32, #tpu.memory_space<vmem>>) target_semaphore(%run_scoped3A_362 : memref<!tpu.dma_semaphore, #tpu.memory_space<semaphore_mem>>)
          %dma_wait3A_371 = arith.constant 0 : i32
          %dma_wait3A_372 = arith.constant 0 : i32
          %dma_wait3A_373 = tpu.memref_slice %arg2[%add3A_356, %dma_wait3A_371, %dma_wait3A_372] : memref<896x3x120xi32, #tpu.memory_space<hbm>> -> memref<1x3x120xi32, #tpu.memory_space<hbm>>
          %dma_wait3A_374 = tpu.memref_squeeze %dma_wait3A_373 : memref<1x3x120xi32, #tpu.memory_space<hbm>> -> memref<3x120xi32, #tpu.memory_space<hbm>>
          %dma_wait3A_375 = arith.constant 0 : i32
          %dma_wait3A_376 = arith.constant 0 : i32
          %dma_wait3A_377 = tpu.memref_slice %arg2[%add3A_356, %dma_wait3A_375, %dma_wait3A_376] : memref<896x3x120xi32, #tpu.memory_space<hbm>> -> memref<1x3x120xi32, #tpu.memory_space<hbm>>
          %dma_wait3A_378 = tpu.memref_squeeze %dma_wait3A_377 : memref<1x3x120xi32, #tpu.memory_space<hbm>> -> memref<3x120xi32, #tpu.memory_space<hbm>>
          tpu.wait_dma2 semaphore(%run_scoped3A_362 : memref<!tpu.dma_semaphore, #tpu.memory_space<semaphore_mem>>) src(%dma_wait3A_378 : memref<3x120xi32, #tpu.memory_space<hbm>>) dst(%arg6 : memref<3x120xi32, #tpu.memory_space<vmem>>)
          tpu.yield
        }) : () -> ()
        %mul3A_357 = arith.constant 2 : i32
        %mul3A_358 = arith.muli %mul3A_357, %add3A_67 : i32
        %add3A_359 = arith.addi %mul3A_18, %mul3A_358 : i32
        %add3A_360 = arith.constant 2 : i32
        %add3A_361 = arith.addi %add3A_359, %add3A_360 : i32
        "tpu.region"() ({
          %run_scoped3A_362 = tpu.sem_alloc : memref<!tpu.dma_semaphore, #tpu.memory_space<semaphore_mem>>
          %dma_start3A_363 = arith.constant 0 : i32
          %dma_start3A_364 = arith.constant 0 : i32
          %dma_start3A_365 = tpu.memref_slice %arg3[%add3A_361, %dma_start3A_363, %dma_start3A_364] : memref<896x3x120xi32, #tpu.memory_space<hbm>> -> memref<1x3x120xi32, #tpu.memory_space<hbm>>
          %dma_start3A_366 = tpu.memref_squeeze %dma_start3A_365 : memref<1x3x120xi32, #tpu.memory_space<hbm>> -> memref<3x120xi32, #tpu.memory_space<hbm>>
          %dma_start3A_367 = arith.constant 0 : i32
          %dma_start3A_368 = arith.constant 0 : i32
          %dma_start3A_369 = tpu.memref_slice %arg3[%add3A_361, %dma_start3A_367, %dma_start3A_368] : memref<896x3x120xi32, #tpu.memory_space<hbm>> -> memref<1x3x120xi32, #tpu.memory_space<hbm>>
          %dma_start3A_370 = tpu.memref_squeeze %dma_start3A_369 : memref<1x3x120xi32, #tpu.memory_space<hbm>> -> memref<3x120xi32, #tpu.memory_space<hbm>>
          tpu.enqueue_dma source(%dma_start3A_370 : memref<3x120xi32, #tpu.memory_space<hbm>>) target(%arg8 : memref<3x120xi32, #tpu.memory_space<vmem>>) target_semaphore(%run_scoped3A_362 : memref<!tpu.dma_semaphore, #tpu.memory_space<semaphore_mem>>)
          %dma_wait3A_371 = arith.constant 0 : i32
          %dma_wait3A_372 = arith.constant 0 : i32
          %dma_wait3A_373 = tpu.memref_slice %arg3[%add3A_361, %dma_wait3A_371, %dma_wait3A_372] : memref<896x3x120xi32, #tpu.memory_space<hbm>> -> memref<1x3x120xi32, #tpu.memory_space<hbm>>
          %dma_wait3A_374 = tpu.memref_squeeze %dma_wait3A_373 : memref<1x3x120xi32, #tpu.memory_space<hbm>> -> memref<3x120xi32, #tpu.memory_space<hbm>>
          %dma_wait3A_375 = arith.constant 0 : i32
          %dma_wait3A_376 = arith.constant 0 : i32
          %dma_wait3A_377 = tpu.memref_slice %arg3[%add3A_361, %dma_wait3A_375, %dma_wait3A_376] : memref<896x3x120xi32, #tpu.memory_space<hbm>> -> memref<1x3x120xi32, #tpu.memory_space<hbm>>
          %dma_wait3A_378 = tpu.memref_squeeze %dma_wait3A_377 : memref<1x3x120xi32, #tpu.memory_space<hbm>> -> memref<3x120xi32, #tpu.memory_space<hbm>>
          tpu.wait_dma2 semaphore(%run_scoped3A_362 : memref<!tpu.dma_semaphore, #tpu.memory_space<semaphore_mem>>) src(%dma_wait3A_378 : memref<3x120xi32, #tpu.memory_space<hbm>>) dst(%arg8 : memref<3x120xi32, #tpu.memory_space<vmem>>)
          tpu.yield
        }) : () -> ()
      } else {
      }
      %dma_wait3A_266 = arith.constant 0 : i32
      %dma_wait3A_267 = arith.constant 1 : i32
      %dma_wait3A_268 = arith.constant 0 : i32
      %dma_wait3A_269 = arith.constant 0 : i32
      %dma_wait3A_270 = tpu.memref_slice %arg10[%dma_wait3A_267, %dma_wait3A_268, %dma_wait3A_269] : memref<3x120x128xf32, #tpu.memory_space<vmem>> -> memref<1x120x128xf32, #tpu.memory_space<vmem>>
      %dma_wait3A_271 = tpu.memref_squeeze %dma_wait3A_270 : memref<1x120x128xf32, #tpu.memory_space<vmem>> -> memref<120x128xf32, #tpu.memory_space<vmem>>
      %dma_wait3A_272 = arith.constant 0 : i32
      %dma_wait3A_273 = tpu.memref_slice %arg6[%dma_wait3A_266, %dma_wait3A_272] : memref<3x120xi32, #tpu.memory_space<vmem>> -> memref<1x120xi32, #tpu.memory_space<vmem>>
      %dma_wait3A_274 = tpu.memref_squeeze %dma_wait3A_273 : memref<1x120xi32, #tpu.memory_space<vmem>> -> memref<120xi32, #tpu.memory_space<vmem>>
      %dma_wait3A_275 = arith.constant 0 : i32
      %dma_wait3A_276 = arith.constant 0 : i32
      %dma_wait3A_277 = tpu.memref_slice %arg4[%dma_wait3A_275, %dma_wait3A_276] : memref<10240x128xf32, #tpu.memory_space<hbm>> -> memref<10240x128xf32, #tpu.memory_space<hbm>>
      tpu.wait_indirect_dma semaphore(%arg12 : memref<!tpu.dma_semaphore, #tpu.memory_space<semaphore_mem>>) src(%dma_wait3A_277 : memref<10240x128xf32, #tpu.memory_space<hbm>>) dst(%dma_wait3A_271 : memref<120x128xf32, #tpu.memory_space<vmem>>)
      %dma_start3A_278 = arith.constant 1 : i32
      %dma_start3A_279 = arith.constant 1 : i32
      %dma_start3A_280 = arith.constant 0 : i32
      %dma_start3A_281 = arith.constant 0 : i32
      %dma_start3A_282 = tpu.memref_slice %arg10[%dma_start3A_278, %dma_start3A_280, %dma_start3A_281] : memref<3x120x128xf32, #tpu.memory_space<vmem>> -> memref<1x120x128xf32, #tpu.memory_space<vmem>>
      %dma_start3A_283 = tpu.memref_squeeze %dma_start3A_282 : memref<1x120x128xf32, #tpu.memory_space<vmem>> -> memref<120x128xf32, #tpu.memory_space<vmem>>
      %dma_start3A_284 = arith.constant 0 : i32
      %dma_start3A_285 = tpu.memref_slice %arg9[%dma_start3A_279, %dma_start3A_284] : memref<3x120xi32, #tpu.memory_space<vmem>> -> memref<1x120xi32, #tpu.memory_space<vmem>>
      %dma_start3A_286 = tpu.memref_squeeze %dma_start3A_285 : memref<1x120xi32, #tpu.memory_space<vmem>> -> memref<120xi32, #tpu.memory_space<vmem>>
      %dma_start3A_287 = arith.constant 0 : i32
      %dma_start3A_288 = arith.constant 0 : i32
      %dma_start3A_289 = tpu.memref_slice %arg11[%dma_start3A_287, %dma_start3A_288] : memref<10112x128xf32, #tpu.memory_space<vmem_shared>> -> memref<10112x128xf32, #tpu.memory_space<vmem_shared>>
      tpu.enqueue_indirect_dma source(%dma_start3A_283 : memref<120x128xf32, #tpu.memory_space<vmem>>) target(%dma_start3A_289 : memref<10112x128xf32, #tpu.memory_space<vmem_shared>>) offsets(%dma_start3A_286 : memref<120xi32, #tpu.memory_space<vmem>>) semaphore(%arg13 : memref<!tpu.dma_semaphore, #tpu.memory_space<semaphore_mem>>) {add = true}
      %dma_wait3A_290 = arith.constant 0 : i32
      %dma_wait3A_291 = arith.constant 0 : i32
      %dma_wait3A_292 = arith.constant 0 : i32
      %dma_wait3A_293 = arith.constant 0 : i32
      %dma_wait3A_294 = tpu.memref_slice %arg10[%dma_wait3A_290, %dma_wait3A_292, %dma_wait3A_293] : memref<3x120x128xf32, #tpu.memory_space<vmem>> -> memref<1x120x128xf32, #tpu.memory_space<vmem>>
      %dma_wait3A_295 = tpu.memref_squeeze %dma_wait3A_294 : memref<1x120x128xf32, #tpu.memory_space<vmem>> -> memref<120x128xf32, #tpu.memory_space<vmem>>
      %dma_wait3A_296 = arith.constant 0 : i32
      %dma_wait3A_297 = tpu.memref_slice %arg8[%dma_wait3A_291, %dma_wait3A_296] : memref<3x120xi32, #tpu.memory_space<vmem>> -> memref<1x120xi32, #tpu.memory_space<vmem>>
      %dma_wait3A_298 = tpu.memref_squeeze %dma_wait3A_297 : memref<1x120xi32, #tpu.memory_space<vmem>> -> memref<120xi32, #tpu.memory_space<vmem>>
      %dma_wait3A_299 = arith.constant 0 : i32
      %dma_wait3A_300 = arith.constant 0 : i32
      %dma_wait3A_301 = tpu.memref_slice %arg11[%dma_wait3A_299, %dma_wait3A_300] : memref<10112x128xf32, #tpu.memory_space<vmem_shared>> -> memref<10112x128xf32, #tpu.memory_space<vmem_shared>>
      tpu.wait_indirect_dma semaphore(%arg13 : memref<!tpu.dma_semaphore, #tpu.memory_space<semaphore_mem>>) src(%dma_wait3A_295 : memref<120x128xf32, #tpu.memory_space<vmem>>) dst(%dma_wait3A_301 : memref<10112x128xf32, #tpu.memory_space<vmem_shared>>)
      %add3A_302 = arith.constant 1 : i32
      %add3A_303 = arith.addi %add3A_67, %add3A_302 : i32
      %lt3A_304 = arith.constant 14 : i32
      %lt3A_305 = arith.cmpi slt, %add3A_303, %lt3A_304 : i32
      %convert_element_type3A_306 = arith.extui %lt3A_305 : i1 to i32
      %cond3A_307 = arith.constant 0 : i32
      %cond3A_308 = arith.cmpi ne, %convert_element_type3A_306, %cond3A_307 : i32
      scf.if %cond3A_308 {
        %dma_start3A_352 = arith.constant 0 : i32
        %dma_start3A_353 = arith.constant 0 : i32
        %dma_start3A_354 = arith.constant 0 : i32
        %dma_start3A_355 = arith.constant 0 : i32
        %dma_start3A_356 = tpu.memref_slice %arg10[%dma_start3A_353, %dma_start3A_354, %dma_start3A_355] : memref<3x120x128xf32, #tpu.memory_space<vmem>> -> memref<1x120x128xf32, #tpu.memory_space<vmem>>
        %dma_start3A_357 = tpu.memref_squeeze %dma_start3A_356 : memref<1x120x128xf32, #tpu.memory_space<vmem>> -> memref<120x128xf32, #tpu.memory_space<vmem>>
        %dma_start3A_358 = arith.constant 0 : i32
        %dma_start3A_359 = tpu.memref_slice %arg6[%dma_start3A_352, %dma_start3A_358] : memref<3x120xi32, #tpu.memory_space<vmem>> -> memref<1x120xi32, #tpu.memory_space<vmem>>
        %dma_start3A_360 = tpu.memref_squeeze %dma_start3A_359 : memref<1x120xi32, #tpu.memory_space<vmem>> -> memref<120xi32, #tpu.memory_space<vmem>>
        %dma_start3A_361 = arith.constant 0 : i32
        %dma_start3A_362 = arith.constant 0 : i32
        %dma_start3A_363 = tpu.memref_slice %arg4[%dma_start3A_361, %dma_start3A_362] : memref<10240x128xf32, #tpu.memory_space<hbm>> -> memref<10240x128xf32, #tpu.memory_space<hbm>>
        tpu.enqueue_indirect_dma source(%dma_start3A_363 : memref<10240x128xf32, #tpu.memory_space<hbm>>) target(%dma_start3A_357 : memref<120x128xf32, #tpu.memory_space<vmem>>) offsets(%dma_start3A_360 : memref<120xi32, #tpu.memory_space<vmem>>) semaphore(%arg12 : memref<!tpu.dma_semaphore, #tpu.memory_space<semaphore_mem>>)
      } else {
      }
      %dma_wait3A_309 = arith.constant 0 : i32
      %dma_wait3A_310 = arith.constant 2 : i32
      %dma_wait3A_311 = arith.constant 0 : i32
      %dma_wait3A_312 = arith.constant 0 : i32
      %dma_wait3A_313 = tpu.memref_slice %arg10[%dma_wait3A_310, %dma_wait3A_311, %dma_wait3A_312] : memref<3x120x128xf32, #tpu.memory_space<vmem>> -> memref<1x120x128xf32, #tpu.memory_space<vmem>>
      %dma_wait3A_314 = tpu.memref_squeeze %dma_wait3A_313 : memref<1x120x128xf32, #tpu.memory_space<vmem>> -> memref<120x128xf32, #tpu.memory_space<vmem>>
      %dma_wait3A_315 = arith.constant 0 : i32
      %dma_wait3A_316 = tpu.memref_slice %arg6[%dma_wait3A_309, %dma_wait3A_315] : memref<3x120xi32, #tpu.memory_space<vmem>> -> memref<1x120xi32, #tpu.memory_space<vmem>>
      %dma_wait3A_317 = tpu.memref_squeeze %dma_wait3A_316 : memref<1x120xi32, #tpu.memory_space<vmem>> -> memref<120xi32, #tpu.memory_space<vmem>>
      %dma_wait3A_318 = arith.constant 0 : i32
      %dma_wait3A_319 = arith.constant 0 : i32
      %dma_wait3A_320 = tpu.memref_slice %arg4[%dma_wait3A_318, %dma_wait3A_319] : memref<10240x128xf32, #tpu.memory_space<hbm>> -> memref<10240x128xf32, #tpu.memory_space<hbm>>
      tpu.wait_indirect_dma semaphore(%arg12 : memref<!tpu.dma_semaphore, #tpu.memory_space<semaphore_mem>>) src(%dma_wait3A_320 : memref<10240x128xf32, #tpu.memory_space<hbm>>) dst(%dma_wait3A_314 : memref<120x128xf32, #tpu.memory_space<vmem>>)
      %dma_start3A_321 = arith.constant 2 : i32
      %dma_start3A_322 = arith.constant 2 : i32
      %dma_start3A_323 = arith.constant 0 : i32
      %dma_start3A_324 = arith.constant 0 : i32
      %dma_start3A_325 = tpu.memref_slice %arg10[%dma_start3A_321, %dma_start3A_323, %dma_start3A_324] : memref<3x120x128xf32, #tpu.memory_space<vmem>> -> memref<1x120x128xf32, #tpu.memory_space<vmem>>
      %dma_start3A_326 = tpu.memref_squeeze %dma_start3A_325 : memref<1x120x128xf32, #tpu.memory_space<vmem>> -> memref<120x128xf32, #tpu.memory_space<vmem>>
      %dma_start3A_327 = arith.constant 0 : i32
      %dma_start3A_328 = tpu.memref_slice %arg9[%dma_start3A_322, %dma_start3A_327] : memref<3x120xi32, #tpu.memory_space<vmem>> -> memref<1x120xi32, #tpu.memory_space<vmem>>
      %dma_start3A_329 = tpu.memref_squeeze %dma_start3A_328 : memref<1x120xi32, #tpu.memory_space<vmem>> -> memref<120xi32, #tpu.memory_space<vmem>>
      %dma_start3A_330 = arith.constant 0 : i32
      %dma_start3A_331 = arith.constant 0 : i32
      %dma_start3A_332 = tpu.memref_slice %arg11[%dma_start3A_330, %dma_start3A_331] : memref<10112x128xf32, #tpu.memory_space<vmem_shared>> -> memref<10112x128xf32, #tpu.memory_space<vmem_shared>>
      tpu.enqueue_indirect_dma source(%dma_start3A_326 : memref<120x128xf32, #tpu.memory_space<vmem>>) target(%dma_start3A_332 : memref<10112x128xf32, #tpu.memory_space<vmem_shared>>) offsets(%dma_start3A_329 : memref<120xi32, #tpu.memory_space<vmem>>) semaphore(%arg13 : memref<!tpu.dma_semaphore, #tpu.memory_space<semaphore_mem>>) {add = true}
      %dma_wait3A_333 = arith.constant 1 : i32
      %dma_wait3A_334 = arith.constant 0 : i32
      %dma_wait3A_335 = arith.constant 0 : i32
      %dma_wait3A_336 = arith.constant 0 : i32
      %dma_wait3A_337 = tpu.memref_slice %arg10[%dma_wait3A_333, %dma_wait3A_335, %dma_wait3A_336] : memref<3x120x128xf32, #tpu.memory_space<vmem>> -> memref<1x120x128xf32, #tpu.memory_space<vmem>>
      %dma_wait3A_338 = tpu.memref_squeeze %dma_wait3A_337 : memref<1x120x128xf32, #tpu.memory_space<vmem>> -> memref<120x128xf32, #tpu.memory_space<vmem>>
      %dma_wait3A_339 = arith.constant 0 : i32
      %dma_wait3A_340 = tpu.memref_slice %arg8[%dma_wait3A_334, %dma_wait3A_339] : memref<3x120xi32, #tpu.memory_space<vmem>> -> memref<1x120xi32, #tpu.memory_space<vmem>>
      %dma_wait3A_341 = tpu.memref_squeeze %dma_wait3A_340 : memref<1x120xi32, #tpu.memory_space<vmem>> -> memref<120xi32, #tpu.memory_space<vmem>>
      %dma_wait3A_342 = arith.constant 0 : i32
      %dma_wait3A_343 = arith.constant 0 : i32
      %dma_wait3A_344 = tpu.memref_slice %arg11[%dma_wait3A_342, %dma_wait3A_343] : memref<10112x128xf32, #tpu.memory_space<vmem_shared>> -> memref<10112x128xf32, #tpu.memory_space<vmem_shared>>
      tpu.wait_indirect_dma semaphore(%arg13 : memref<!tpu.dma_semaphore, #tpu.memory_space<semaphore_mem>>) src(%dma_wait3A_338 : memref<120x128xf32, #tpu.memory_space<vmem>>) dst(%dma_wait3A_344 : memref<10112x128xf32, #tpu.memory_space<vmem_shared>>)
      %add3A_345 = arith.constant 1 : i32
      %add3A_346 = arith.addi %add3A_67, %add3A_345 : i32
      %lt3A_347 = arith.constant 14 : i32
      %lt3A_348 = arith.cmpi slt, %add3A_346, %lt3A_347 : i32
      %convert_element_type3A_349 = arith.extui %lt3A_348 : i1 to i32
      %cond3A_350 = arith.constant 0 : i32
      %cond3A_351 = arith.cmpi ne, %convert_element_type3A_349, %cond3A_350 : i32
      scf.if %cond3A_351 {
        %dma_start3A_352 = arith.constant 1 : i32
        %dma_start3A_353 = arith.constant 1 : i32
        %dma_start3A_354 = arith.constant 0 : i32
        %dma_start3A_355 = arith.constant 0 : i32
        %dma_start3A_356 = tpu.memref_slice %arg10[%dma_start3A_353, %dma_start3A_354, %dma_start3A_355] : memref<3x120x128xf32, #tpu.memory_space<vmem>> -> memref<1x120x128xf32, #tpu.memory_space<vmem>>
        %dma_start3A_357 = tpu.memref_squeeze %dma_start3A_356 : memref<1x120x128xf32, #tpu.memory_space<vmem>> -> memref<120x128xf32, #tpu.memory_space<vmem>>
        %dma_start3A_358 = arith.constant 0 : i32
        %dma_start3A_359 = tpu.memref_slice %arg6[%dma_start3A_352, %dma_start3A_358] : memref<3x120xi32, #tpu.memory_space<vmem>> -> memref<1x120xi32, #tpu.memory_space<vmem>>
        %dma_start3A_360 = tpu.memref_squeeze %dma_start3A_359 : memref<1x120xi32, #tpu.memory_space<vmem>> -> memref<120xi32, #tpu.memory_space<vmem>>
        %dma_start3A_361 = arith.constant 0 : i32
        %dma_start3A_362 = arith.constant 0 : i32
        %dma_start3A_363 = tpu.memref_slice %arg4[%dma_start3A_361, %dma_start3A_362] : memref<10240x128xf32, #tpu.memory_space<hbm>> -> memref<10240x128xf32, #tpu.memory_space<hbm>>
        tpu.enqueue_indirect_dma source(%dma_start3A_363 : memref<10240x128xf32, #tpu.memory_space<hbm>>) target(%dma_start3A_357 : memref<120x128xf32, #tpu.memory_space<vmem>>) offsets(%dma_start3A_360 : memref<120xi32, #tpu.memory_space<vmem>>) semaphore(%arg12 : memref<!tpu.dma_semaphore, #tpu.memory_space<semaphore_mem>>)
      } else {
      }
    }
    %scan3A_46 = arith.constant 14 : i32
    %dma_wait3A = arith.constant 2 : i32
    %dma_wait3A_47 = arith.constant 0 : i32
    %dma_wait3A_48 = arith.constant 0 : i32
    %dma_wait3A_49 = arith.constant 0 : i32
    %dma_wait3A_50 = tpu.memref_slice %arg10[%dma_wait3A, %dma_wait3A_48, %dma_wait3A_49] : memref<3x120x128xf32, #tpu.memory_space<vmem>> -> memref<1x120x128xf32, #tpu.memory_space<vmem>>
    %dma_wait3A_51 = tpu.memref_squeeze %dma_wait3A_50 : memref<1x120x128xf32, #tpu.memory_space<vmem>> -> memref<120x128xf32, #tpu.memory_space<vmem>>
    %dma_wait3A_52 = arith.constant 0 : i32
    %dma_wait3A_53 = tpu.memref_slice %arg8[%dma_wait3A_47, %dma_wait3A_52] : memref<3x120xi32, #tpu.memory_space<vmem>> -> memref<1x120xi32, #tpu.memory_space<vmem>>
    %dma_wait3A_54 = tpu.memref_squeeze %dma_wait3A_53 : memref<1x120xi32, #tpu.memory_space<vmem>> -> memref<120xi32, #tpu.memory_space<vmem>>
    %dma_wait3A_55 = arith.constant 0 : i32
    %dma_wait3A_56 = arith.constant 0 : i32
    %dma_wait3A_57 = tpu.memref_slice %arg11[%dma_wait3A_55, %dma_wait3A_56] : memref<10112x128xf32, #tpu.memory_space<vmem_shared>> -> memref<10112x128xf32, #tpu.memory_space<vmem_shared>>
    tpu.wait_indirect_dma semaphore(%arg13 : memref<!tpu.dma_semaphore, #tpu.memory_space<semaphore_mem>>) src(%dma_wait3A_51 : memref<120x128xf32, #tpu.memory_space<vmem>>) dst(%dma_wait3A_57 : memref<10112x128xf32, #tpu.memory_space<vmem_shared>>)
    %barrier3A_58 = arith.constant 0 : index
    tpu.barrier barrier_id(%barrier3A_58)
    %mul3A_59 = arith.constant 632 : i32
    %mul3A_60 = arith.muli %arg1, %mul3A_59 : i32
    %mul3A_61 = arith.constant 632 : i32
    %mul3A_62 = arith.muli %arg1, %mul3A_61 : i32
    "tpu.region"() ({
      %run_scoped3A_63 = tpu.sem_alloc : memref<!tpu.dma_semaphore, #tpu.memory_space<semaphore_mem>>
      %dma_start3A_64 = arith.constant 0 : i32
      %dma_start3A_65 = arith.constant 0 : i32
      %dma_start3A_66 = tpu.memref_slice %arg5[%arg0, %dma_start3A_64, %dma_start3A_65] : memref<2x10240x128xf32, #tpu.memory_space<hbm>> -> memref<1x10240x128xf32, #tpu.memory_space<hbm>>
      %dma_start3A_67 = tpu.memref_squeeze %dma_start3A_66 : memref<1x10240x128xf32, #tpu.memory_space<hbm>> -> memref<10240x128xf32, #tpu.memory_space<hbm>>
      %dma_start3A_68 = arith.constant 0 : i32
      %dma_start3A_69 = tpu.memref_slice %dma_start3A_67[%mul3A_62, %dma_start3A_68] : memref<10240x128xf32, #tpu.memory_space<hbm>> -> memref<632x128xf32, #tpu.memory_space<hbm>>
      %dma_start3A_70 = arith.constant 0 : i32
      %dma_start3A_71 = tpu.memref_slice %arg11[%mul3A_60, %dma_start3A_70] : memref<10112x128xf32, #tpu.memory_space<vmem_shared>> -> memref<632x128xf32, #tpu.memory_space<vmem_shared>>
      tpu.enqueue_dma source(%dma_start3A_71 : memref<632x128xf32, #tpu.memory_space<vmem_shared>>) target(%dma_start3A_69 : memref<632x128xf32, #tpu.memory_space<hbm>>) target_semaphore(%run_scoped3A_63 : memref<!tpu.dma_semaphore, #tpu.memory_space<semaphore_mem>>)
      %dma_wait3A_72 = arith.constant 0 : i32
      %dma_wait3A_73 = arith.constant 0 : i32
      %dma_wait3A_74 = tpu.memref_slice %arg5[%arg0, %dma_wait3A_72, %dma_wait3A_73] : memref<2x10240x128xf32, #tpu.memory_space<hbm>> -> memref<1x10240x128xf32, #tpu.memory_space<hbm>>
      %dma_wait3A_75 = tpu.memref_squeeze %dma_wait3A_74 : memref<1x10240x128xf32, #tpu.memory_space<hbm>> -> memref<10240x128xf32, #tpu.memory_space<hbm>>
      %dma_wait3A_76 = arith.constant 0 : i32
      %dma_wait3A_77 = tpu.memref_slice %dma_wait3A_75[%mul3A_62, %dma_wait3A_76] : memref<10240x128xf32, #tpu.memory_space<hbm>> -> memref<632x128xf32, #tpu.memory_space<hbm>>
      %dma_wait3A_78 = arith.constant 0 : i32
      %dma_wait3A_79 = tpu.memref_slice %arg11[%mul3A_60, %dma_wait3A_78] : memref<10112x128xf32, #tpu.memory_space<vmem_shared>> -> memref<632x128xf32, #tpu.memory_space<vmem_shared>>
      tpu.wait_dma2 semaphore(%run_scoped3A_63 : memref<!tpu.dma_semaphore, #tpu.memory_space<semaphore_mem>>) src(%dma_wait3A_79 : memref<632x128xf32, #tpu.memory_space<vmem_shared>>) dst(%dma_wait3A_77 : memref<632x128xf32, #tpu.memory_space<hbm>>)
      tpu.yield
    }) : () -> ()
    return
  }
}

#map = affine_map<(d0, d1) -> (0, 0)>
module attributes {stable_mosaic.version = 14 : i64} {
  func.func @k(%arg0: i32, %arg1: i32, %arg2: memref<2560x128xi32, #tpu.memory_space<hbm>>, %arg3: memref<32x10240xf32, #tpu.memory_space<hbm>>, %arg4: memref<10240xf32, #tpu.memory_space<vmem>>, %arg5: memref<16x128xi32, #tpu.memory_space<vmem>>) attributes {dimension_semantics = [#tpu.dimension_semantics<core_parallel>, #tpu.dimension_semantics<subcore_parallel>], iteration_bounds = array<i64: 2, 16>, scalar_prefetch = 0 : i64, scratch_operands = 2 : i64, tpu.core_type = #tpu.core_type<sc_vector_subcore>, window_params = [{transform_indices = #map}, {transform_indices = #map}]} {
    %mul3A = arith.constant 2 : i32
    %mul3A_0 = arith.muli %arg1, %mul3A : i32
    %add3A = arith.addi %mul3A_0, %arg0 : i32
    %broadcast_in_dim3A = arith.constant 0.000000e+00 : f32
    %broadcast_in_dim3A_1 = vector.broadcast %broadcast_in_dim3A : f32 to vector<16xf32>
    %broadcast_in_dim3A_2 = arith.constant 1.000000e+00 : f32
    %broadcast_in_dim3A_3 = vector.broadcast %broadcast_in_dim3A_2 : f32 to vector<16xf32>
    %scan3A = arith.constant 0 : i32
    %scan3A_4 = arith.constant 640 : i32
    %scan3A_5 = arith.addi %scan3A, %scan3A_4 : i32
    %scan3A_6 = arith.constant 1 : i32
    scf.for %scan3A_15 = %scan3A to %scan3A_5 step %scan3A_6  : i32 {
      %mul3A_16 = arith.constant 1 : i32
      %mul3A_17 = arith.muli %scan3A_15, %mul3A_16 : i32
      %add3A_18 = arith.constant 0 : i32
      %add3A_19 = arith.addi %add3A_18, %mul3A_17 : i32
      %mul3A_20 = arith.constant 16 : i32
      %mul3A_21 = arith.muli %add3A_19, %mul3A_20 : i32
      %swap3A = arith.index_cast %mul3A_21 : i32 to index
      %swap3A_22 = tpu.vector_load %arg4[%swap3A] {strides = array<i32>} : memref<10240xf32, #tpu.memory_space<vmem>>, vector<16xf32>,
      tpu.vector_store %arg4[%swap3A], %broadcast_in_dim3A_1 {strides = array<i32>} : memref<10240xf32, #tpu.memory_space<vmem>>, vector<16xf32>,
    }
    %scan3A_7 = arith.constant 640 : i32
    %mul3A_8 = arith.constant 80 : i32
    %mul3A_9 = arith.muli %add3A, %mul3A_8 : i32
    %scan3A_10 = arith.constant 0 : i32
    %scan3A_11 = arith.constant 5 : i32
    %scan3A_12 = arith.addi %scan3A_10, %scan3A_11 : i32
    %scan3A_13 = arith.constant 1 : i32
    scf.for %scan3A_15 = %scan3A_10 to %scan3A_12 step %scan3A_13  : i32 {
      %mul3A_16 = arith.constant 1 : i32
      %mul3A_17 = arith.muli %scan3A_15, %mul3A_16 : i32
      %add3A_18 = arith.constant 0 : i32
      %add3A_19 = arith.addi %add3A_18, %mul3A_17 : i32
      %mul3A_20 = arith.constant 16 : i32
      %mul3A_21 = arith.muli %add3A_19, %mul3A_20 : i32
      %add3A_22 = arith.addi %mul3A_9, %mul3A_21 : i32
      "tpu.region"() ({
        %run_scoped3A = tpu.sem_alloc : memref<!tpu.dma_semaphore, #tpu.memory_space<semaphore_mem>>
        %dma_start3A = arith.constant 0 : i32
        %dma_start3A_28 = tpu.memref_slice %arg2[%add3A_22, %dma_start3A] : memref<2560x128xi32, #tpu.memory_space<hbm>> -> memref<16x128xi32, #tpu.memory_space<hbm>>
        %dma_start3A_29 = arith.constant 0 : i32
        %dma_start3A_30 = tpu.memref_slice %arg2[%add3A_22, %dma_start3A_29] : memref<2560x128xi32, #tpu.memory_space<hbm>> -> memref<16x128xi32, #tpu.memory_space<hbm>>
        tpu.enqueue_dma source(%dma_start3A_30 : memref<16x128xi32, #tpu.memory_space<hbm>>) target(%arg5 : memref<16x128xi32, #tpu.memory_space<vmem>>) target_semaphore(%run_scoped3A : memref<!tpu.dma_semaphore, #tpu.memory_space<semaphore_mem>>)
        %dma_wait3A = arith.constant 0 : i32
        %dma_wait3A_31 = tpu.memref_slice %arg2[%add3A_22, %dma_wait3A] : memref<2560x128xi32, #tpu.memory_space<hbm>> -> memref<16x128xi32, #tpu.memory_space<hbm>>
        %dma_wait3A_32 = arith.constant 0 : i32
        %dma_wait3A_33 = tpu.memref_slice %arg2[%add3A_22, %dma_wait3A_32] : memref<2560x128xi32, #tpu.memory_space<hbm>> -> memref<16x128xi32, #tpu.memory_space<hbm>>
        tpu.wait_dma2 semaphore(%run_scoped3A : memref<!tpu.dma_semaphore, #tpu.memory_space<semaphore_mem>>) src(%dma_wait3A_33 : memref<16x128xi32, #tpu.memory_space<hbm>>) dst(%arg5 : memref<16x128xi32, #tpu.memory_space<vmem>>)
        tpu.yield
      }) : () -> ()
      %scan3A_23 = arith.constant 0 : i32
      %scan3A_24 = arith.constant 16 : i32
      %scan3A_25 = arith.addi %scan3A_23, %scan3A_24 : i32
      %scan3A_26 = arith.constant 1 : i32
      scf.for %scan3A_28 = %scan3A_23 to %scan3A_25 step %scan3A_26  : i32 {
        %mul3A_29 = arith.constant 1 : i32
        %mul3A_30 = arith.muli %scan3A_28, %mul3A_29 : i32
        %add3A_31 = arith.constant 0 : i32
        %add3A_32 = arith.addi %add3A_31, %mul3A_30 : i32
        %scan3A_33 = arith.constant 0 : i32
        %scan3A_34 = arith.constant 8 : i32
        %scan3A_35 = arith.addi %scan3A_33, %scan3A_34 : i32
        %scan3A_36 = arith.constant 1 : i32
        scf.for %scan3A_38 = %scan3A_33 to %scan3A_35 step %scan3A_36  : i32 {
          %mul3A_39 = arith.constant 1 : i32
          %mul3A_40 = arith.muli %scan3A_38, %mul3A_39 : i32
          %add3A_41 = arith.constant 0 : i32
          %add3A_42 = arith.addi %add3A_41, %mul3A_40 : i32
          %mul3A_43 = arith.constant 16 : i32
          %mul3A_44 = arith.muli %add3A_42, %mul3A_43 : i32
          %get3A = arith.index_cast %add3A_32 : i32 to index
          %get3A_45 = arith.index_cast %mul3A_44 : i32 to index
          %get3A_46 = tpu.vector_load %arg5[%get3A, %get3A_45] {strides = array<i32>} : memref<16x128xi32, #tpu.memory_space<vmem>>, vector<16xi32>,
          tpu.vector_store_idx %arg4[%get3A_46], %broadcast_in_dim3A_3 {add = true} : memref<10240xf32, #tpu.memory_space<vmem>>[vector<16xi32>], vector<16xf32>,
        }
        %scan3A_37 = arith.constant 8 : i32
      }
      %scan3A_27 = arith.constant 16 : i32
    }
    %scan3A_14 = arith.constant 5 : i32
    "tpu.region"() ({
      %run_scoped3A = tpu.sem_alloc : memref<!tpu.dma_semaphore, #tpu.memory_space<semaphore_mem>>
      %dma_start3A = arith.constant 0 : i32
      %dma_start3A_15 = tpu.memref_slice %arg3[%add3A, %dma_start3A] : memref<32x10240xf32, #tpu.memory_space<hbm>> -> memref<1x10240xf32, #tpu.memory_space<hbm>>
      %dma_start3A_16 = tpu.memref_squeeze %dma_start3A_15 : memref<1x10240xf32, #tpu.memory_space<hbm>> -> memref<10240xf32, #tpu.memory_space<hbm>>
      %dma_start3A_17 = arith.constant 0 : i32
      %dma_start3A_18 = tpu.memref_slice %arg3[%add3A, %dma_start3A_17] : memref<32x10240xf32, #tpu.memory_space<hbm>> -> memref<1x10240xf32, #tpu.memory_space<hbm>>
      %dma_start3A_19 = tpu.memref_squeeze %dma_start3A_18 : memref<1x10240xf32, #tpu.memory_space<hbm>> -> memref<10240xf32, #tpu.memory_space<hbm>>
      tpu.enqueue_dma source(%arg4 : memref<10240xf32, #tpu.memory_space<vmem>>) target(%dma_start3A_19 : memref<10240xf32, #tpu.memory_space<hbm>>) target_semaphore(%run_scoped3A : memref<!tpu.dma_semaphore, #tpu.memory_space<semaphore_mem>>)
      %dma_wait3A = arith.constant 0 : i32
      %dma_wait3A_20 = tpu.memref_slice %arg3[%add3A, %dma_wait3A] : memref<32x10240xf32, #tpu.memory_space<hbm>> -> memref<1x10240xf32, #tpu.memory_space<hbm>>
      %dma_wait3A_21 = tpu.memref_squeeze %dma_wait3A_20 : memref<1x10240xf32, #tpu.memory_space<hbm>> -> memref<10240xf32, #tpu.memory_space<hbm>>
      %dma_wait3A_22 = arith.constant 0 : i32
      %dma_wait3A_23 = tpu.memref_slice %arg3[%add3A, %dma_wait3A_22] : memref<32x10240xf32, #tpu.memory_space<hbm>> -> memref<1x10240xf32, #tpu.memory_space<hbm>>
      %dma_wait3A_24 = tpu.memref_squeeze %dma_wait3A_23 : memref<1x10240xf32, #tpu.memory_space<hbm>> -> memref<10240xf32, #tpu.memory_space<hbm>>
      tpu.wait_dma2 semaphore(%run_scoped3A : memref<!tpu.dma_semaphore, #tpu.memory_space<semaphore_mem>>) src(%arg4 : memref<10240xf32, #tpu.memory_space<vmem>>) dst(%dma_wait3A_24 : memref<10240xf32, #tpu.memory_space<hbm>>)
      tpu.yield
    }) : () -> ()
    return
  }
}

#map = affine_map<(d0, d1) -> (0, 0, 0)>
#map1 = affine_map<(d0, d1) -> (0, 0)>
module attributes {stable_mosaic.version = 14 : i64} {
  func.func @k(%arg0: i32, %arg1: i32, %arg2: memref<896x3x120xi32, #tpu.memory_space<hbm>>, %arg3: memref<896x3x120xi32, #tpu.memory_space<hbm>>, %arg4: memref<10240x128xf32, #tpu.memory_space<hbm>>, %arg5: memref<2x10240x128xf32, #tpu.memory_space<hbm>>, %arg6: memref<3x120xi32, #tpu.memory_space<vmem>>, %arg7: memref<3x120xi32, #tpu.memory_space<vmem>>, %arg8: memref<3x120xi32, #tpu.memory_space<vmem>>, %arg9: memref<3x120xi32, #tpu.memory_space<vmem>>, %arg10: memref<3x120x128xf32, #tpu.memory_space<vmem>>, %arg11: memref<10112x128xf32, #tpu.memory_space<vmem_shared>>, %arg12: memref<!tpu.dma_semaphore, #tpu.memory_space<semaphore_mem>>, %arg13: memref<!tpu.dma_semaphore, #tpu.memory_space<semaphore_mem>>) attributes {dimension_semantics = [#tpu.dimension_semantics<core_parallel>, #tpu.dimension_semantics<subcore_parallel>], iteration_bounds = array<i64: 2, 16>, scalar_prefetch = 0 : i64, scratch_operands = 8 : i64, tpu.core_type = #tpu.core_type<sc_vector_subcore>, window_params = [{transform_indices = #map}, {transform_indices = #map}, {transform_indices = #map1}, {transform_indices = #map}]} {
    %broadcast_in_dim3A = arith.constant 0.000000e+00 : f32
    %broadcast_in_dim3A_0 = vector.broadcast %broadcast_in_dim3A : f32 to vector<16xf32>
    %scan3A = arith.constant 0 : i32
    %scan3A_1 = arith.constant 0 : i32
    %scan3A_2 = arith.constant 120 : i32
    %scan3A_3 = arith.addi %scan3A_1, %scan3A_2 : i32
    %scan3A_4 = arith.constant 1 : i32
    scf.for %scan3A_63 = %scan3A_1 to %scan3A_3 step %scan3A_4  : i32 {
      %mul3A_64 = arith.constant 1 : i32
      %mul3A_65 = arith.muli %scan3A_63, %mul3A_64 : i32
      %add3A_66 = arith.constant 0 : i32
      %add3A_67 = arith.addi %add3A_66, %mul3A_65 : i32
      %scan3A_68 = arith.constant 0 : i32
      %scan3A_69 = arith.constant 8 : i32
      %scan3A_70 = arith.addi %scan3A_68, %scan3A_69 : i32
      %scan3A_71 = arith.constant 1 : i32
      scf.for %scan3A_73 = %scan3A_68 to %scan3A_70 step %scan3A_71  : i32 {
        %mul3A_74 = arith.constant 1 : i32
        %mul3A_75 = arith.muli %scan3A_73, %mul3A_74 : i32
        %add3A_76 = arith.constant 0 : i32
        %add3A_77 = arith.addi %add3A_76, %mul3A_75 : i32
        %mul3A_78 = arith.constant 16 : i32
        %mul3A_79 = arith.muli %add3A_77, %mul3A_78 : i32
        %swap3A = arith.constant 0 : i32
        %swap3A_80 = arith.constant 0 : i32
        %swap3A_81 = tpu.memref_slice %arg10[%scan3A, %swap3A, %swap3A_80] : memref<3x120x128xf32, #tpu.memory_space<vmem>> -> memref<1x120x128xf32, #tpu.memory_space<vmem>>
        %swap3A_82 = tpu.memref_squeeze %swap3A_81 : memref<1x120x128xf32, #tpu.memory_space<vmem>> -> memref<120x128xf32, #tpu.memory_space<vmem>>
        %swap3A_83 = arith.index_cast %add3A_67 : i32 to index
        %swap3A_84 = arith.index_cast %mul3A_79 : i32 to index
        %swap3A_85 = tpu.vector_load %swap3A_82[%swap3A_83, %swap3A_84] {strides = array<i32>} : memref<120x128xf32, #tpu.memory_space<vmem>>, vector<1x16xf32>,
        %swap3A_86 = vector.shape_cast %swap3A_85 : vector<1x16xf32> to vector<16xf32>
        %swap3A_87 = vector.shape_cast %broadcast_in_dim3A_0 : vector<16xf32> to vector<1x16xf32>
        tpu.vector_store %swap3A_82[%swap3A_83, %swap3A_84], %swap3A_87 {strides = array<i32>} : memref<120x128xf32, #tpu.memory_space<vmem>>, vector<1x16xf32>,
      }
      %scan3A_72 = arith.constant 8 : i32
    }
    %scan3A_5 = arith.constant 120 : i32
    %scan3A_6 = arith.constant 0 : i32
    %scan3A_7 = arith.constant 0 : i32
    %scan3A_8 = arith.constant 5 : i32
    %scan3A_9 = arith.addi %scan3A_7, %scan3A_8 : i32
    %scan3A_10 = arith.constant 1 : i32
    scf.for %scan3A_63 = %scan3A_7 to %scan3A_9 step %scan3A_10  : i32 {
      %mul3A_64 = arith.constant 1 : i32
      %mul3A_65 = arith.muli %scan3A_63, %mul3A_64 : i32
      %add3A_66 = arith.constant 0 : i32
      %add3A_67 = arith.addi %add3A_66, %mul3A_65 : i32
      %mul3A_68 = arith.constant 632 : i32
      %mul3A_69 = arith.muli %arg1, %mul3A_68 : i32
      %mul3A_70 = arith.constant 120 : i32
      %mul3A_71 = arith.muli %add3A_67, %mul3A_70 : i32
      %add3A_72 = arith.addi %mul3A_69, %mul3A_71 : i32
      "tpu.region"() ({
        %run_scoped3A_73 = tpu.sem_alloc : memref<!tpu.dma_semaphore, #tpu.memory_space<semaphore_mem>>
        %dma_start3A_74 = arith.constant 0 : i32
        %dma_start3A_75 = arith.constant 0 : i32
        %dma_start3A_76 = tpu.memref_slice %arg10[%scan3A_6, %dma_start3A_74, %dma_start3A_75] : memref<3x120x128xf32, #tpu.memory_space<vmem>> -> memref<1x120x128xf32, #tpu.memory_space<vmem>>
        %dma_start3A_77 = tpu.memref_squeeze %dma_start3A_76 : memref<1x120x128xf32, #tpu.memory_space<vmem>> -> memref<120x128xf32, #tpu.memory_space<vmem>>
        %dma_start3A_78 = arith.constant 0 : i32
        %dma_start3A_79 = tpu.memref_slice %arg11[%add3A_72, %dma_start3A_78] : memref<10112x128xf32, #tpu.memory_space<vmem_shared>> -> memref<120x128xf32, #tpu.memory_space<vmem_shared>>
        %dma_start3A_80 = arith.constant 0 : i32
        %dma_start3A_81 = tpu.memref_slice %arg11[%add3A_72, %dma_start3A_80] : memref<10112x128xf32, #tpu.memory_space<vmem_shared>> -> memref<120x128xf32, #tpu.memory_space<vmem_shared>>
        %dma_start3A_82 = arith.constant 0 : i32
        %dma_start3A_83 = arith.constant 0 : i32
        %dma_start3A_84 = tpu.memref_slice %arg10[%scan3A_6, %dma_start3A_82, %dma_start3A_83] : memref<3x120x128xf32, #tpu.memory_space<vmem>> -> memref<1x120x128xf32, #tpu.memory_space<vmem>>
        %dma_start3A_85 = tpu.memref_squeeze %dma_start3A_84 : memref<1x120x128xf32, #tpu.memory_space<vmem>> -> memref<120x128xf32, #tpu.memory_space<vmem>>
        tpu.enqueue_dma source(%dma_start3A_85 : memref<120x128xf32, #tpu.memory_space<vmem>>) target(%dma_start3A_81 : memref<120x128xf32, #tpu.memory_space<vmem_shared>>) target_semaphore(%run_scoped3A_73 : memref<!tpu.dma_semaphore, #tpu.memory_space<semaphore_mem>>)
        %dma_wait3A_86 = arith.constant 0 : i32
        %dma_wait3A_87 = arith.constant 0 : i32
        %dma_wait3A_88 = tpu.memref_slice %arg10[%scan3A_6, %dma_wait3A_86, %dma_wait3A_87] : memref<3x120x128xf32, #tpu.memory_space<vmem>> -> memref<1x120x128xf32, #tpu.memory_space<vmem>>
        %dma_wait3A_89 = tpu.memref_squeeze %dma_wait3A_88 : memref<1x120x128xf32, #tpu.memory_space<vmem>> -> memref<120x128xf32, #tpu.memory_space<vmem>>
        %dma_wait3A_90 = arith.constant 0 : i32
        %dma_wait3A_91 = tpu.memref_slice %arg11[%add3A_72, %dma_wait3A_90] : memref<10112x128xf32, #tpu.memory_space<vmem_shared>> -> memref<120x128xf32, #tpu.memory_space<vmem_shared>>
        %dma_wait3A_92 = arith.constant 0 : i32
        %dma_wait3A_93 = tpu.memref_slice %arg11[%add3A_72, %dma_wait3A_92] : memref<10112x128xf32, #tpu.memory_space<vmem_shared>> -> memref<120x128xf32, #tpu.memory_space<vmem_shared>>
        %dma_wait3A_94 = arith.constant 0 : i32
        %dma_wait3A_95 = arith.constant 0 : i32
        %dma_wait3A_96 = tpu.memref_slice %arg10[%scan3A_6, %dma_wait3A_94, %dma_wait3A_95] : memref<3x120x128xf32, #tpu.memory_space<vmem>> -> memref<1x120x128xf32, #tpu.memory_space<vmem>>
        %dma_wait3A_97 = tpu.memref_squeeze %dma_wait3A_96 : memref<1x120x128xf32, #tpu.memory_space<vmem>> -> memref<120x128xf32, #tpu.memory_space<vmem>>
        tpu.wait_dma2 semaphore(%run_scoped3A_73 : memref<!tpu.dma_semaphore, #tpu.memory_space<semaphore_mem>>) src(%dma_wait3A_97 : memref<120x128xf32, #tpu.memory_space<vmem>>) dst(%dma_wait3A_93 : memref<120x128xf32, #tpu.memory_space<vmem_shared>>)
        tpu.yield
      }) : () -> ()
    }
    %scan3A_11 = arith.constant 5 : i32
    %mul3A = arith.constant 632 : i32
    %mul3A_12 = arith.muli %arg1, %mul3A : i32
    %add3A = arith.constant 600 : i32
    %add3A_13 = arith.addi %mul3A_12, %add3A : i32
    %run_scoped3A = arith.constant 0 : i32
    "tpu.region"() ({
      %run_scoped3A_63 = tpu.sem_alloc : memref<!tpu.dma_semaphore, #tpu.memory_space<semaphore_mem>>
      %dma_start3A_64 = arith.constant 0 : i32
      %dma_start3A_65 = arith.constant 0 : i32
      %dma_start3A_66 = tpu.memref_slice %arg10[%run_scoped3A, %dma_start3A_64, %dma_start3A_65] : memref<3x120x128xf32, #tpu.memory_space<vmem>> -> memref<1x120x128xf32, #tpu.memory_space<vmem>>
      %dma_start3A_67 = tpu.memref_squeeze %dma_start3A_66 : memref<1x120x128xf32, #tpu.memory_space<vmem>> -> memref<120x128xf32, #tpu.memory_space<vmem>>
      %dma_start3A_68 = arith.constant 0 : i32
      %dma_start3A_69 = arith.constant 0 : i32
      %dma_start3A_70 = tpu.memref_slice %dma_start3A_67[%dma_start3A_68, %dma_start3A_69] : memref<120x128xf32, #tpu.memory_space<vmem>> -> memref<32x128xf32, #tpu.memory_space<vmem>>
      %dma_start3A_71 = arith.constant 0 : i32
      %dma_start3A_72 = tpu.memref_slice %arg11[%add3A_13, %dma_start3A_71] : memref<10112x128xf32, #tpu.memory_space<vmem_shared>> -> memref<32x128xf32, #tpu.memory_space<vmem_shared>>
      %dma_start3A_73 = arith.constant 0 : i32
      %dma_start3A_74 = tpu.memref_slice %arg11[%add3A_13, %dma_start3A_73] : memref<10112x128xf32, #tpu.memory_space<vmem_shared>> -> memref<32x128xf32, #tpu.memory_space<vmem_shared>>
      %dma_start3A_75 = arith.constant 0 : i32
      %dma_start3A_76 = arith.constant 0 : i32
      %dma_start3A_77 = tpu.memref_slice %arg10[%run_scoped3A, %dma_start3A_75, %dma_start3A_76] : memref<3x120x128xf32, #tpu.memory_space<vmem>> -> memref<1x120x128xf32, #tpu.memory_space<vmem>>
      %dma_start3A_78 = tpu.memref_squeeze %dma_start3A_77 : memref<1x120x128xf32, #tpu.memory_space<vmem>> -> memref<120x128xf32, #tpu.memory_space<vmem>>
      %dma_start3A_79 = arith.constant 0 : i32
      %dma_start3A_80 = arith.constant 0 : i32
      %dma_start3A_81 = tpu.memref_slice %dma_start3A_78[%dma_start3A_79, %dma_start3A_80] : memref<120x128xf32, #tpu.memory_space<vmem>> -> memref<32x128xf32, #tpu.memory_space<vmem>>
      tpu.enqueue_dma source(%dma_start3A_81 : memref<32x128xf32, #tpu.memory_space<vmem>>) target(%dma_start3A_74 : memref<32x128xf32, #tpu.memory_space<vmem_shared>>) target_semaphore(%run_scoped3A_63 : memref<!tpu.dma_semaphore, #tpu.memory_space<semaphore_mem>>)
      %dma_wait3A_82 = arith.constant 0 : i32
      %dma_wait3A_83 = arith.constant 0 : i32
      %dma_wait3A_84 = tpu.memref_slice %arg10[%run_scoped3A, %dma_wait3A_82, %dma_wait3A_83] : memref<3x120x128xf32, #tpu.memory_space<vmem>> -> memref<1x120x128xf32, #tpu.memory_space<vmem>>
      %dma_wait3A_85 = tpu.memref_squeeze %dma_wait3A_84 : memref<1x120x128xf32, #tpu.memory_space<vmem>> -> memref<120x128xf32, #tpu.memory_space<vmem>>
      %dma_wait3A_86 = arith.constant 0 : i32
      %dma_wait3A_87 = arith.constant 0 : i32
      %dma_wait3A_88 = tpu.memref_slice %dma_wait3A_85[%dma_wait3A_86, %dma_wait3A_87] : memref<120x128xf32, #tpu.memory_space<vmem>> -> memref<32x128xf32, #tpu.memory_space<vmem>>
      %dma_wait3A_89 = arith.constant 0 : i32
      %dma_wait3A_90 = tpu.memref_slice %arg11[%add3A_13, %dma_wait3A_89] : memref<10112x128xf32, #tpu.memory_space<vmem_shared>> -> memref<32x128xf32, #tpu.memory_space<vmem_shared>>
      %dma_wait3A_91 = arith.constant 0 : i32
      %dma_wait3A_92 = tpu.memref_slice %arg11[%add3A_13, %dma_wait3A_91] : memref<10112x128xf32, #tpu.memory_space<vmem_shared>> -> memref<32x128xf32, #tpu.memory_space<vmem_shared>>
      %dma_wait3A_93 = arith.constant 0 : i32
      %dma_wait3A_94 = arith.constant 0 : i32
      %dma_wait3A_95 = tpu.memref_slice %arg10[%run_scoped3A, %dma_wait3A_93, %dma_wait3A_94] : memref<3x120x128xf32, #tpu.memory_space<vmem>> -> memref<1x120x128xf32, #tpu.memory_space<vmem>>
      %dma_wait3A_96 = tpu.memref_squeeze %dma_wait3A_95 : memref<1x120x128xf32, #tpu.memory_space<vmem>> -> memref<120x128xf32, #tpu.memory_space<vmem>>
      %dma_wait3A_97 = arith.constant 0 : i32
      %dma_wait3A_98 = arith.constant 0 : i32
      %dma_wait3A_99 = tpu.memref_slice %dma_wait3A_96[%dma_wait3A_97, %dma_wait3A_98] : memref<120x128xf32, #tpu.memory_space<vmem>> -> memref<32x128xf32, #tpu.memory_space<vmem>>
      tpu.wait_dma2 semaphore(%run_scoped3A_63 : memref<!tpu.dma_semaphore, #tpu.memory_space<semaphore_mem>>) src(%dma_wait3A_99 : memref<32x128xf32, #tpu.memory_space<vmem>>) dst(%dma_wait3A_92 : memref<32x128xf32, #tpu.memory_space<vmem_shared>>)
      tpu.yield
    }) : () -> ()
    %barrier3A = arith.constant 0 : index
    tpu.barrier barrier_id(%barrier3A)
    %mul3A_14 = arith.constant 2 : i32
    %mul3A_15 = arith.muli %arg1, %mul3A_14 : i32
    %add3A_16 = arith.addi %mul3A_15, %arg0 : i32
    %mul3A_17 = arith.constant 28 : i32
    %mul3A_18 = arith.muli %add3A_16, %mul3A_17 : i32
    "tpu.region"() ({
      %run_scoped3A_63 = tpu.sem_alloc : memref<!tpu.dma_semaphore, #tpu.memory_space<semaphore_mem>>
      %dma_start3A_64 = arith.constant 0 : i32
      %dma_start3A_65 = arith.constant 0 : i32
      %dma_start3A_66 = tpu.memref_slice %arg2[%mul3A_18, %dma_start3A_64, %dma_start3A_65] : memref<896x3x120xi32, #tpu.memory_space<hbm>> -> memref<1x3x120xi32, #tpu.memory_space<hbm>>
      %dma_start3A_67 = tpu.memref_squeeze %dma_start3A_66 : memref<1x3x120xi32, #tpu.memory_space<hbm>> -> memref<3x120xi32, #tpu.memory_space<hbm>>
      %dma_start3A_68 = arith.constant 0 : i32
      %dma_start3A_69 = arith.constant 0 : i32
      %dma_start3A_70 = tpu.memref_slice %arg2[%mul3A_18, %dma_start3A_68, %dma_start3A_69] : memref<896x3x120xi32, #tpu.memory_space<hbm>> -> memref<1x3x120xi32, #tpu.memory_space<hbm>>
      %dma_start3A_71 = tpu.memref_squeeze %dma_start3A_70 : memref<1x3x120xi32, #tpu.memory_space<hbm>> -> memref<3x120xi32, #tpu.memory_space<hbm>>
      tpu.enqueue_dma source(%dma_start3A_71 : memref<3x120xi32, #tpu.memory_space<hbm>>) target(%arg6 : memref<3x120xi32, #tpu.memory_space<vmem>>) target_semaphore(%run_scoped3A_63 : memref<!tpu.dma_semaphore, #tpu.memory_space<semaphore_mem>>)
      %dma_wait3A_72 = arith.constant 0 : i32
      %dma_wait3A_73 = arith.constant 0 : i32
      %dma_wait3A_74 = tpu.memref_slice %arg2[%mul3A_18, %dma_wait3A_72, %dma_wait3A_73] : memref<896x3x120xi32, #tpu.memory_space<hbm>> -> memref<1x3x120xi32, #tpu.memory_space<hbm>>
      %dma_wait3A_75 = tpu.memref_squeeze %dma_wait3A_74 : memref<1x3x120xi32, #tpu.memory_space<hbm>> -> memref<3x120xi32, #tpu.memory_space<hbm>>
      %dma_wait3A_76 = arith.constant 0 : i32
      %dma_wait3A_77 = arith.constant 0 : i32
      %dma_wait3A_78 = tpu.memref_slice %arg2[%mul3A_18, %dma_wait3A_76, %dma_wait3A_77] : memref<896x3x120xi32, #tpu.memory_space<hbm>> -> memref<1x3x120xi32, #tpu.memory_space<hbm>>
      %dma_wait3A_79 = tpu.memref_squeeze %dma_wait3A_78 : memref<1x3x120xi32, #tpu.memory_space<hbm>> -> memref<3x120xi32, #tpu.memory_space<hbm>>
      tpu.wait_dma2 semaphore(%run_scoped3A_63 : memref<!tpu.dma_semaphore, #tpu.memory_space<semaphore_mem>>) src(%dma_wait3A_79 : memref<3x120xi32, #tpu.memory_space<hbm>>) dst(%arg6 : memref<3x120xi32, #tpu.memory_space<vmem>>)
      tpu.yield
    }) : () -> ()
    "tpu.region"() ({
      %run_scoped3A_63 = tpu.sem_alloc : memref<!tpu.dma_semaphore, #tpu.memory_space<semaphore_mem>>
      %dma_start3A_64 = arith.constant 0 : i32
      %dma_start3A_65 = arith.constant 0 : i32
      %dma_start3A_66 = tpu.memref_slice %arg3[%mul3A_18, %dma_start3A_64, %dma_start3A_65] : memref<896x3x120xi32, #tpu.memory_space<hbm>> -> memref<1x3x120xi32, #tpu.memory_space<hbm>>
      %dma_start3A_67 = tpu.memref_squeeze %dma_start3A_66 : memref<1x3x120xi32, #tpu.memory_space<hbm>> -> memref<3x120xi32, #tpu.memory_space<hbm>>
      %dma_start3A_68 = arith.constant 0 : i32
      %dma_start3A_69 = arith.constant 0 : i32
      %dma_start3A_70 = tpu.memref_slice %arg3[%mul3A_18, %dma_start3A_68, %dma_start3A_69] : memref<896x3x120xi32, #tpu.memory_space<hbm>> -> memref<1x3x120xi32, #tpu.memory_space<hbm>>
      %dma_start3A_71 = tpu.memref_squeeze %dma_start3A_70 : memref<1x3x120xi32, #tpu.memory_space<hbm>> -> memref<3x120xi32, #tpu.memory_space<hbm>>
      tpu.enqueue_dma source(%dma_start3A_71 : memref<3x120xi32, #tpu.memory_space<hbm>>) target(%arg8 : memref<3x120xi32, #tpu.memory_space<vmem>>) target_semaphore(%run_scoped3A_63 : memref<!tpu.dma_semaphore, #tpu.memory_space<semaphore_mem>>)
      %dma_wait3A_72 = arith.constant 0 : i32
      %dma_wait3A_73 = arith.constant 0 : i32
      %dma_wait3A_74 = tpu.memref_slice %arg3[%mul3A_18, %dma_wait3A_72, %dma_wait3A_73] : memref<896x3x120xi32, #tpu.memory_space<hbm>> -> memref<1x3x120xi32, #tpu.memory_space<hbm>>
      %dma_wait3A_75 = tpu.memref_squeeze %dma_wait3A_74 : memref<1x3x120xi32, #tpu.memory_space<hbm>> -> memref<3x120xi32, #tpu.memory_space<hbm>>
      %dma_wait3A_76 = arith.constant 0 : i32
      %dma_wait3A_77 = arith.constant 0 : i32
      %dma_wait3A_78 = tpu.memref_slice %arg3[%mul3A_18, %dma_wait3A_76, %dma_wait3A_77] : memref<896x3x120xi32, #tpu.memory_space<hbm>> -> memref<1x3x120xi32, #tpu.memory_space<hbm>>
      %dma_wait3A_79 = tpu.memref_squeeze %dma_wait3A_78 : memref<1x3x120xi32, #tpu.memory_space<hbm>> -> memref<3x120xi32, #tpu.memory_space<hbm>>
      tpu.wait_dma2 semaphore(%run_scoped3A_63 : memref<!tpu.dma_semaphore, #tpu.memory_space<semaphore_mem>>) src(%dma_wait3A_79 : memref<3x120xi32, #tpu.memory_space<hbm>>) dst(%arg8 : memref<3x120xi32, #tpu.memory_space<vmem>>)
      tpu.yield
    }) : () -> ()
    %dma_start3A = arith.constant 0 : i32
    %dma_start3A_19 = arith.constant 0 : i32
    %dma_start3A_20 = arith.constant 0 : i32
    %dma_start3A_21 = arith.constant 0 : i32
    %dma_start3A_22 = tpu.memref_slice %arg10[%dma_start3A_19, %dma_start3A_20, %dma_start3A_21] : memref<3x120x128xf32, #tpu.memory_space<vmem>> -> memref<1x120x128xf32, #tpu.memory_space<vmem>>
    %dma_start3A_23 = tpu.memref_squeeze %dma_start3A_22 : memref<1x120x128xf32, #tpu.memory_space<vmem>> -> memref<120x128xf32, #tpu.memory_space<vmem>>
    %dma_start3A_24 = arith.constant 0 : i32
    %dma_start3A_25 = tpu.memref_slice %arg6[%dma_start3A, %dma_start3A_24] : memref<3x120xi32, #tpu.memory_space<vmem>> -> memref<1x120xi32, #tpu.memory_space<vmem>>
    %dma_start3A_26 = tpu.memref_squeeze %dma_start3A_25 : memref<1x120xi32, #tpu.memory_space<vmem>> -> memref<120xi32, #tpu.memory_space<vmem>>
    %dma_start3A_27 = arith.constant 0 : i32
    %dma_start3A_28 = arith.constant 0 : i32
    %dma_start3A_29 = tpu.memref_slice %arg4[%dma_start3A_27, %dma_start3A_28] : memref<10240x128xf32, #tpu.memory_space<hbm>> -> memref<10240x128xf32, #tpu.memory_space<hbm>>
    tpu.enqueue_indirect_dma source(%dma_start3A_29 : memref<10240x128xf32, #tpu.memory_space<hbm>>) target(%dma_start3A_23 : memref<120x128xf32, #tpu.memory_space<vmem>>) offsets(%dma_start3A_26 : memref<120xi32, #tpu.memory_space<vmem>>) semaphore(%arg12 : memref<!tpu.dma_semaphore, #tpu.memory_space<semaphore_mem>>)
    %dma_start3A_30 = arith.constant 1 : i32
    %dma_start3A_31 = arith.constant 1 : i32
    %dma_start3A_32 = arith.constant 0 : i32
    %dma_start3A_33 = arith.constant 0 : i32
    %dma_start3A_34 = tpu.memref_slice %arg10[%dma_start3A_31, %dma_start3A_32, %dma_start3A_33] : memref<3x120x128xf32, #tpu.memory_space<vmem>> -> memref<1x120x128xf32, #tpu.memory_space<vmem>>
    %dma_start3A_35 = tpu.memref_squeeze %dma_start3A_34 : memref<1x120x128xf32, #tpu.memory_space<vmem>> -> memref<120x128xf32, #tpu.memory_space<vmem>>
    %dma_start3A_36 = arith.constant 0 : i32
    %dma_start3A_37 = tpu.memref_slice %arg6[%dma_start3A_30, %dma_start3A_36] : memref<3x120xi32, #tpu.memory_space<vmem>> -> memref<1x120xi32, #tpu.memory_space<vmem>>
    %dma_start3A_38 = tpu.memref_squeeze %dma_start3A_37 : memref<1x120xi32, #tpu.memory_space<vmem>> -> memref<120xi32, #tpu.memory_space<vmem>>
    %dma_start3A_39 = arith.constant 0 : i32
    %dma_start3A_40 = arith.constant 0 : i32
    %dma_start3A_41 = tpu.memref_slice %arg4[%dma_start3A_39, %dma_start3A_40] : memref<10240x128xf32, #tpu.memory_space<hbm>> -> memref<10240x128xf32, #tpu.memory_space<hbm>>
    tpu.enqueue_indirect_dma source(%dma_start3A_41 : memref<10240x128xf32, #tpu.memory_space<hbm>>) target(%dma_start3A_35 : memref<120x128xf32, #tpu.memory_space<vmem>>) offsets(%dma_start3A_38 : memref<120xi32, #tpu.memory_space<vmem>>) semaphore(%arg12 : memref<!tpu.dma_semaphore, #tpu.memory_space<semaphore_mem>>)
    %scan3A_42 = arith.constant 0 : i32
    %scan3A_43 = arith.constant 14 : i32
    %scan3A_44 = arith.addi %scan3A_42, %scan3A_43 : i32
    %scan3A_45 = arith.constant 1 : i32
    scf.for %scan3A_63 = %scan3A_42 to %scan3A_44 step %scan3A_45  : i32 {
      %mul3A_64 = arith.constant 1 : i32
      %mul3A_65 = arith.muli %scan3A_63, %mul3A_64 : i32
      %add3A_66 = arith.constant 0 : i32
      %add3A_67 = arith.addi %add3A_66, %mul3A_65 : i32
      %dma_wait3A_68 = arith.constant 0 : i32
      %dma_wait3A_69 = arith.constant 0 : i32
      %dma_wait3A_70 = arith.constant 0 : i32
      %dma_wait3A_71 = arith.constant 0 : i32
      %dma_wait3A_72 = tpu.memref_slice %arg10[%dma_wait3A_69, %dma_wait3A_70, %dma_wait3A_71] : memref<3x120x128xf32, #tpu.memory_space<vmem>> -> memref<1x120x128xf32, #tpu.memory_space<vmem>>
      %dma_wait3A_73 = tpu.memref_squeeze %dma_wait3A_72 : memref<1x120x128xf32, #tpu.memory_space<vmem>> -> memref<120x128xf32, #tpu.memory_space<vmem>>
      %dma_wait3A_74 = arith.constant 0 : i32
      %dma_wait3A_75 = tpu.memref_slice %arg6[%dma_wait3A_68, %dma_wait3A_74] : memref<3x120xi32, #tpu.memory_space<vmem>> -> memref<1x120xi32, #tpu.memory_space<vmem>>
      %dma_wait3A_76 = tpu.memref_squeeze %dma_wait3A_75 : memref<1x120xi32, #tpu.memory_space<vmem>> -> memref<120xi32, #tpu.memory_space<vmem>>
      %dma_wait3A_77 = arith.constant 0 : i32
      %dma_wait3A_78 = arith.constant 0 : i32
      %dma_wait3A_79 = tpu.memref_slice %arg4[%dma_wait3A_77, %dma_wait3A_78] : memref<10240x128xf32, #tpu.memory_space<hbm>> -> memref<10240x128xf32, #tpu.memory_space<hbm>>
      tpu.wait_indirect_dma semaphore(%arg12 : memref<!tpu.dma_semaphore, #tpu.memory_space<semaphore_mem>>) src(%dma_wait3A_79 : memref<10240x128xf32, #tpu.memory_space<hbm>>) dst(%dma_wait3A_73 : memref<120x128xf32, #tpu.memory_space<vmem>>)
      %dma_start3A_80 = arith.constant 0 : i32
      %dma_start3A_81 = arith.constant 0 : i32
      %dma_start3A_82 = arith.constant 0 : i32
      %dma_start3A_83 = arith.constant 0 : i32
      %dma_start3A_84 = tpu.memref_slice %arg10[%dma_start3A_80, %dma_start3A_82, %dma_start3A_83] : memref<3x120x128xf32, #tpu.memory_space<vmem>> -> memref<1x120x128xf32, #tpu.memory_space<vmem>>
      %dma_start3A_85 = tpu.memref_squeeze %dma_start3A_84 : memref<1x120x128xf32, #tpu.memory_space<vmem>> -> memref<120x128xf32, #tpu.memory_space<vmem>>
      %dma_start3A_86 = arith.constant 0 : i32
      %dma_start3A_87 = tpu.memref_slice %arg8[%dma_start3A_81, %dma_start3A_86] : memref<3x120xi32, #tpu.memory_space<vmem>> -> memref<1x120xi32, #tpu.memory_space<vmem>>
      %dma_start3A_88 = tpu.memref_squeeze %dma_start3A_87 : memref<1x120xi32, #tpu.memory_space<vmem>> -> memref<120xi32, #tpu.memory_space<vmem>>
      %dma_start3A_89 = arith.constant 0 : i32
      %dma_start3A_90 = arith.constant 0 : i32
      %dma_start3A_91 = tpu.memref_slice %arg11[%dma_start3A_89, %dma_start3A_90] : memref<10112x128xf32, #tpu.memory_space<vmem_shared>> -> memref<10112x128xf32, #tpu.memory_space<vmem_shared>>
      tpu.enqueue_indirect_dma source(%dma_start3A_85 : memref<120x128xf32, #tpu.memory_space<vmem>>) target(%dma_start3A_91 : memref<10112x128xf32, #tpu.memory_space<vmem_shared>>) offsets(%dma_start3A_88 : memref<120xi32, #tpu.memory_space<vmem>>) semaphore(%arg13 : memref<!tpu.dma_semaphore, #tpu.memory_space<semaphore_mem>>) {add = true}
      %gt3A = arith.constant 0 : i32
      %gt3A_92 = arith.cmpi sgt, %add3A_67, %gt3A : i32
      %convert_element_type3A = arith.extui %gt3A_92 : i1 to i32
      %cond3A = arith.constant 0 : i32
      %cond3A_93 = arith.cmpi ne, %convert_element_type3A, %cond3A : i32
      scf.if %cond3A_93 {
        %dma_wait3A_352 = arith.constant 2 : i32
        %dma_wait3A_353 = arith.constant 0 : i32
        %dma_wait3A_354 = arith.constant 0 : i32
        %dma_wait3A_355 = arith.constant 0 : i32
        %dma_wait3A_356 = tpu.memref_slice %arg10[%dma_wait3A_352, %dma_wait3A_354, %dma_wait3A_355] : memref<3x120x128xf32, #tpu.memory_space<vmem>> -> memref<1x120x128xf32, #tpu.memory_space<vmem>>
        %dma_wait3A_357 = tpu.memref_squeeze %dma_wait3A_356 : memref<1x120x128xf32, #tpu.memory_space<vmem>> -> memref<120x128xf32, #tpu.memory_space<vmem>>
        %dma_wait3A_358 = arith.constant 0 : i32
        %dma_wait3A_359 = tpu.memref_slice %arg8[%dma_wait3A_353, %dma_wait3A_358] : memref<3x120xi32, #tpu.memory_space<vmem>> -> memref<1x120xi32, #tpu.memory_space<vmem>>
        %dma_wait3A_360 = tpu.memref_squeeze %dma_wait3A_359 : memref<1x120xi32, #tpu.memory_space<vmem>> -> memref<120xi32, #tpu.memory_space<vmem>>
        %dma_wait3A_361 = arith.constant 0 : i32
        %dma_wait3A_362 = arith.constant 0 : i32
        %dma_wait3A_363 = tpu.memref_slice %arg11[%dma_wait3A_361, %dma_wait3A_362] : memref<10112x128xf32, #tpu.memory_space<vmem_shared>> -> memref<10112x128xf32, #tpu.memory_space<vmem_shared>>
        tpu.wait_indirect_dma semaphore(%arg13 : memref<!tpu.dma_semaphore, #tpu.memory_space<semaphore_mem>>) src(%dma_wait3A_357 : memref<120x128xf32, #tpu.memory_space<vmem>>) dst(%dma_wait3A_363 : memref<10112x128xf32, #tpu.memory_space<vmem_shared>>)
      } else {
      }
      %dma_start3A_94 = arith.constant 2 : i32
      %dma_start3A_95 = arith.constant 2 : i32
      %dma_start3A_96 = arith.constant 0 : i32
      %dma_start3A_97 = arith.constant 0 : i32
      %dma_start3A_98 = tpu.memref_slice %arg10[%dma_start3A_95, %dma_start3A_96, %dma_start3A_97] : memref<3x120x128xf32, #tpu.memory_space<vmem>> -> memref<1x120x128xf32, #tpu.memory_space<vmem>>
      %dma_start3A_99 = tpu.memref_squeeze %dma_start3A_98 : memref<1x120x128xf32, #tpu.memory_space<vmem>> -> memref<120x128xf32, #tpu.memory_space<vmem>>
      %dma_start3A_100 = arith.constant 0 : i32
      %dma_start3A_101 = tpu.memref_slice %arg6[%dma_start3A_94, %dma_start3A_100] : memref<3x120xi32, #tpu.memory_space<vmem>> -> memref<1x120xi32, #tpu.memory_space<vmem>>
      %dma_start3A_102 = tpu.memref_squeeze %dma_start3A_101 : memref<1x120xi32, #tpu.memory_space<vmem>> -> memref<120xi32, #tpu.memory_space<vmem>>
      %dma_start3A_103 = arith.constant 0 : i32
      %dma_start3A_104 = arith.constant 0 : i32
      %dma_start3A_105 = tpu.memref_slice %arg4[%dma_start3A_103, %dma_start3A_104] : memref<10240x128xf32, #tpu.memory_space<hbm>> -> memref<10240x128xf32, #tpu.memory_space<hbm>>
      tpu.enqueue_indirect_dma source(%dma_start3A_105 : memref<10240x128xf32, #tpu.memory_space<hbm>>) target(%dma_start3A_99 : memref<120x128xf32, #tpu.memory_space<vmem>>) offsets(%dma_start3A_102 : memref<120xi32, #tpu.memory_space<vmem>>) semaphore(%arg12 : memref<!tpu.dma_semaphore, #tpu.memory_space<semaphore_mem>>)
      %mul3A_106 = arith.constant 2 : i32
      %mul3A_107 = arith.muli %mul3A_106, %add3A_67 : i32
      %add3A_108 = arith.addi %mul3A_18, %mul3A_107 : i32
      %add3A_109 = arith.constant 1 : i32
      %add3A_110 = arith.addi %add3A_108, %add3A_109 : i32
      "tpu.region"() ({
        %run_scoped3A_352 = tpu.sem_alloc : memref<!tpu.dma_semaphore, #tpu.memory_space<semaphore_mem>>
        %dma_start3A_353 = arith.constant 0 : i32
        %dma_start3A_354 = arith.constant 0 : i32
        %dma_start3A_355 = tpu.memref_slice %arg2[%add3A_110, %dma_start3A_353, %dma_start3A_354] : memref<896x3x120xi32, #tpu.memory_space<hbm>> -> memref<1x3x120xi32, #tpu.memory_space<hbm>>
        %dma_start3A_356 = tpu.memref_squeeze %dma_start3A_355 : memref<1x3x120xi32, #tpu.memory_space<hbm>> -> memref<3x120xi32, #tpu.memory_space<hbm>>
        %dma_start3A_357 = arith.constant 0 : i32
        %dma_start3A_358 = arith.constant 0 : i32
        %dma_start3A_359 = tpu.memref_slice %arg2[%add3A_110, %dma_start3A_357, %dma_start3A_358] : memref<896x3x120xi32, #tpu.memory_space<hbm>> -> memref<1x3x120xi32, #tpu.memory_space<hbm>>
        %dma_start3A_360 = tpu.memref_squeeze %dma_start3A_359 : memref<1x3x120xi32, #tpu.memory_space<hbm>> -> memref<3x120xi32, #tpu.memory_space<hbm>>
        tpu.enqueue_dma source(%dma_start3A_360 : memref<3x120xi32, #tpu.memory_space<hbm>>) target(%arg7 : memref<3x120xi32, #tpu.memory_space<vmem>>) target_semaphore(%run_scoped3A_352 : memref<!tpu.dma_semaphore, #tpu.memory_space<semaphore_mem>>)
        %dma_wait3A_361 = arith.constant 0 : i32
        %dma_wait3A_362 = arith.constant 0 : i32
        %dma_wait3A_363 = tpu.memref_slice %arg2[%add3A_110, %dma_wait3A_361, %dma_wait3A_362] : memref<896x3x120xi32, #tpu.memory_space<hbm>> -> memref<1x3x120xi32, #tpu.memory_space<hbm>>
        %dma_wait3A_364 = tpu.memref_squeeze %dma_wait3A_363 : memref<1x3x120xi32, #tpu.memory_space<hbm>> -> memref<3x120xi32, #tpu.memory_space<hbm>>
        %dma_wait3A_365 = arith.constant 0 : i32
        %dma_wait3A_366 = arith.constant 0 : i32
        %dma_wait3A_367 = tpu.memref_slice %arg2[%add3A_110, %dma_wait3A_365, %dma_wait3A_366] : memref<896x3x120xi32, #tpu.memory_space<hbm>> -> memref<1x3x120xi32, #tpu.memory_space<hbm>>
        %dma_wait3A_368 = tpu.memref_squeeze %dma_wait3A_367 : memref<1x3x120xi32, #tpu.memory_space<hbm>> -> memref<3x120xi32, #tpu.memory_space<hbm>>
        tpu.wait_dma2 semaphore(%run_scoped3A_352 : memref<!tpu.dma_semaphore, #tpu.memory_space<semaphore_mem>>) src(%dma_wait3A_368 : memref<3x120xi32, #tpu.memory_space<hbm>>) dst(%arg7 : memref<3x120xi32, #tpu.memory_space<vmem>>)
        tpu.yield
      }) : () -> ()
      %mul3A_111 = arith.constant 2 : i32
      %mul3A_112 = arith.muli %mul3A_111, %add3A_67 : i32
      %add3A_113 = arith.addi %mul3A_18, %mul3A_112 : i32
      %add3A_114 = arith.constant 1 : i32
      %add3A_115 = arith.addi %add3A_113, %add3A_114 : i32
      "tpu.region"() ({
        %run_scoped3A_352 = tpu.sem_alloc : memref<!tpu.dma_semaphore, #tpu.memory_space<semaphore_mem>>
        %dma_start3A_353 = arith.constant 0 : i32
        %dma_start3A_354 = arith.constant 0 : i32
        %dma_start3A_355 = tpu.memref_slice %arg3[%add3A_115, %dma_start3A_353, %dma_start3A_354] : memref<896x3x120xi32, #tpu.memory_space<hbm>> -> memref<1x3x120xi32, #tpu.memory_space<hbm>>
        %dma_start3A_356 = tpu.memref_squeeze %dma_start3A_355 : memref<1x3x120xi32, #tpu.memory_space<hbm>> -> memref<3x120xi32, #tpu.memory_space<hbm>>
        %dma_start3A_357 = arith.constant 0 : i32
        %dma_start3A_358 = arith.constant 0 : i32
        %dma_start3A_359 = tpu.memref_slice %arg3[%add3A_115, %dma_start3A_357, %dma_start3A_358] : memref<896x3x120xi32, #tpu.memory_space<hbm>> -> memref<1x3x120xi32, #tpu.memory_space<hbm>>
        %dma_start3A_360 = tpu.memref_squeeze %dma_start3A_359 : memref<1x3x120xi32, #tpu.memory_space<hbm>> -> memref<3x120xi32, #tpu.memory_space<hbm>>
        tpu.enqueue_dma source(%dma_start3A_360 : memref<3x120xi32, #tpu.memory_space<hbm>>) target(%arg9 : memref<3x120xi32, #tpu.memory_space<vmem>>) target_semaphore(%run_scoped3A_352 : memref<!tpu.dma_semaphore, #tpu.memory_space<semaphore_mem>>)
        %dma_wait3A_361 = arith.constant 0 : i32
        %dma_wait3A_362 = arith.constant 0 : i32
        %dma_wait3A_363 = tpu.memref_slice %arg3[%add3A_115, %dma_wait3A_361, %dma_wait3A_362] : memref<896x3x120xi32, #tpu.memory_space<hbm>> -> memref<1x3x120xi32, #tpu.memory_space<hbm>>
        %dma_wait3A_364 = tpu.memref_squeeze %dma_wait3A_363 : memref<1x3x120xi32, #tpu.memory_space<hbm>> -> memref<3x120xi32, #tpu.memory_space<hbm>>
        %dma_wait3A_365 = arith.constant 0 : i32
        %dma_wait3A_366 = arith.constant 0 : i32
        %dma_wait3A_367 = tpu.memref_slice %arg3[%add3A_115, %dma_wait3A_365, %dma_wait3A_366] : memref<896x3x120xi32, #tpu.memory_space<hbm>> -> memref<1x3x120xi32, #tpu.memory_space<hbm>>
        %dma_wait3A_368 = tpu.memref_squeeze %dma_wait3A_367 : memref<1x3x120xi32, #tpu.memory_space<hbm>> -> memref<3x120xi32, #tpu.memory_space<hbm>>
        tpu.wait_dma2 semaphore(%run_scoped3A_352 : memref<!tpu.dma_semaphore, #tpu.memory_space<semaphore_mem>>) src(%dma_wait3A_368 : memref<3x120xi32, #tpu.memory_space<hbm>>) dst(%arg9 : memref<3x120xi32, #tpu.memory_space<vmem>>)
        tpu.yield
      }) : () -> ()
      %dma_wait3A_116 = arith.constant 0 : i32
      %dma_wait3A_117 = arith.constant 1 : i32
      %dma_wait3A_118 = arith.constant 0 : i32
      %dma_wait3A_119 = arith.constant 0 : i32
      %dma_wait3A_120 = tpu.memref_slice %arg10[%dma_wait3A_117, %dma_wait3A_118, %dma_wait3A_119] : memref<3x120x128xf32, #tpu.memory_space<vmem>> -> memref<1x120x128xf32, #tpu.memory_space<vmem>>
      %dma_wait3A_121 = tpu.memref_squeeze %dma_wait3A_120 : memref<1x120x128xf32, #tpu.memory_space<vmem>> -> memref<120x128xf32, #tpu.memory_space<vmem>>
      %dma_wait3A_122 = arith.constant 0 : i32
      %dma_wait3A_123 = tpu.memref_slice %arg6[%dma_wait3A_116, %dma_wait3A_122] : memref<3x120xi32, #tpu.memory_space<vmem>> -> memref<1x120xi32, #tpu.memory_space<vmem>>
      %dma_wait3A_124 = tpu.memref_squeeze %dma_wait3A_123 : memref<1x120xi32, #tpu.memory_space<vmem>> -> memref<120xi32, #tpu.memory_space<vmem>>
      %dma_wait3A_125 = arith.constant 0 : i32
      %dma_wait3A_126 = arith.constant 0 : i32
      %dma_wait3A_127 = tpu.memref_slice %arg4[%dma_wait3A_125, %dma_wait3A_126] : memref<10240x128xf32, #tpu.memory_space<hbm>> -> memref<10240x128xf32, #tpu.memory_space<hbm>>
      tpu.wait_indirect_dma semaphore(%arg12 : memref<!tpu.dma_semaphore, #tpu.memory_space<semaphore_mem>>) src(%dma_wait3A_127 : memref<10240x128xf32, #tpu.memory_space<hbm>>) dst(%dma_wait3A_121 : memref<120x128xf32, #tpu.memory_space<vmem>>)
      %dma_start3A_128 = arith.constant 1 : i32
      %dma_start3A_129 = arith.constant 1 : i32
      %dma_start3A_130 = arith.constant 0 : i32
      %dma_start3A_131 = arith.constant 0 : i32
      %dma_start3A_132 = tpu.memref_slice %arg10[%dma_start3A_128, %dma_start3A_130, %dma_start3A_131] : memref<3x120x128xf32, #tpu.memory_space<vmem>> -> memref<1x120x128xf32, #tpu.memory_space<vmem>>
      %dma_start3A_133 = tpu.memref_squeeze %dma_start3A_132 : memref<1x120x128xf32, #tpu.memory_space<vmem>> -> memref<120x128xf32, #tpu.memory_space<vmem>>
      %dma_start3A_134 = arith.constant 0 : i32
      %dma_start3A_135 = tpu.memref_slice %arg8[%dma_start3A_129, %dma_start3A_134] : memref<3x120xi32, #tpu.memory_space<vmem>> -> memref<1x120xi32, #tpu.memory_space<vmem>>
      %dma_start3A_136 = tpu.memref_squeeze %dma_start3A_135 : memref<1x120xi32, #tpu.memory_space<vmem>> -> memref<120xi32, #tpu.memory_space<vmem>>
      %dma_start3A_137 = arith.constant 0 : i32
      %dma_start3A_138 = arith.constant 0 : i32
      %dma_start3A_139 = tpu.memref_slice %arg11[%dma_start3A_137, %dma_start3A_138] : memref<10112x128xf32, #tpu.memory_space<vmem_shared>> -> memref<10112x128xf32, #tpu.memory_space<vmem_shared>>
      tpu.enqueue_indirect_dma source(%dma_start3A_133 : memref<120x128xf32, #tpu.memory_space<vmem>>) target(%dma_start3A_139 : memref<10112x128xf32, #tpu.memory_space<vmem_shared>>) offsets(%dma_start3A_136 : memref<120xi32, #tpu.memory_space<vmem>>) semaphore(%arg13 : memref<!tpu.dma_semaphore, #tpu.memory_space<semaphore_mem>>) {add = true}
      %dma_wait3A_140 = arith.constant 0 : i32
      %dma_wait3A_141 = arith.constant 0 : i32
      %dma_wait3A_142 = arith.constant 0 : i32
      %dma_wait3A_143 = arith.constant 0 : i32
      %dma_wait3A_144 = tpu.memref_slice %arg10[%dma_wait3A_140, %dma_wait3A_142, %dma_wait3A_143] : memref<3x120x128xf32, #tpu.memory_space<vmem>> -> memref<1x120x128xf32, #tpu.memory_space<vmem>>
      %dma_wait3A_145 = tpu.memref_squeeze %dma_wait3A_144 : memref<1x120x128xf32, #tpu.memory_space<vmem>> -> memref<120x128xf32, #tpu.memory_space<vmem>>
      %dma_wait3A_146 = arith.constant 0 : i32
      %dma_wait3A_147 = tpu.memref_slice %arg8[%dma_wait3A_141, %dma_wait3A_146] : memref<3x120xi32, #tpu.memory_space<vmem>> -> memref<1x120xi32, #tpu.memory_space<vmem>>
      %dma_wait3A_148 = tpu.memref_squeeze %dma_wait3A_147 : memref<1x120xi32, #tpu.memory_space<vmem>> -> memref<120xi32, #tpu.memory_space<vmem>>
      %dma_wait3A_149 = arith.constant 0 : i32
      %dma_wait3A_150 = arith.constant 0 : i32
      %dma_wait3A_151 = tpu.memref_slice %arg11[%dma_wait3A_149, %dma_wait3A_150] : memref<10112x128xf32, #tpu.memory_space<vmem_shared>> -> memref<10112x128xf32, #tpu.memory_space<vmem_shared>>
      tpu.wait_indirect_dma semaphore(%arg13 : memref<!tpu.dma_semaphore, #tpu.memory_space<semaphore_mem>>) src(%dma_wait3A_145 : memref<120x128xf32, #tpu.memory_space<vmem>>) dst(%dma_wait3A_151 : memref<10112x128xf32, #tpu.memory_space<vmem_shared>>)
      %dma_start3A_152 = arith.constant 0 : i32
      %dma_start3A_153 = arith.constant 0 : i32
      %dma_start3A_154 = arith.constant 0 : i32
      %dma_start3A_155 = arith.constant 0 : i32
      %dma_start3A_156 = tpu.memref_slice %arg10[%dma_start3A_153, %dma_start3A_154, %dma_start3A_155] : memref<3x120x128xf32, #tpu.memory_space<vmem>> -> memref<1x120x128xf32, #tpu.memory_space<vmem>>
      %dma_start3A_157 = tpu.memref_squeeze %dma_start3A_156 : memref<1x120x128xf32, #tpu.memory_space<vmem>> -> memref<120x128xf32, #tpu.memory_space<vmem>>
      %dma_start3A_158 = arith.constant 0 : i32
      %dma_start3A_159 = tpu.memref_slice %arg7[%dma_start3A_152, %dma_start3A_158] : memref<3x120xi32, #tpu.memory_space<vmem>> -> memref<1x120xi32, #tpu.memory_space<vmem>>
      %dma_start3A_160 = tpu.memref_squeeze %dma_start3A_159 : memref<1x120xi32, #tpu.memory_space<vmem>> -> memref<120xi32, #tpu.memory_space<vmem>>
      %dma_start3A_161 = arith.constant 0 : i32
      %dma_start3A_162 = arith.constant 0 : i32
      %dma_start3A_163 = tpu.memref_slice %arg4[%dma_start3A_161, %dma_start3A_162] : memref<10240x128xf32, #tpu.memory_space<hbm>> -> memref<10240x128xf32, #tpu.memory_space<hbm>>
      tpu.enqueue_indirect_dma source(%dma_start3A_163 : memref<10240x128xf32, #tpu.memory_space<hbm>>) target(%dma_start3A_157 : memref<120x128xf32, #tpu.memory_space<vmem>>) offsets(%dma_start3A_160 : memref<120xi32, #tpu.memory_space<vmem>>) semaphore(%arg12 : memref<!tpu.dma_semaphore, #tpu.memory_space<semaphore_mem>>)
      %dma_wait3A_164 = arith.constant 0 : i32
      %dma_wait3A_165 = arith.constant 2 : i32
      %dma_wait3A_166 = arith.constant 0 : i32
      %dma_wait3A_167 = arith.constant 0 : i32
      %dma_wait3A_168 = tpu.memref_slice %arg10[%dma_wait3A_165, %dma_wait3A_166, %dma_wait3A_167] : memref<3x120x128xf32, #tpu.memory_space<vmem>> -> memref<1x120x128xf32, #tpu.memory_space<vmem>>
      %dma_wait3A_169 = tpu.memref_squeeze %dma_wait3A_168 : memref<1x120x128xf32, #tpu.memory_space<vmem>> -> memref<120x128xf32, #tpu.memory_space<vmem>>
      %dma_wait3A_170 = arith.constant 0 : i32
      %dma_wait3A_171 = tpu.memref_slice %arg6[%dma_wait3A_164, %dma_wait3A_170] : memref<3x120xi32, #tpu.memory_space<vmem>> -> memref<1x120xi32, #tpu.memory_space<vmem>>
      %dma_wait3A_172 = tpu.memref_squeeze %dma_wait3A_171 : memref<1x120xi32, #tpu.memory_space<vmem>> -> memref<120xi32, #tpu.memory_space<vmem>>
      %dma_wait3A_173 = arith.constant 0 : i32
      %dma_wait3A_174 = arith.constant 0 : i32
      %dma_wait3A_175 = tpu.memref_slice %arg4[%dma_wait3A_173, %dma_wait3A_174] : memref<10240x128xf32, #tpu.memory_space<hbm>> -> memref<10240x128xf32, #tpu.memory_space<hbm>>
      tpu.wait_indirect_dma semaphore(%arg12 : memref<!tpu.dma_semaphore, #tpu.memory_space<semaphore_mem>>) src(%dma_wait3A_175 : memref<10240x128xf32, #tpu.memory_space<hbm>>) dst(%dma_wait3A_169 : memref<120x128xf32, #tpu.memory_space<vmem>>)
      %dma_start3A_176 = arith.constant 2 : i32
      %dma_start3A_177 = arith.constant 2 : i32
      %dma_start3A_178 = arith.constant 0 : i32
      %dma_start3A_179 = arith.constant 0 : i32
      %dma_start3A_180 = tpu.memref_slice %arg10[%dma_start3A_176, %dma_start3A_178, %dma_start3A_179] : memref<3x120x128xf32, #tpu.memory_space<vmem>> -> memref<1x120x128xf32, #tpu.memory_space<vmem>>
      %dma_start3A_181 = tpu.memref_squeeze %dma_start3A_180 : memref<1x120x128xf32, #tpu.memory_space<vmem>> -> memref<120x128xf32, #tpu.memory_space<vmem>>
      %dma_start3A_182 = arith.constant 0 : i32
      %dma_start3A_183 = tpu.memref_slice %arg8[%dma_start3A_177, %dma_start3A_182] : memref<3x120xi32, #tpu.memory_space<vmem>> -> memref<1x120xi32, #tpu.memory_space<vmem>>
      %dma_start3A_184 = tpu.memref_squeeze %dma_start3A_183 : memref<1x120xi32, #tpu.memory_space<vmem>> -> memref<120xi32, #tpu.memory_space<vmem>>
      %dma_start3A_185 = arith.constant 0 : i32
      %dma_start3A_186 = arith.constant 0 : i32
      %dma_start3A_187 = tpu.memref_slice %arg11[%dma_start3A_185, %dma_start3A_186] : memref<10112x128xf32, #tpu.memory_space<vmem_shared>> -> memref<10112x128xf32, #tpu.memory_space<vmem_shared>>
      tpu.enqueue_indirect_dma source(%dma_start3A_181 : memref<120x128xf32, #tpu.memory_space<vmem>>) target(%dma_start3A_187 : memref<10112x128xf32, #tpu.memory_space<vmem_shared>>) offsets(%dma_start3A_184 : memref<120xi32, #tpu.memory_space<vmem>>) semaphore(%arg13 : memref<!tpu.dma_semaphore, #tpu.memory_space<semaphore_mem>>) {add = true}
      %dma_wait3A_188 = arith.constant 1 : i32
      %dma_wait3A_189 = arith.constant 0 : i32
      %dma_wait3A_190 = arith.constant 0 : i32
      %dma_wait3A_191 = arith.constant 0 : i32
      %dma_wait3A_192 = tpu.memref_slice %arg10[%dma_wait3A_188, %dma_wait3A_190, %dma_wait3A_191] : memref<3x120x128xf32, #tpu.memory_space<vmem>> -> memref<1x120x128xf32, #tpu.memory_space<vmem>>
      %dma_wait3A_193 = tpu.memref_squeeze %dma_wait3A_192 : memref<1x120x128xf32, #tpu.memory_space<vmem>> -> memref<120x128xf32, #tpu.memory_space<vmem>>
      %dma_wait3A_194 = arith.constant 0 : i32
      %dma_wait3A_195 = tpu.memref_slice %arg8[%dma_wait3A_189, %dma_wait3A_194] : memref<3x120xi32, #tpu.memory_space<vmem>> -> memref<1x120xi32, #tpu.memory_space<vmem>>
      %dma_wait3A_196 = tpu.memref_squeeze %dma_wait3A_195 : memref<1x120xi32, #tpu.memory_space<vmem>> -> memref<120xi32, #tpu.memory_space<vmem>>
      %dma_wait3A_197 = arith.constant 0 : i32
      %dma_wait3A_198 = arith.constant 0 : i32
      %dma_wait3A_199 = tpu.memref_slice %arg11[%dma_wait3A_197, %dma_wait3A_198] : memref<10112x128xf32, #tpu.memory_space<vmem_shared>> -> memref<10112x128xf32, #tpu.memory_space<vmem_shared>>
      tpu.wait_indirect_dma semaphore(%arg13 : memref<!tpu.dma_semaphore, #tpu.memory_space<semaphore_mem>>) src(%dma_wait3A_193 : memref<120x128xf32, #tpu.memory_space<vmem>>) dst(%dma_wait3A_199 : memref<10112x128xf32, #tpu.memory_space<vmem_shared>>)
      %dma_start3A_200 = arith.constant 1 : i32
      %dma_start3A_201 = arith.constant 1 : i32
      %dma_start3A_202 = arith.constant 0 : i32
      %dma_start3A_203 = arith.constant 0 : i32
      %dma_start3A_204 = tpu.memref_slice %arg10[%dma_start3A_201, %dma_start3A_202, %dma_start3A_203] : memref<3x120x128xf32, #tpu.memory_space<vmem>> -> memref<1x120x128xf32, #tpu.memory_space<vmem>>
      %dma_start3A_205 = tpu.memref_squeeze %dma_start3A_204 : memref<1x120x128xf32, #tpu.memory_space<vmem>> -> memref<120x128xf32, #tpu.memory_space<vmem>>
      %dma_start3A_206 = arith.constant 0 : i32
      %dma_start3A_207 = tpu.memref_slice %arg7[%dma_start3A_200, %dma_start3A_206] : memref<3x120xi32, #tpu.memory_space<vmem>> -> memref<1x120xi32, #tpu.memory_space<vmem>>
      %dma_start3A_208 = tpu.memref_squeeze %dma_start3A_207 : memref<1x120xi32, #tpu.memory_space<vmem>> -> memref<120xi32, #tpu.memory_space<vmem>>
      %dma_start3A_209 = arith.constant 0 : i32
      %dma_start3A_210 = arith.constant 0 : i32
      %dma_start3A_211 = tpu.memref_slice %arg4[%dma_start3A_209, %dma_start3A_210] : memref<10240x128xf32, #tpu.memory_space<hbm>> -> memref<10240x128xf32, #tpu.memory_space<hbm>>
      tpu.enqueue_indirect_dma source(%dma_start3A_211 : memref<10240x128xf32, #tpu.memory_space<hbm>>) target(%dma_start3A_205 : memref<120x128xf32, #tpu.memory_space<vmem>>) offsets(%dma_start3A_208 : memref<120xi32, #tpu.memory_space<vmem>>) semaphore(%arg12 : memref<!tpu.dma_semaphore, #tpu.memory_space<semaphore_mem>>)
      %dma_wait3A_212 = arith.constant 0 : i32
      %dma_wait3A_213 = arith.constant 0 : i32
      %dma_wait3A_214 = arith.constant 0 : i32
      %dma_wait3A_215 = arith.constant 0 : i32
      %dma_wait3A_216 = tpu.memref_slice %arg10[%dma_wait3A_213, %dma_wait3A_214, %dma_wait3A_215] : memref<3x120x128xf32, #tpu.memory_space<vmem>> -> memref<1x120x128xf32, #tpu.memory_space<vmem>>
      %dma_wait3A_217 = tpu.memref_squeeze %dma_wait3A_216 : memref<1x120x128xf32, #tpu.memory_space<vmem>> -> memref<120x128xf32, #tpu.memory_space<vmem>>
      %dma_wait3A_218 = arith.constant 0 : i32
      %dma_wait3A_219 = tpu.memref_slice %arg6[%dma_wait3A_212, %dma_wait3A_218] : memref<3x120xi32, #tpu.memory_space<vmem>> -> memref<1x120xi32, #tpu.memory_space<vmem>>
      %dma_wait3A_220 = tpu.memref_squeeze %dma_wait3A_219 : memref<1x120xi32, #tpu.memory_space<vmem>> -> memref<120xi32, #tpu.memory_space<vmem>>
      %dma_wait3A_221 = arith.constant 0 : i32
      %dma_wait3A_222 = arith.constant 0 : i32
      %dma_wait3A_223 = tpu.memref_slice %arg4[%dma_wait3A_221, %dma_wait3A_222] : memref<10240x128xf32, #tpu.memory_space<hbm>> -> memref<10240x128xf32, #tpu.memory_space<hbm>>
      tpu.wait_indirect_dma semaphore(%arg12 : memref<!tpu.dma_semaphore, #tpu.memory_space<semaphore_mem>>) src(%dma_wait3A_223 : memref<10240x128xf32, #tpu.memory_space<hbm>>) dst(%dma_wait3A_217 : memref<120x128xf32, #tpu.memory_space<vmem>>)
      %dma_start3A_224 = arith.constant 0 : i32
      %dma_start3A_225 = arith.constant 0 : i32
      %dma_start3A_226 = arith.constant 0 : i32
      %dma_start3A_227 = arith.constant 0 : i32
      %dma_start3A_228 = tpu.memref_slice %arg10[%dma_start3A_224, %dma_start3A_226, %dma_start3A_227] : memref<3x120x128xf32, #tpu.memory_space<vmem>> -> memref<1x120x128xf32, #tpu.memory_space<vmem>>
      %dma_start3A_229 = tpu.memref_squeeze %dma_start3A_228 : memref<1x120x128xf32, #tpu.memory_space<vmem>> -> memref<120x128xf32, #tpu.memory_space<vmem>>
      %dma_start3A_230 = arith.constant 0 : i32
      %dma_start3A_231 = tpu.memref_slice %arg9[%dma_start3A_225, %dma_start3A_230] : memref<3x120xi32, #tpu.memory_space<vmem>> -> memref<1x120xi32, #tpu.memory_space<vmem>>
      %dma_start3A_232 = tpu.memref_squeeze %dma_start3A_231 : memref<1x120xi32, #tpu.memory_space<vmem>> -> memref<120xi32, #tpu.memory_space<vmem>>
      %dma_start3A_233 = arith.constant 0 : i32
      %dma_start3A_234 = arith.constant 0 : i32
      %dma_start3A_235 = tpu.memref_slice %arg11[%dma_start3A_233, %dma_start3A_234] : memref<10112x128xf32, #tpu.memory_space<vmem_shared>> -> memref<10112x128xf32, #tpu.memory_space<vmem_shared>>
      tpu.enqueue_indirect_dma source(%dma_start3A_229 : memref<120x128xf32, #tpu.memory_space<vmem>>) target(%dma_start3A_235 : memref<10112x128xf32, #tpu.memory_space<vmem_shared>>) offsets(%dma_start3A_232 : memref<120xi32, #tpu.memory_space<vmem>>) semaphore(%arg13 : memref<!tpu.dma_semaphore, #tpu.memory_space<semaphore_mem>>) {add = true}
      %dma_wait3A_236 = arith.constant 2 : i32
      %dma_wait3A_237 = arith.constant 0 : i32
      %dma_wait3A_238 = arith.constant 0 : i32
      %dma_wait3A_239 = arith.constant 0 : i32
      %dma_wait3A_240 = tpu.memref_slice %arg10[%dma_wait3A_236, %dma_wait3A_238, %dma_wait3A_239] : memref<3x120x128xf32, #tpu.memory_space<vmem>> -> memref<1x120x128xf32, #tpu.memory_space<vmem>>
      %dma_wait3A_241 = tpu.memref_squeeze %dma_wait3A_240 : memref<1x120x128xf32, #tpu.memory_space<vmem>> -> memref<120x128xf32, #tpu.memory_space<vmem>>
      %dma_wait3A_242 = arith.constant 0 : i32
      %dma_wait3A_243 = tpu.memref_slice %arg8[%dma_wait3A_237, %dma_wait3A_242] : memref<3x120xi32, #tpu.memory_space<vmem>> -> memref<1x120xi32, #tpu.memory_space<vmem>>
      %dma_wait3A_244 = tpu.memref_squeeze %dma_wait3A_243 : memref<1x120xi32, #tpu.memory_space<vmem>> -> memref<120xi32, #tpu.memory_space<vmem>>
      %dma_wait3A_245 = arith.constant 0 : i32
      %dma_wait3A_246 = arith.constant 0 : i32
      %dma_wait3A_247 = tpu.memref_slice %arg11[%dma_wait3A_245, %dma_wait3A_246] : memref<10112x128xf32, #tpu.memory_space<vmem_shared>> -> memref<10112x128xf32, #tpu.memory_space<vmem_shared>>
      tpu.wait_indirect_dma semaphore(%arg13 : memref<!tpu.dma_semaphore, #tpu.memory_space<semaphore_mem>>) src(%dma_wait3A_241 : memref<120x128xf32, #tpu.memory_space<vmem>>) dst(%dma_wait3A_247 : memref<10112x128xf32, #tpu.memory_space<vmem_shared>>)
      %dma_start3A_248 = arith.constant 2 : i32
      %dma_start3A_249 = arith.constant 2 : i32
      %dma_start3A_250 = arith.constant 0 : i32
      %dma_start3A_251 = arith.constant 0 : i32
      %dma_start3A_252 = tpu.memref_slice %arg10[%dma_start3A_249, %dma_start3A_250, %dma_start3A_251] : memref<3x120x128xf32, #tpu.memory_space<vmem>> -> memref<1x120x128xf32, #tpu.memory_space<vmem>>
      %dma_start3A_253 = tpu.memref_squeeze %dma_start3A_252 : memref<1x120x128xf32, #tpu.memory_space<vmem>> -> memref<120x128xf32, #tpu.memory_space<vmem>>
      %dma_start3A_254 = arith.constant 0 : i32
      %dma_start3A_255 = tpu.memref_slice %arg7[%dma_start3A_248, %dma_start3A_254] : memref<3x120xi32, #tpu.memory_space<vmem>> -> memref<1x120xi32, #tpu.memory_space<vmem>>
      %dma_start3A_256 = tpu.memref_squeeze %dma_start3A_255 : memref<1x120xi32, #tpu.memory_space<vmem>> -> memref<120xi32, #tpu.memory_space<vmem>>
      %dma_start3A_257 = arith.constant 0 : i32
      %dma_start3A_258 = arith.constant 0 : i32
      %dma_start3A_259 = tpu.memref_slice %arg4[%dma_start3A_257, %dma_start3A_258] : memref<10240x128xf32, #tpu.memory_space<hbm>> -> memref<10240x128xf32, #tpu.memory_space<hbm>>
      tpu.enqueue_indirect_dma source(%dma_start3A_259 : memref<10240x128xf32, #tpu.memory_space<hbm>>) target(%dma_start3A_253 : memref<120x128xf32, #tpu.memory_space<vmem>>) offsets(%dma_start3A_256 : memref<120xi32, #tpu.memory_space<vmem>>) semaphore(%arg12 : memref<!tpu.dma_semaphore, #tpu.memory_space<semaphore_mem>>)
      %add3A_260 = arith.constant 1 : i32
      %add3A_261 = arith.addi %add3A_67, %add3A_260 : i32
      %lt3A = arith.constant 14 : i32
      %lt3A_262 = arith.cmpi slt, %add3A_261, %lt3A : i32
      %convert_element_type3A_263 = arith.extui %lt3A_262 : i1 to i32
      %cond3A_264 = arith.constant 0 : i32
      %cond3A_265 = arith.cmpi ne, %convert_element_type3A_263, %cond3A_264 : i32
      scf.if %cond3A_265 {
        %mul3A_352 = arith.constant 2 : i32
        %mul3A_353 = arith.muli %mul3A_352, %add3A_67 : i32
        %add3A_354 = arith.addi %mul3A_18, %mul3A_353 : i32
        %add3A_355 = arith.constant 2 : i32
        %add3A_356 = arith.addi %add3A_354, %add3A_355 : i32
        "tpu.region"() ({
          %run_scoped3A_362 = tpu.sem_alloc : memref<!tpu.dma_semaphore, #tpu.memory_space<semaphore_mem>>
          %dma_start3A_363 = arith.constant 0 : i32
          %dma_start3A_364 = arith.constant 0 : i32
          %dma_start3A_365 = tpu.memref_slice %arg2[%add3A_356, %dma_start3A_363, %dma_start3A_364] : memref<896x3x120xi32, #tpu.memory_space<hbm>> -> memref<1x3x120xi32, #tpu.memory_space<hbm>>
          %dma_start3A_366 = tpu.memref_squeeze %dma_start3A_365 : memref<1x3x120xi32, #tpu.memory_space<hbm>> -> memref<3x120xi32, #tpu.memory_space<hbm>>
          %dma_start3A_367 = arith.constant 0 : i32
          %dma_start3A_368 = arith.constant 0 : i32
          %dma_start3A_369 = tpu.memref_slice %arg2[%add3A_356, %dma_start3A_367, %dma_start3A_368] : memref<896x3x120xi32, #tpu.memory_space<hbm>> -> memref<1x3x120xi32, #tpu.memory_space<hbm>>
          %dma_start3A_370 = tpu.memref_squeeze %dma_start3A_369 : memref<1x3x120xi32, #tpu.memory_space<hbm>> -> memref<3x120xi32, #tpu.memory_space<hbm>>
          tpu.enqueue_dma source(%dma_start3A_370 : memref<3x120xi32, #tpu.memory_space<hbm>>) target(%arg6 : memref<3x120xi32, #tpu.memory_space<vmem>>) target_semaphore(%run_scoped3A_362 : memref<!tpu.dma_semaphore, #tpu.memory_space<semaphore_mem>>)
          %dma_wait3A_371 = arith.constant 0 : i32
          %dma_wait3A_372 = arith.constant 0 : i32
          %dma_wait3A_373 = tpu.memref_slice %arg2[%add3A_356, %dma_wait3A_371, %dma_wait3A_372] : memref<896x3x120xi32, #tpu.memory_space<hbm>> -> memref<1x3x120xi32, #tpu.memory_space<hbm>>
          %dma_wait3A_374 = tpu.memref_squeeze %dma_wait3A_373 : memref<1x3x120xi32, #tpu.memory_space<hbm>> -> memref<3x120xi32, #tpu.memory_space<hbm>>
          %dma_wait3A_375 = arith.constant 0 : i32
          %dma_wait3A_376 = arith.constant 0 : i32
          %dma_wait3A_377 = tpu.memref_slice %arg2[%add3A_356, %dma_wait3A_375, %dma_wait3A_376] : memref<896x3x120xi32, #tpu.memory_space<hbm>> -> memref<1x3x120xi32, #tpu.memory_space<hbm>>
          %dma_wait3A_378 = tpu.memref_squeeze %dma_wait3A_377 : memref<1x3x120xi32, #tpu.memory_space<hbm>> -> memref<3x120xi32, #tpu.memory_space<hbm>>
          tpu.wait_dma2 semaphore(%run_scoped3A_362 : memref<!tpu.dma_semaphore, #tpu.memory_space<semaphore_mem>>) src(%dma_wait3A_378 : memref<3x120xi32, #tpu.memory_space<hbm>>) dst(%arg6 : memref<3x120xi32, #tpu.memory_space<vmem>>)
          tpu.yield
        }) : () -> ()
        %mul3A_357 = arith.constant 2 : i32
        %mul3A_358 = arith.muli %mul3A_357, %add3A_67 : i32
        %add3A_359 = arith.addi %mul3A_18, %mul3A_358 : i32
        %add3A_360 = arith.constant 2 : i32
        %add3A_361 = arith.addi %add3A_359, %add3A_360 : i32
        "tpu.region"() ({
          %run_scoped3A_362 = tpu.sem_alloc : memref<!tpu.dma_semaphore, #tpu.memory_space<semaphore_mem>>
          %dma_start3A_363 = arith.constant 0 : i32
          %dma_start3A_364 = arith.constant 0 : i32
          %dma_start3A_365 = tpu.memref_slice %arg3[%add3A_361, %dma_start3A_363, %dma_start3A_364] : memref<896x3x120xi32, #tpu.memory_space<hbm>> -> memref<1x3x120xi32, #tpu.memory_space<hbm>>
          %dma_start3A_366 = tpu.memref_squeeze %dma_start3A_365 : memref<1x3x120xi32, #tpu.memory_space<hbm>> -> memref<3x120xi32, #tpu.memory_space<hbm>>
          %dma_start3A_367 = arith.constant 0 : i32
          %dma_start3A_368 = arith.constant 0 : i32
          %dma_start3A_369 = tpu.memref_slice %arg3[%add3A_361, %dma_start3A_367, %dma_start3A_368] : memref<896x3x120xi32, #tpu.memory_space<hbm>> -> memref<1x3x120xi32, #tpu.memory_space<hbm>>
          %dma_start3A_370 = tpu.memref_squeeze %dma_start3A_369 : memref<1x3x120xi32, #tpu.memory_space<hbm>> -> memref<3x120xi32, #tpu.memory_space<hbm>>
          tpu.enqueue_dma source(%dma_start3A_370 : memref<3x120xi32, #tpu.memory_space<hbm>>) target(%arg8 : memref<3x120xi32, #tpu.memory_space<vmem>>) target_semaphore(%run_scoped3A_362 : memref<!tpu.dma_semaphore, #tpu.memory_space<semaphore_mem>>)
          %dma_wait3A_371 = arith.constant 0 : i32
          %dma_wait3A_372 = arith.constant 0 : i32
          %dma_wait3A_373 = tpu.memref_slice %arg3[%add3A_361, %dma_wait3A_371, %dma_wait3A_372] : memref<896x3x120xi32, #tpu.memory_space<hbm>> -> memref<1x3x120xi32, #tpu.memory_space<hbm>>
          %dma_wait3A_374 = tpu.memref_squeeze %dma_wait3A_373 : memref<1x3x120xi32, #tpu.memory_space<hbm>> -> memref<3x120xi32, #tpu.memory_space<hbm>>
          %dma_wait3A_375 = arith.constant 0 : i32
          %dma_wait3A_376 = arith.constant 0 : i32
          %dma_wait3A_377 = tpu.memref_slice %arg3[%add3A_361, %dma_wait3A_375, %dma_wait3A_376] : memref<896x3x120xi32, #tpu.memory_space<hbm>> -> memref<1x3x120xi32, #tpu.memory_space<hbm>>
          %dma_wait3A_378 = tpu.memref_squeeze %dma_wait3A_377 : memref<1x3x120xi32, #tpu.memory_space<hbm>> -> memref<3x120xi32, #tpu.memory_space<hbm>>
          tpu.wait_dma2 semaphore(%run_scoped3A_362 : memref<!tpu.dma_semaphore, #tpu.memory_space<semaphore_mem>>) src(%dma_wait3A_378 : memref<3x120xi32, #tpu.memory_space<hbm>>) dst(%arg8 : memref<3x120xi32, #tpu.memory_space<vmem>>)
          tpu.yield
        }) : () -> ()
      } else {
      }
      %dma_wait3A_266 = arith.constant 0 : i32
      %dma_wait3A_267 = arith.constant 1 : i32
      %dma_wait3A_268 = arith.constant 0 : i32
      %dma_wait3A_269 = arith.constant 0 : i32
      %dma_wait3A_270 = tpu.memref_slice %arg10[%dma_wait3A_267, %dma_wait3A_268, %dma_wait3A_269] : memref<3x120x128xf32, #tpu.memory_space<vmem>> -> memref<1x120x128xf32, #tpu.memory_space<vmem>>
      %dma_wait3A_271 = tpu.memref_squeeze %dma_wait3A_270 : memref<1x120x128xf32, #tpu.memory_space<vmem>> -> memref<120x128xf32, #tpu.memory_space<vmem>>
      %dma_wait3A_272 = arith.constant 0 : i32
      %dma_wait3A_273 = tpu.memref_slice %arg6[%dma_wait3A_266, %dma_wait3A_272] : memref<3x120xi32, #tpu.memory_space<vmem>> -> memref<1x120xi32, #tpu.memory_space<vmem>>
      %dma_wait3A_274 = tpu.memref_squeeze %dma_wait3A_273 : memref<1x120xi32, #tpu.memory_space<vmem>> -> memref<120xi32, #tpu.memory_space<vmem>>
      %dma_wait3A_275 = arith.constant 0 : i32
      %dma_wait3A_276 = arith.constant 0 : i32
      %dma_wait3A_277 = tpu.memref_slice %arg4[%dma_wait3A_275, %dma_wait3A_276] : memref<10240x128xf32, #tpu.memory_space<hbm>> -> memref<10240x128xf32, #tpu.memory_space<hbm>>
      tpu.wait_indirect_dma semaphore(%arg12 : memref<!tpu.dma_semaphore, #tpu.memory_space<semaphore_mem>>) src(%dma_wait3A_277 : memref<10240x128xf32, #tpu.memory_space<hbm>>) dst(%dma_wait3A_271 : memref<120x128xf32, #tpu.memory_space<vmem>>)
      %dma_start3A_278 = arith.constant 1 : i32
      %dma_start3A_279 = arith.constant 1 : i32
      %dma_start3A_280 = arith.constant 0 : i32
      %dma_start3A_281 = arith.constant 0 : i32
      %dma_start3A_282 = tpu.memref_slice %arg10[%dma_start3A_278, %dma_start3A_280, %dma_start3A_281] : memref<3x120x128xf32, #tpu.memory_space<vmem>> -> memref<1x120x128xf32, #tpu.memory_space<vmem>>
      %dma_start3A_283 = tpu.memref_squeeze %dma_start3A_282 : memref<1x120x128xf32, #tpu.memory_space<vmem>> -> memref<120x128xf32, #tpu.memory_space<vmem>>
      %dma_start3A_284 = arith.constant 0 : i32
      %dma_start3A_285 = tpu.memref_slice %arg9[%dma_start3A_279, %dma_start3A_284] : memref<3x120xi32, #tpu.memory_space<vmem>> -> memref<1x120xi32, #tpu.memory_space<vmem>>
      %dma_start3A_286 = tpu.memref_squeeze %dma_start3A_285 : memref<1x120xi32, #tpu.memory_space<vmem>> -> memref<120xi32, #tpu.memory_space<vmem>>
      %dma_start3A_287 = arith.constant 0 : i32
      %dma_start3A_288 = arith.constant 0 : i32
      %dma_start3A_289 = tpu.memref_slice %arg11[%dma_start3A_287, %dma_start3A_288] : memref<10112x128xf32, #tpu.memory_space<vmem_shared>> -> memref<10112x128xf32, #tpu.memory_space<vmem_shared>>
      tpu.enqueue_indirect_dma source(%dma_start3A_283 : memref<120x128xf32, #tpu.memory_space<vmem>>) target(%dma_start3A_289 : memref<10112x128xf32, #tpu.memory_space<vmem_shared>>) offsets(%dma_start3A_286 : memref<120xi32, #tpu.memory_space<vmem>>) semaphore(%arg13 : memref<!tpu.dma_semaphore, #tpu.memory_space<semaphore_mem>>) {add = true}
      %dma_wait3A_290 = arith.constant 0 : i32
      %dma_wait3A_291 = arith.constant 0 : i32
      %dma_wait3A_292 = arith.constant 0 : i32
      %dma_wait3A_293 = arith.constant 0 : i32
      %dma_wait3A_294 = tpu.memref_slice %arg10[%dma_wait3A_290, %dma_wait3A_292, %dma_wait3A_293] : memref<3x120x128xf32, #tpu.memory_space<vmem>> -> memref<1x120x128xf32, #tpu.memory_space<vmem>>
      %dma_wait3A_295 = tpu.memref_squeeze %dma_wait3A_294 : memref<1x120x128xf32, #tpu.memory_space<vmem>> -> memref<120x128xf32, #tpu.memory_space<vmem>>
      %dma_wait3A_296 = arith.constant 0 : i32
      %dma_wait3A_297 = tpu.memref_slice %arg8[%dma_wait3A_291, %dma_wait3A_296] : memref<3x120xi32, #tpu.memory_space<vmem>> -> memref<1x120xi32, #tpu.memory_space<vmem>>
      %dma_wait3A_298 = tpu.memref_squeeze %dma_wait3A_297 : memref<1x120xi32, #tpu.memory_space<vmem>> -> memref<120xi32, #tpu.memory_space<vmem>>
      %dma_wait3A_299 = arith.constant 0 : i32
      %dma_wait3A_300 = arith.constant 0 : i32
      %dma_wait3A_301 = tpu.memref_slice %arg11[%dma_wait3A_299, %dma_wait3A_300] : memref<10112x128xf32, #tpu.memory_space<vmem_shared>> -> memref<10112x128xf32, #tpu.memory_space<vmem_shared>>
      tpu.wait_indirect_dma semaphore(%arg13 : memref<!tpu.dma_semaphore, #tpu.memory_space<semaphore_mem>>) src(%dma_wait3A_295 : memref<120x128xf32, #tpu.memory_space<vmem>>) dst(%dma_wait3A_301 : memref<10112x128xf32, #tpu.memory_space<vmem_shared>>)
      %add3A_302 = arith.constant 1 : i32
      %add3A_303 = arith.addi %add3A_67, %add3A_302 : i32
      %lt3A_304 = arith.constant 14 : i32
      %lt3A_305 = arith.cmpi slt, %add3A_303, %lt3A_304 : i32
      %convert_element_type3A_306 = arith.extui %lt3A_305 : i1 to i32
      %cond3A_307 = arith.constant 0 : i32
      %cond3A_308 = arith.cmpi ne, %convert_element_type3A_306, %cond3A_307 : i32
      scf.if %cond3A_308 {
        %dma_start3A_352 = arith.constant 0 : i32
        %dma_start3A_353 = arith.constant 0 : i32
        %dma_start3A_354 = arith.constant 0 : i32
        %dma_start3A_355 = arith.constant 0 : i32
        %dma_start3A_356 = tpu.memref_slice %arg10[%dma_start3A_353, %dma_start3A_354, %dma_start3A_355] : memref<3x120x128xf32, #tpu.memory_space<vmem>> -> memref<1x120x128xf32, #tpu.memory_space<vmem>>
        %dma_start3A_357 = tpu.memref_squeeze %dma_start3A_356 : memref<1x120x128xf32, #tpu.memory_space<vmem>> -> memref<120x128xf32, #tpu.memory_space<vmem>>
        %dma_start3A_358 = arith.constant 0 : i32
        %dma_start3A_359 = tpu.memref_slice %arg6[%dma_start3A_352, %dma_start3A_358] : memref<3x120xi32, #tpu.memory_space<vmem>> -> memref<1x120xi32, #tpu.memory_space<vmem>>
        %dma_start3A_360 = tpu.memref_squeeze %dma_start3A_359 : memref<1x120xi32, #tpu.memory_space<vmem>> -> memref<120xi32, #tpu.memory_space<vmem>>
        %dma_start3A_361 = arith.constant 0 : i32
        %dma_start3A_362 = arith.constant 0 : i32
        %dma_start3A_363 = tpu.memref_slice %arg4[%dma_start3A_361, %dma_start3A_362] : memref<10240x128xf32, #tpu.memory_space<hbm>> -> memref<10240x128xf32, #tpu.memory_space<hbm>>
        tpu.enqueue_indirect_dma source(%dma_start3A_363 : memref<10240x128xf32, #tpu.memory_space<hbm>>) target(%dma_start3A_357 : memref<120x128xf32, #tpu.memory_space<vmem>>) offsets(%dma_start3A_360 : memref<120xi32, #tpu.memory_space<vmem>>) semaphore(%arg12 : memref<!tpu.dma_semaphore, #tpu.memory_space<semaphore_mem>>)
      } else {
      }
      %dma_wait3A_309 = arith.constant 0 : i32
      %dma_wait3A_310 = arith.constant 2 : i32
      %dma_wait3A_311 = arith.constant 0 : i32
      %dma_wait3A_312 = arith.constant 0 : i32
      %dma_wait3A_313 = tpu.memref_slice %arg10[%dma_wait3A_310, %dma_wait3A_311, %dma_wait3A_312] : memref<3x120x128xf32, #tpu.memory_space<vmem>> -> memref<1x120x128xf32, #tpu.memory_space<vmem>>
      %dma_wait3A_314 = tpu.memref_squeeze %dma_wait3A_313 : memref<1x120x128xf32, #tpu.memory_space<vmem>> -> memref<120x128xf32, #tpu.memory_space<vmem>>
      %dma_wait3A_315 = arith.constant 0 : i32
      %dma_wait3A_316 = tpu.memref_slice %arg6[%dma_wait3A_309, %dma_wait3A_315] : memref<3x120xi32, #tpu.memory_space<vmem>> -> memref<1x120xi32, #tpu.memory_space<vmem>>
      %dma_wait3A_317 = tpu.memref_squeeze %dma_wait3A_316 : memref<1x120xi32, #tpu.memory_space<vmem>> -> memref<120xi32, #tpu.memory_space<vmem>>
      %dma_wait3A_318 = arith.constant 0 : i32
      %dma_wait3A_319 = arith.constant 0 : i32
      %dma_wait3A_320 = tpu.memref_slice %arg4[%dma_wait3A_318, %dma_wait3A_319] : memref<10240x128xf32, #tpu.memory_space<hbm>> -> memref<10240x128xf32, #tpu.memory_space<hbm>>
      tpu.wait_indirect_dma semaphore(%arg12 : memref<!tpu.dma_semaphore, #tpu.memory_space<semaphore_mem>>) src(%dma_wait3A_320 : memref<10240x128xf32, #tpu.memory_space<hbm>>) dst(%dma_wait3A_314 : memref<120x128xf32, #tpu.memory_space<vmem>>)
      %dma_start3A_321 = arith.constant 2 : i32
      %dma_start3A_322 = arith.constant 2 : i32
      %dma_start3A_323 = arith.constant 0 : i32
      %dma_start3A_324 = arith.constant 0 : i32
      %dma_start3A_325 = tpu.memref_slice %arg10[%dma_start3A_321, %dma_start3A_323, %dma_start3A_324] : memref<3x120x128xf32, #tpu.memory_space<vmem>> -> memref<1x120x128xf32, #tpu.memory_space<vmem>>
      %dma_start3A_326 = tpu.memref_squeeze %dma_start3A_325 : memref<1x120x128xf32, #tpu.memory_space<vmem>> -> memref<120x128xf32, #tpu.memory_space<vmem>>
      %dma_start3A_327 = arith.constant 0 : i32
      %dma_start3A_328 = tpu.memref_slice %arg9[%dma_start3A_322, %dma_start3A_327] : memref<3x120xi32, #tpu.memory_space<vmem>> -> memref<1x120xi32, #tpu.memory_space<vmem>>
      %dma_start3A_329 = tpu.memref_squeeze %dma_start3A_328 : memref<1x120xi32, #tpu.memory_space<vmem>> -> memref<120xi32, #tpu.memory_space<vmem>>
      %dma_start3A_330 = arith.constant 0 : i32
      %dma_start3A_331 = arith.constant 0 : i32
      %dma_start3A_332 = tpu.memref_slice %arg11[%dma_start3A_330, %dma_start3A_331] : memref<10112x128xf32, #tpu.memory_space<vmem_shared>> -> memref<10112x128xf32, #tpu.memory_space<vmem_shared>>
      tpu.enqueue_indirect_dma source(%dma_start3A_326 : memref<120x128xf32, #tpu.memory_space<vmem>>) target(%dma_start3A_332 : memref<10112x128xf32, #tpu.memory_space<vmem_shared>>) offsets(%dma_start3A_329 : memref<120xi32, #tpu.memory_space<vmem>>) semaphore(%arg13 : memref<!tpu.dma_semaphore, #tpu.memory_space<semaphore_mem>>) {add = true}
      %dma_wait3A_333 = arith.constant 1 : i32
      %dma_wait3A_334 = arith.constant 0 : i32
      %dma_wait3A_335 = arith.constant 0 : i32
      %dma_wait3A_336 = arith.constant 0 : i32
      %dma_wait3A_337 = tpu.memref_slice %arg10[%dma_wait3A_333, %dma_wait3A_335, %dma_wait3A_336] : memref<3x120x128xf32, #tpu.memory_space<vmem>> -> memref<1x120x128xf32, #tpu.memory_space<vmem>>
      %dma_wait3A_338 = tpu.memref_squeeze %dma_wait3A_337 : memref<1x120x128xf32, #tpu.memory_space<vmem>> -> memref<120x128xf32, #tpu.memory_space<vmem>>
      %dma_wait3A_339 = arith.constant 0 : i32
      %dma_wait3A_340 = tpu.memref_slice %arg8[%dma_wait3A_334, %dma_wait3A_339] : memref<3x120xi32, #tpu.memory_space<vmem>> -> memref<1x120xi32, #tpu.memory_space<vmem>>
      %dma_wait3A_341 = tpu.memref_squeeze %dma_wait3A_340 : memref<1x120xi32, #tpu.memory_space<vmem>> -> memref<120xi32, #tpu.memory_space<vmem>>
      %dma_wait3A_342 = arith.constant 0 : i32
      %dma_wait3A_343 = arith.constant 0 : i32
      %dma_wait3A_344 = tpu.memref_slice %arg11[%dma_wait3A_342, %dma_wait3A_343] : memref<10112x128xf32, #tpu.memory_space<vmem_shared>> -> memref<10112x128xf32, #tpu.memory_space<vmem_shared>>
      tpu.wait_indirect_dma semaphore(%arg13 : memref<!tpu.dma_semaphore, #tpu.memory_space<semaphore_mem>>) src(%dma_wait3A_338 : memref<120x128xf32, #tpu.memory_space<vmem>>) dst(%dma_wait3A_344 : memref<10112x128xf32, #tpu.memory_space<vmem_shared>>)
      %add3A_345 = arith.constant 1 : i32
      %add3A_346 = arith.addi %add3A_67, %add3A_345 : i32
      %lt3A_347 = arith.constant 14 : i32
      %lt3A_348 = arith.cmpi slt, %add3A_346, %lt3A_347 : i32
      %convert_element_type3A_349 = arith.extui %lt3A_348 : i1 to i32
      %cond3A_350 = arith.constant 0 : i32
      %cond3A_351 = arith.cmpi ne, %convert_element_type3A_349, %cond3A_350 : i32
      scf.if %cond3A_351 {
        %dma_start3A_352 = arith.constant 1 : i32
        %dma_start3A_353 = arith.constant 1 : i32
        %dma_start3A_354 = arith.constant 0 : i32
        %dma_start3A_355 = arith.constant 0 : i32
        %dma_start3A_356 = tpu.memref_slice %arg10[%dma_start3A_353, %dma_start3A_354, %dma_start3A_355] : memref<3x120x128xf32, #tpu.memory_space<vmem>> -> memref<1x120x128xf32, #tpu.memory_space<vmem>>
        %dma_start3A_357 = tpu.memref_squeeze %dma_start3A_356 : memref<1x120x128xf32, #tpu.memory_space<vmem>> -> memref<120x128xf32, #tpu.memory_space<vmem>>
        %dma_start3A_358 = arith.constant 0 : i32
        %dma_start3A_359 = tpu.memref_slice %arg6[%dma_start3A_352, %dma_start3A_358] : memref<3x120xi32, #tpu.memory_space<vmem>> -> memref<1x120xi32, #tpu.memory_space<vmem>>
        %dma_start3A_360 = tpu.memref_squeeze %dma_start3A_359 : memref<1x120xi32, #tpu.memory_space<vmem>> -> memref<120xi32, #tpu.memory_space<vmem>>
        %dma_start3A_361 = arith.constant 0 : i32
        %dma_start3A_362 = arith.constant 0 : i32
        %dma_start3A_363 = tpu.memref_slice %arg4[%dma_start3A_361, %dma_start3A_362] : memref<10240x128xf32, #tpu.memory_space<hbm>> -> memref<10240x128xf32, #tpu.memory_space<hbm>>
        tpu.enqueue_indirect_dma source(%dma_start3A_363 : memref<10240x128xf32, #tpu.memory_space<hbm>>) target(%dma_start3A_357 : memref<120x128xf32, #tpu.memory_space<vmem>>) offsets(%dma_start3A_360 : memref<120xi32, #tpu.memory_space<vmem>>) semaphore(%arg12 : memref<!tpu.dma_semaphore, #tpu.memory_space<semaphore_mem>>)
      } else {
      }
    }
    %scan3A_46 = arith.constant 14 : i32
    %dma_wait3A = arith.constant 2 : i32
    %dma_wait3A_47 = arith.constant 0 : i32
    %dma_wait3A_48 = arith.constant 0 : i32
    %dma_wait3A_49 = arith.constant 0 : i32
    %dma_wait3A_50 = tpu.memref_slice %arg10[%dma_wait3A, %dma_wait3A_48, %dma_wait3A_49] : memref<3x120x128xf32, #tpu.memory_space<vmem>> -> memref<1x120x128xf32, #tpu.memory_space<vmem>>
    %dma_wait3A_51 = tpu.memref_squeeze %dma_wait3A_50 : memref<1x120x128xf32, #tpu.memory_space<vmem>> -> memref<120x128xf32, #tpu.memory_space<vmem>>
    %dma_wait3A_52 = arith.constant 0 : i32
    %dma_wait3A_53 = tpu.memref_slice %arg8[%dma_wait3A_47, %dma_wait3A_52] : memref<3x120xi32, #tpu.memory_space<vmem>> -> memref<1x120xi32, #tpu.memory_space<vmem>>
    %dma_wait3A_54 = tpu.memref_squeeze %dma_wait3A_53 : memref<1x120xi32, #tpu.memory_space<vmem>> -> memref<120xi32, #tpu.memory_space<vmem>>
    %dma_wait3A_55 = arith.constant 0 : i32
    %dma_wait3A_56 = arith.constant 0 : i32
    %dma_wait3A_57 = tpu.memref_slice %arg11[%dma_wait3A_55, %dma_wait3A_56] : memref<10112x128xf32, #tpu.memory_space<vmem_shared>> -> memref<10112x128xf32, #tpu.memory_space<vmem_shared>>
    tpu.wait_indirect_dma semaphore(%arg13 : memref<!tpu.dma_semaphore, #tpu.memory_space<semaphore_mem>>) src(%dma_wait3A_51 : memref<120x128xf32, #tpu.memory_space<vmem>>) dst(%dma_wait3A_57 : memref<10112x128xf32, #tpu.memory_space<vmem_shared>>)
    %barrier3A_58 = arith.constant 0 : index
    tpu.barrier barrier_id(%barrier3A_58)
    %mul3A_59 = arith.constant 632 : i32
    %mul3A_60 = arith.muli %arg1, %mul3A_59 : i32
    %mul3A_61 = arith.constant 632 : i32
    %mul3A_62 = arith.muli %arg1, %mul3A_61 : i32
    "tpu.region"() ({
      %run_scoped3A_63 = tpu.sem_alloc : memref<!tpu.dma_semaphore, #tpu.memory_space<semaphore_mem>>
      %dma_start3A_64 = arith.constant 0 : i32
      %dma_start3A_65 = arith.constant 0 : i32
      %dma_start3A_66 = tpu.memref_slice %arg5[%arg0, %dma_start3A_64, %dma_start3A_65] : memref<2x10240x128xf32, #tpu.memory_space<hbm>> -> memref<1x10240x128xf32, #tpu.memory_space<hbm>>
      %dma_start3A_67 = tpu.memref_squeeze %dma_start3A_66 : memref<1x10240x128xf32, #tpu.memory_space<hbm>> -> memref<10240x128xf32, #tpu.memory_space<hbm>>
      %dma_start3A_68 = arith.constant 0 : i32
      %dma_start3A_69 = tpu.memref_slice %dma_start3A_67[%mul3A_62, %dma_start3A_68] : memref<10240x128xf32, #tpu.memory_space<hbm>> -> memref<632x128xf32, #tpu.memory_space<hbm>>
      %dma_start3A_70 = arith.constant 0 : i32
      %dma_start3A_71 = tpu.memref_slice %arg11[%mul3A_60, %dma_start3A_70] : memref<10112x128xf32, #tpu.memory_space<vmem_shared>> -> memref<632x128xf32, #tpu.memory_space<vmem_shared>>
      tpu.enqueue_dma source(%dma_start3A_71 : memref<632x128xf32, #tpu.memory_space<vmem_shared>>) target(%dma_start3A_69 : memref<632x128xf32, #tpu.memory_space<hbm>>) target_semaphore(%run_scoped3A_63 : memref<!tpu.dma_semaphore, #tpu.memory_space<semaphore_mem>>)
      %dma_wait3A_72 = arith.constant 0 : i32
      %dma_wait3A_73 = arith.constant 0 : i32
      %dma_wait3A_74 = tpu.memref_slice %arg5[%arg0, %dma_wait3A_72, %dma_wait3A_73] : memref<2x10240x128xf32, #tpu.memory_space<hbm>> -> memref<1x10240x128xf32, #tpu.memory_space<hbm>>
      %dma_wait3A_75 = tpu.memref_squeeze %dma_wait3A_74 : memref<1x10240x128xf32, #tpu.memory_space<hbm>> -> memref<10240x128xf32, #tpu.memory_space<hbm>>
      %dma_wait3A_76 = arith.constant 0 : i32
      %dma_wait3A_77 = tpu.memref_slice %dma_wait3A_75[%mul3A_62, %dma_wait3A_76] : memref<10240x128xf32, #tpu.memory_space<hbm>> -> memref<632x128xf32, #tpu.memory_space<hbm>>
      %dma_wait3A_78 = arith.constant 0 : i32
      %dma_wait3A_79 = tpu.memref_slice %arg11[%mul3A_60, %dma_wait3A_78] : memref<10112x128xf32, #tpu.memory_space<vmem_shared>> -> memref<632x128xf32, #tpu.memory_space<vmem_shared>>
      tpu.wait_dma2 semaphore(%run_scoped3A_63 : memref<!tpu.dma_semaphore, #tpu.memory_space<semaphore_mem>>) src(%dma_wait3A_79 : memref<632x128xf32, #tpu.memory_space<vmem_shared>>) dst(%dma_wait3A_77 : memref<632x128xf32, #tpu.memory_space<hbm>>)
      tpu.yield
    }) : () -> ()
    return
  }
}

module attributes {stable_mosaic.version = 14 : i64} {
  func.func @body(%arg0: i32, %arg1: memref<2048x128xf32, #tpu.memory_space<vmem>>, %arg2: memref<128x128xf32, #tpu.memory_space<vmem>>, %arg3: memref<32x2048xf32, #tpu.memory_space<vmem>>, %arg4: memref<2048x128xf32, #tpu.memory_space<vmem>>, %arg5: memref<2048x1xf32, #tpu.memory_space<vmem>>) attributes {dimension_semantics = [#tpu.dimension_semantics<arbitrary>], iteration_bounds = array<i64: 5>, scalar_prefetch = 0 : i64, scratch_operands = 0 : i64, tpu.core_type = #tpu.core_type<tc>, window_params = [{transform_indices = @transform_0, window_bounds = array<i64: 2048, 128>}, {pipeline_mode = #tpu.pipeline_mode<synchronous>, transform_indices = @transform_1, window_bounds = array<i64: 128, 128>}, {transform_indices = @transform_2, window_bounds = array<i64: 32, 2048>}, {transform_indices = @transform_3, window_bounds = array<i64: 2048, 128>}, {transform_indices = @transform_4, window_bounds = array<i64: 2048, 1>}]} {
    %get3A = arith.constant 0 : index
    %get3A_0 = arith.constant 0 : index
    %get3A_1 = vector.load %arg3[%get3A, %get3A_0] : memref<32x2048xf32, #tpu.memory_space<vmem>>, vector<32x2048xf32>
    %reduce_sum3A = arith.constant dense<0.000000e+00> : vector<2048xf32>
    %reduce_sum3A_2 = vector.multi_reduction <add>, %get3A_1, %reduce_sum3A [0] : vector<32x2048xf32> to vector<2048xf32>
    %add3A = arith.constant 1.000000e+00 : f32
    %add3A_3 = vector.broadcast %add3A : f32 to vector<2048xf32>
    %add3A_4 = arith.addf %reduce_sum3A_2, %add3A_3 : vector<2048xf32>
    %rsqrt3A = math.rsqrt %add3A_4 : vector<2048xf32>
    %get3A_5 = arith.constant 0 : index
    %get3A_6 = arith.constant 0 : index
    %get3A_7 = vector.load %arg1[%get3A_5, %get3A_6] : memref<2048x128xf32, #tpu.memory_space<vmem>>, vector<2048x128xf32>
    %get3A_8 = arith.constant 0 : index
    %get3A_9 = arith.constant 0 : index
    %get3A_10 = vector.load %arg2[%get3A_8, %get3A_9] : memref<128x128xf32, #tpu.memory_space<vmem>>, vector<128x128xf32>
    %dot_general3A = arith.constant dense<0.000000e+00> : vector<2048x128xf32>
    %dot_general3A_11 = tpu.matmul %get3A_7, %get3A_10, %dot_general3A {dimension_numbers = #tpu.dot_dimension_numbers<[1], [0], [0], [1], [0, 0, 1, 1], [], []>, precision = #tpu.contract_precision<fp32>, transpose_lhs_hint = false} : vector<2048x128xf32>, vector<128x128xf32>, vector<2048x128xf32> -> vector<2048x128xf32>
    %broadcast_in_dim3A = vector.shape_cast %rsqrt3A : vector<2048xf32> to vector<2048x1xf32>
    %mul3A = vector.broadcast %broadcast_in_dim3A : vector<2048x1xf32> to vector<2048x128xf32>
    %mul3A_12 = arith.mulf %dot_general3A_11, %mul3A : vector<2048x128xf32>
    %swap3A = arith.constant 0 : index
    %swap3A_13 = arith.constant 0 : index
    %swap3A_14 = vector.load %arg4[%swap3A, %swap3A_13] : memref<2048x128xf32, #tpu.memory_space<vmem>>, vector<2048x128xf32>
    tpu.vector_store %arg4[%swap3A, %swap3A_13], %mul3A_12 {strides = array<i32>} : memref<2048x128xf32, #tpu.memory_space<vmem>>, vector<2048x128xf32>,
    %broadcast_in_dim3A_15 = vector.shape_cast %rsqrt3A : vector<2048xf32> to vector<2048x1xf32>
    %swap3A_16 = arith.constant 0 : index
    %swap3A_17 = arith.constant 0 : index
    %swap3A_18 = vector.load %arg5[%swap3A_16, %swap3A_17] : memref<2048x1xf32, #tpu.memory_space<vmem>>, vector<2048x1xf32>
    tpu.vector_store %arg5[%swap3A_16, %swap3A_17], %broadcast_in_dim3A_15 {strides = array<i32>} : memref<2048x1xf32, #tpu.memory_space<vmem>>, vector<2048x1xf32>,
    return
  }
  func.func @transform_0(%arg0: i32) -> (i32, i32) {
    %c0_i32 = arith.constant 0 : i32
    %c0_i32_0 = arith.constant 0 : i32
    return %arg0, %c0_i32 : i32, i32
  }
  func.func @transform_1(%arg0: i32) -> (i32, i32) {
    %c0_i32 = arith.constant 0 : i32
    %c0_i32_0 = arith.constant 0 : i32
    %c0_i32_1 = arith.constant 0 : i32
    return %c0_i32, %c0_i32_0 : i32, i32
  }
  func.func @transform_2(%arg0: i32) -> (i32, i32) {
    %c0_i32 = arith.constant 0 : i32
    %c0_i32_0 = arith.constant 0 : i32
    return %c0_i32, %arg0 : i32, i32
  }
  func.func @transform_3(%arg0: i32) -> (i32, i32) {
    %c0_i32 = arith.constant 0 : i32
    %c0_i32_0 = arith.constant 0 : i32
    return %arg0, %c0_i32 : i32, i32
  }
  func.func @transform_4(%arg0: i32) -> (i32, i32) {
    %c0_i32 = arith.constant 0 : i32
    %c0_i32_0 = arith.constant 0 : i32
    return %arg0, %c0_i32 : i32, i32
  }
}

module attributes {stable_mosaic.version = 14 : i64} {
  func.func @body(%arg0: i32, %arg1: memref<2x2048x128xf32, #tpu.memory_space<vmem>>, %arg2: memref<2048x128xf32, #tpu.memory_space<vmem>>, %arg3: memref<2048x1xf32, #tpu.memory_space<vmem>>, %arg4: memref<1x128xf32, #tpu.memory_space<vmem>>, %arg5: memref<128x128xf32, #tpu.memory_space<vmem>>, %arg6: memref<2048x128xf32, #tpu.memory_space<vmem>>) attributes {dimension_semantics = [#tpu.dimension_semantics<arbitrary>], iteration_bounds = array<i64: 5>, scalar_prefetch = 0 : i64, scratch_operands = 0 : i64, tpu.core_type = #tpu.core_type<tc>, window_params = [{transform_indices = @transform_0, window_bounds = array<i64: 2, 2048, 128>}, {transform_indices = @transform_1, window_bounds = array<i64: 2048, 128>}, {transform_indices = @transform_2, window_bounds = array<i64: 2048, 1>}, {pipeline_mode = #tpu.pipeline_mode<synchronous>, transform_indices = @transform_3, window_bounds = array<i64: 1, 128>}, {pipeline_mode = #tpu.pipeline_mode<synchronous>, transform_indices = @transform_4, window_bounds = array<i64: 128, 128>}, {transform_indices = @transform_5, window_bounds = array<i64: 2048, 128>}]} {
    %get3A = arith.constant 0 : index
    %get3A_0 = arith.constant 0 : index
    %get3A_1 = arith.constant 0 : index
    %get3A_2 = vector.load %arg1[%get3A, %get3A_0, %get3A_1] : memref<2x2048x128xf32, #tpu.memory_space<vmem>>, vector<1x2048x128xf32>
    %get3A_3 = vector.shape_cast %get3A_2 : vector<1x2048x128xf32> to vector<2048x128xf32>
    %get3A_4 = arith.constant 1 : index
    %get3A_5 = arith.constant 0 : index
    %get3A_6 = arith.constant 0 : index
    %get3A_7 = vector.load %arg1[%get3A_4, %get3A_5, %get3A_6] : memref<2x2048x128xf32, #tpu.memory_space<vmem>>, vector<1x2048x128xf32>
    %get3A_8 = vector.shape_cast %get3A_7 : vector<1x2048x128xf32> to vector<2048x128xf32>
    %add3A = arith.addf %get3A_3, %get3A_8 : vector<2048x128xf32>
    %get3A_9 = arith.constant 0 : index
    %get3A_10 = arith.constant 0 : index
    %get3A_11 = vector.load %arg2[%get3A_9, %get3A_10] : memref<2048x128xf32, #tpu.memory_space<vmem>>, vector<2048x128xf32>
    %add3A_12 = arith.addf %add3A, %get3A_11 : vector<2048x128xf32>
    %get3A_13 = arith.constant 0 : index
    %get3A_14 = arith.constant 0 : index
    %get3A_15 = vector.load %arg3[%get3A_13, %get3A_14] : memref<2048x1xf32, #tpu.memory_space<vmem>>, vector<2048x1xf32>
    %mul3A = vector.broadcast %get3A_15 : vector<2048x1xf32> to vector<2048x128xf32>
    %mul3A_16 = arith.mulf %add3A_12, %mul3A : vector<2048x128xf32>
    %get3A_17 = arith.constant 0 : index
    %get3A_18 = arith.constant 0 : index
    %get3A_19 = vector.load %arg4[%get3A_17, %get3A_18] : memref<1x128xf32, #tpu.memory_space<vmem>>, vector<1x128xf32>
    %add3A_20 = vector.broadcast %get3A_19 : vector<1x128xf32> to vector<2048x128xf32>
    %add3A_21 = arith.addf %mul3A_16, %add3A_20 : vector<2048x128xf32>
    %max3A = arith.constant 0.000000e+00 : f32
    %max3A_22 = vector.broadcast %max3A : f32 to vector<2048x128xf32>
    %max3A_23 = arith.maximumf %add3A_21, %max3A_22 : vector<2048x128xf32>
    %get3A_24 = arith.constant 0 : index
    %get3A_25 = arith.constant 0 : index
    %get3A_26 = vector.load %arg5[%get3A_24, %get3A_25] : memref<128x128xf32, #tpu.memory_space<vmem>>, vector<128x128xf32>
    %dot_general3A = arith.constant dense<0.000000e+00> : vector<2048x128xf32>
    %dot_general3A_27 = tpu.matmul %max3A_23, %get3A_26, %dot_general3A {dimension_numbers = #tpu.dot_dimension_numbers<[1], [0], [0], [1], [0, 0, 1, 1], [], []>, precision = #tpu.contract_precision<fp32>, transpose_lhs_hint = false} : vector<2048x128xf32>, vector<128x128xf32>, vector<2048x128xf32> -> vector<2048x128xf32>
    %mul3A_28 = vector.broadcast %get3A_15 : vector<2048x1xf32> to vector<2048x128xf32>
    %mul3A_29 = arith.mulf %dot_general3A_27, %mul3A_28 : vector<2048x128xf32>
    %swap3A = arith.constant 0 : index
    %swap3A_30 = arith.constant 0 : index
    %swap3A_31 = vector.load %arg6[%swap3A, %swap3A_30] : memref<2048x128xf32, #tpu.memory_space<vmem>>, vector<2048x128xf32>
    tpu.vector_store %arg6[%swap3A, %swap3A_30], %mul3A_29 {strides = array<i32>} : memref<2048x128xf32, #tpu.memory_space<vmem>>, vector<2048x128xf32>,
    return
  }
  func.func @transform_0(%arg0: i32) -> (i32, i32, i32) {
    %c0_i32 = arith.constant 0 : i32
    %c0_i32_0 = arith.constant 0 : i32
    %c0_i32_1 = arith.constant 0 : i32
    return %c0_i32, %arg0, %c0_i32_0 : i32, i32, i32
  }
  func.func @transform_1(%arg0: i32) -> (i32, i32) {
    %c0_i32 = arith.constant 0 : i32
    %c0_i32_0 = arith.constant 0 : i32
    return %arg0, %c0_i32 : i32, i32
  }
  func.func @transform_2(%arg0: i32) -> (i32, i32) {
    %c0_i32 = arith.constant 0 : i32
    %c0_i32_0 = arith.constant 0 : i32
    return %arg0, %c0_i32 : i32, i32
  }
  func.func @transform_3(%arg0: i32) -> (i32, i32) {
    %c0_i32 = arith.constant 0 : i32
    %c0_i32_0 = arith.constant 0 : i32
    %c0_i32_1 = arith.constant 0 : i32
    return %c0_i32, %c0_i32_0 : i32, i32
  }
  func.func @transform_4(%arg0: i32) -> (i32, i32) {
    %c0_i32 = arith.constant 0 : i32
    %c0_i32_0 = arith.constant 0 : i32
    %c0_i32_1 = arith.constant 0 : i32
    return %c0_i32, %c0_i32_0 : i32, i32
  }
  func.func @transform_5(%arg0: i32) -> (i32, i32) {
    %c0_i32 = arith.constant 0 : i32
    %c0_i32_0 = arith.constant 0 : i32
    return %arg0, %c0_i32 : i32, i32
  }
}

module attributes {stable_mosaic.version = 14 : i64} {
  func.func @body(%arg0: i32, %arg1: memref<2x2048x128xf32, #tpu.memory_space<vmem>>, %arg2: memref<2048x128xf32, #tpu.memory_space<vmem>>, %arg3: memref<2048x1xf32, #tpu.memory_space<vmem>>, %arg4: memref<1x128xf32, #tpu.memory_space<vmem>>, %arg5: memref<128x128xf32, #tpu.memory_space<vmem>>, %arg6: memref<1x128xf32, #tpu.memory_space<vmem>>, %arg7: memref<128x64xf32, #tpu.memory_space<vmem>>, %arg8: memref<1x64xf32, #tpu.memory_space<vmem>>, %arg9: memref<2048x128xf32, #tpu.memory_space<vmem>>, %arg10: memref<2048x64xf32, #tpu.memory_space<vmem>>) attributes {dimension_semantics = [#tpu.dimension_semantics<arbitrary>], iteration_bounds = array<i64: 5>, scalar_prefetch = 0 : i64, scratch_operands = 0 : i64, tpu.core_type = #tpu.core_type<tc>, window_params = [{transform_indices = @transform_0, window_bounds = array<i64: 2, 2048, 128>}, {transform_indices = @transform_1, window_bounds = array<i64: 2048, 128>}, {transform_indices = @transform_2, window_bounds = array<i64: 2048, 1>}, {pipeline_mode = #tpu.pipeline_mode<synchronous>, transform_indices = @transform_3, window_bounds = array<i64: 1, 128>}, {pipeline_mode = #tpu.pipeline_mode<synchronous>, transform_indices = @transform_4, window_bounds = array<i64: 128, 128>}, {pipeline_mode = #tpu.pipeline_mode<synchronous>, transform_indices = @transform_5, window_bounds = array<i64: 1, 128>}, {pipeline_mode = #tpu.pipeline_mode<synchronous>, transform_indices = @transform_6, window_bounds = array<i64: 128, 64>}, {pipeline_mode = #tpu.pipeline_mode<synchronous>, transform_indices = @transform_7, window_bounds = array<i64: 1, 64>}, {transform_indices = @transform_8, window_bounds = array<i64: 2048, 128>}, {transform_indices = @transform_9, window_bounds = array<i64: 2048, 64>}]} {
    %get3A = arith.constant 0 : index
    %get3A_0 = arith.constant 0 : index
    %get3A_1 = arith.constant 0 : index
    %get3A_2 = vector.load %arg1[%get3A, %get3A_0, %get3A_1] : memref<2x2048x128xf32, #tpu.memory_space<vmem>>, vector<1x2048x128xf32>
    %get3A_3 = vector.shape_cast %get3A_2 : vector<1x2048x128xf32> to vector<2048x128xf32>
    %get3A_4 = arith.constant 1 : index
    %get3A_5 = arith.constant 0 : index
    %get3A_6 = arith.constant 0 : index
    %get3A_7 = vector.load %arg1[%get3A_4, %get3A_5, %get3A_6] : memref<2x2048x128xf32, #tpu.memory_space<vmem>>, vector<1x2048x128xf32>
    %get3A_8 = vector.shape_cast %get3A_7 : vector<1x2048x128xf32> to vector<2048x128xf32>
    %add3A = arith.addf %get3A_3, %get3A_8 : vector<2048x128xf32>
    %get3A_9 = arith.constant 0 : index
    %get3A_10 = arith.constant 0 : index
    %get3A_11 = vector.load %arg2[%get3A_9, %get3A_10] : memref<2048x128xf32, #tpu.memory_space<vmem>>, vector<2048x128xf32>
    %add3A_12 = arith.addf %add3A, %get3A_11 : vector<2048x128xf32>
    %get3A_13 = arith.constant 0 : index
    %get3A_14 = arith.constant 0 : index
    %get3A_15 = vector.load %arg3[%get3A_13, %get3A_14] : memref<2048x1xf32, #tpu.memory_space<vmem>>, vector<2048x1xf32>
    %mul3A = vector.broadcast %get3A_15 : vector<2048x1xf32> to vector<2048x128xf32>
    %mul3A_16 = arith.mulf %add3A_12, %mul3A : vector<2048x128xf32>
    %get3A_17 = arith.constant 0 : index
    %get3A_18 = arith.constant 0 : index
    %get3A_19 = vector.load %arg4[%get3A_17, %get3A_18] : memref<1x128xf32, #tpu.memory_space<vmem>>, vector<1x128xf32>
    %add3A_20 = vector.broadcast %get3A_19 : vector<1x128xf32> to vector<2048x128xf32>
    %add3A_21 = arith.addf %mul3A_16, %add3A_20 : vector<2048x128xf32>
    %swap3A = arith.constant 0 : index
    %swap3A_22 = arith.constant 0 : index
    %swap3A_23 = vector.load %arg9[%swap3A, %swap3A_22] : memref<2048x128xf32, #tpu.memory_space<vmem>>, vector<2048x128xf32>
    tpu.vector_store %arg9[%swap3A, %swap3A_22], %add3A_21 {strides = array<i32>} : memref<2048x128xf32, #tpu.memory_space<vmem>>, vector<2048x128xf32>,
    %get3A_24 = arith.constant 0 : index
    %get3A_25 = arith.constant 0 : index
    %get3A_26 = vector.load %arg5[%get3A_24, %get3A_25] : memref<128x128xf32, #tpu.memory_space<vmem>>, vector<128x128xf32>
    %dot_general3A = arith.constant dense<0.000000e+00> : vector<2048x128xf32>
    %dot_general3A_27 = tpu.matmul %add3A_21, %get3A_26, %dot_general3A {dimension_numbers = #tpu.dot_dimension_numbers<[1], [0], [0], [1], [0, 0, 1, 1], [], []>, precision = #tpu.contract_precision<fp32>, transpose_lhs_hint = false} : vector<2048x128xf32>, vector<128x128xf32>, vector<2048x128xf32> -> vector<2048x128xf32>
    %get3A_28 = arith.constant 0 : index
    %get3A_29 = arith.constant 0 : index
    %get3A_30 = vector.load %arg6[%get3A_28, %get3A_29] : memref<1x128xf32, #tpu.memory_space<vmem>>, vector<1x128xf32>
    %add3A_31 = vector.broadcast %get3A_30 : vector<1x128xf32> to vector<2048x128xf32>
    %add3A_32 = arith.addf %dot_general3A_27, %add3A_31 : vector<2048x128xf32>
    %gt3A = arith.constant 0.000000e+00 : f32
    %gt3A_33 = vector.broadcast %gt3A : f32 to vector<2048x128xf32>
    %gt3A_34 = arith.cmpf ogt, %add3A_32, %gt3A_33 : vector<2048x128xf32>
    %min3A = arith.constant 0.000000e+00 : f32
    %min3A_35 = vector.broadcast %min3A : f32 to vector<2048x128xf32>
    %min3A_36 = arith.minimumf %add3A_32, %min3A_35 : vector<2048x128xf32>
    %exp3A = math.exp %min3A_36 : vector<2048x128xf32>
    %sub3A = arith.constant 1.000000e+00 : f32
    %sub3A_37 = vector.broadcast %sub3A : f32 to vector<2048x128xf32>
    %sub3A_38 = arith.subf %exp3A, %sub3A_37 : vector<2048x128xf32>
    %select_n3A = arith.select %gt3A_34, %add3A_32, %sub3A_38 : vector<2048x128xi1>, vector<2048x128xf32>
    %get3A_39 = arith.constant 0 : index
    %get3A_40 = arith.constant 0 : index
    %get3A_41 = vector.load %arg7[%get3A_39, %get3A_40] : memref<128x64xf32, #tpu.memory_space<vmem>>, vector<128x64xf32>
    %dot_general3A_42 = arith.constant dense<0.000000e+00> : vector<2048x64xf32>
    %dot_general3A_43 = tpu.matmul %select_n3A, %get3A_41, %dot_general3A_42 {dimension_numbers = #tpu.dot_dimension_numbers<[1], [0], [0], [1], [0, 0, 1, 1], [], []>, precision = #tpu.contract_precision<fp32>, transpose_lhs_hint = false} : vector<2048x128xf32>, vector<128x64xf32>, vector<2048x64xf32> -> vector<2048x64xf32>
    %get3A_44 = arith.constant 0 : index
    %get3A_45 = arith.constant 0 : index
    %get3A_46 = vector.load %arg8[%get3A_44, %get3A_45] : memref<1x64xf32, #tpu.memory_space<vmem>>, vector<1x64xf32>
    %add3A_47 = vector.broadcast %get3A_46 : vector<1x64xf32> to vector<2048x64xf32>
    %add3A_48 = arith.addf %dot_general3A_43, %add3A_47 : vector<2048x64xf32>
    %reduce_max3A = arith.constant dense<0xFF800000> : vector<2048xf32>
    %reduce_max3A_49 = vector.multi_reduction <maximumf>, %add3A_48, %reduce_max3A [1] : vector<2048x64xf32> to vector<2048xf32>
    %broadcast_in_dim3A = vector.shape_cast %reduce_max3A_49 : vector<2048xf32> to vector<2048x1xf32>
    %sub3A_50 = vector.broadcast %broadcast_in_dim3A : vector<2048x1xf32> to vector<2048x64xf32>
    %sub3A_51 = arith.subf %add3A_48, %sub3A_50 : vector<2048x64xf32>
    %exp3A_52 = math.exp %sub3A_51 : vector<2048x64xf32>
    %reduce_sum3A = arith.constant dense<0.000000e+00> : vector<2048xf32>
    %reduce_sum3A_53 = vector.multi_reduction <add>, %exp3A_52, %reduce_sum3A [1] : vector<2048x64xf32> to vector<2048xf32>
    %broadcast_in_dim3A_54 = vector.shape_cast %reduce_sum3A_53 : vector<2048xf32> to vector<2048x1xf32>
    %log3A = math.log %broadcast_in_dim3A_54 : vector<2048x1xf32>
    %add3A_55 = arith.addf %broadcast_in_dim3A, %log3A : vector<2048x1xf32>
    %sub3A_56 = vector.broadcast %add3A_55 : vector<2048x1xf32> to vector<2048x64xf32>
    %sub3A_57 = arith.subf %add3A_48, %sub3A_56 : vector<2048x64xf32>
    %swap3A_58 = arith.constant 0 : index
    %swap3A_59 = arith.constant 0 : index
    %swap3A_60 = vector.load %arg10[%swap3A_58, %swap3A_59] : memref<2048x64xf32, #tpu.memory_space<vmem>>, vector<2048x64xf32>
    tpu.vector_store %arg10[%swap3A_58, %swap3A_59], %sub3A_57 {strides = array<i32>} : memref<2048x64xf32, #tpu.memory_space<vmem>>, vector<2048x64xf32>,
    return
  }
  func.func @transform_0(%arg0: i32) -> (i32, i32, i32) {
    %c0_i32 = arith.constant 0 : i32
    %c0_i32_0 = arith.constant 0 : i32
    %c0_i32_1 = arith.constant 0 : i32
    return %c0_i32, %arg0, %c0_i32_0 : i32, i32, i32
  }
  func.func @transform_1(%arg0: i32) -> (i32, i32) {
    %c0_i32 = arith.constant 0 : i32
    %c0_i32_0 = arith.constant 0 : i32
    return %arg0, %c0_i32 : i32, i32
  }
  func.func @transform_2(%arg0: i32) -> (i32, i32) {
    %c0_i32 = arith.constant 0 : i32
    %c0_i32_0 = arith.constant 0 : i32
    return %arg0, %c0_i32 : i32, i32
  }
  func.func @transform_3(%arg0: i32) -> (i32, i32) {
    %c0_i32 = arith.constant 0 : i32
    %c0_i32_0 = arith.constant 0 : i32
    %c0_i32_1 = arith.constant 0 : i32
    return %c0_i32, %c0_i32_0 : i32, i32
  }
  func.func @transform_4(%arg0: i32) -> (i32, i32) {
    %c0_i32 = arith.constant 0 : i32
    %c0_i32_0 = arith.constant 0 : i32
    %c0_i32_1 = arith.constant 0 : i32
    return %c0_i32, %c0_i32_0 : i32, i32
  }
  func.func @transform_5(%arg0: i32) -> (i32, i32) {
    %c0_i32 = arith.constant 0 : i32
    %c0_i32_0 = arith.constant 0 : i32
    %c0_i32_1 = arith.constant 0 : i32
    return %c0_i32, %c0_i32_0 : i32, i32
  }
  func.func @transform_6(%arg0: i32) -> (i32, i32) {
    %c0_i32 = arith.constant 0 : i32
    %c0_i32_0 = arith.constant 0 : i32
    %c0_i32_1 = arith.constant 0 : i32
    return %c0_i32, %c0_i32_0 : i32, i32
  }
  func.func @transform_7(%arg0: i32) -> (i32, i32) {
    %c0_i32 = arith.constant 0 : i32
    %c0_i32_0 = arith.constant 0 : i32
    %c0_i32_1 = arith.constant 0 : i32
    return %c0_i32, %c0_i32_0 : i32, i32
  }
  func.func @transform_8(%arg0: i32) -> (i32, i32) {
    %c0_i32 = arith.constant 0 : i32
    %c0_i32_0 = arith.constant 0 : i32
    return %arg0, %c0_i32 : i32, i32
  }
  func.func @transform_9(%arg0: i32) -> (i32, i32) {
    %c0_i32 = arith.constant 0 : i32
    %c0_i32_0 = arith.constant 0 : i32
    return %arg0, %c0_i32 : i32, i32
  }
}

</mosaic_0001>

<sc_bundles>
// kernel: kernel.11.cloned.1.call-start
scs
__scs_entry_jumppad:
0x0: {  	(pc) =	sbr.rel $0x88, $3  }
0x1: {  	(tag) =	ssettag $0x0;
	lr =	simm.s32 $0x1  }
0x2: {  	[smem:$0x3F97] =	sst lr;
	_ =	strace $0xD0000000  }
0x3: {  	_ = 	snop  }
0x4: {  	_ = 	snop  }
0x5: {  	_ = 	snop  }
0x6: {  	_ = 	snop  }
0x7: {  	_ = 	snop  }
__scs_overlays_trampoline_lowered:
0x8: {  	[smem:$0x3FA6] =	sst s0  }
0x9: {  	[smem:$0x3FA7] =	sst s1  }
0xa: {  	[smem:$0x3FA8] =	sst s2  }
0xb: {  	[smem:$0x3FA9] =	sst s3  }
0xc: {  	[smem:$0x3FAA] =	sst s4  }
0xd: {  	[smem:$0x3FAB] =	sst s5  }
0xe: {  	[smem:$0x3FAC] =	sst s6  }
0xf: {  	[smem:$0x3FAD] =	sst s7  }
0x10: {  	[smem:$0x3FAE] =	sst s8  }
0x11: {  	[smem:$0x3FAF] =	sst s9;
	s0 =	simm.s32 @!p0 $0x0  }
0x12: {  	s1 =	sld [smem:$0x3F95];
	s0 =	simm.s32 @p0 $0x1  }
0x13: {  	[smem:$0x3FB0] =	sst s0;
	s0 =	simm.s32 @!p1 $0x0  }
0x14: {  	s2 =	sld [smem:$0x3F94];
	s0 =	simm.s32 @p1 $0x1  }
0x15: {  	[smem:$0x3FB1] =	sst s0;
	s0 =	simm.s32 @!p2 $0x0  }
0x16: {  	s3 =	sld [smem:$0x3FDB];
	s0 =	simm.s32 @p2 $0x1  }
0x17: {  	s4 =	simm.s32 $0x1BF5;
	[smem:$0x3FB3] =	sst s0  }
0x18: {  	s0 =	sld [smem:$0x3F96];
	_ =	swait.ge [sflag:s4], $0x0  }
0x19: {  	s7 =	sld [smem:$0x3F97]  }
0x1a: {  	s8 =	sadd.s32 $0xFFFFE003, lr  }
0x1b: {  	s9 =	sadd.s32 $0xFFFFFEF7, lr;
	s5 =	simm.s32 $0xFFFFFFFF;
	p2 =	slt.u32 s8, $0xFFFFF086  }
0x1c: {  	p1 =	slt.u32 s9, $0xF7A;
	s5 =	simm.s32 @!p2 $0x0  }
0x1d: {  	s5 =	simm.s32 @p1 $0x1;
	p0 =	seq.s32 s7, s2  }
0x1e: {  	s7 =	smul.u32 @!p0 $0xF7A, s2;
	p2 =	seq.s32 @!p0 s5, $0x0  }
0x1f: {  	s9 =	smul.u32 $0xF7A, s1;
	s8 =	simm.s32 @!p0 $0x1BF5;
	p2 =	por !p2, p0  }
0x20: {  	[sflag:s8] =	ssyncset.s32 @!p0 $0xFFFFF086;
	s6 =	sadd.s32 @!p0 s3, s7;
	s7 =	simm.s32 @!p0 $0x108  }
0x21: {  	s3 =	sadd.s32 s3, s9;
	s6 =	sadd.s32 @!p0 $0x88, s6;
	s7 =	simm.s32 @p2 $0x1082  }
0x22: {  	[simem:s7], [sflag:s8] =	dma.local @!p0 [hbm:s6], $0xF7A  }
0x23: {  	s9 =	sor.u32 $0xD0000000, s2;
	s6 =	simm.s32 $0x108;
	_ =	swait.ge @!p0 [sflag:s8], $0x0  }
0x24: {  	s3 =	sadd.s32 $0x88, s3;
	s6 =	simm.s32 @!p1 $0x1082;
	[sflag:s4] =	ssyncset.s32 $0xFFFFF086  }
0x25: {  	[simem:s6], [sflag:s4] =	dma.local [hbm:s3], $0xF7A  }
0x26: {  	[smem:$0x3F97] =	sst s1;
	(tag) =	ssettag s2;
	_ =	strace s9  }
0x27: {  	s1 =	sld [smem:$0x3FA7]  }
0x28: {  	s2 =	sld [smem:$0x3FA8]  }
0x29: {  	s4 =	sld [smem:$0x3FAA]  }
0x2a: {  	p0 =	seq.s32 s5, $0x0;
	s5 =	sld [smem:$0x3FAB]  }
0x2b: {  	s6 =	sld [smem:$0x3FAC]  }
0x2c: {  	s7 =	sld [smem:$0x3FAD]  }
0x2d: {  	s3 =	simm.s32 $0x108;
	s8 =	sld [smem:$0x3FAE]  }
0x2e: {  	s3 =	simm.s32 @!p0 $0x1082;
	s9 =	sld [smem:$0x3FAF]  }
0x2f: {  	lr =	sadd.s32 s0, s3;
	s0 =	sld [smem:$0x3FA6]  }
0x30: {  	s3 =	sld [smem:$0x3FA9]  }
0x31: {  	[smem:$0x3FB2] =	sst s10  }
0x32: {  	s10 =	sld [smem:$0x3FB0];
	_ =	sdelay $0x3  }
0x33: {  	p0 =	seq.s32 s10, $0x1;
	s10 =	sld [smem:$0x3FB2];
	_ =	sdelay $0x3  }
0x34: {  	[smem:$0x3FB2] =	sst s10  }
0x35: {  	s10 =	sld [smem:$0x3FB1];
	_ =	sdelay $0x3  }
0x36: {  	p1 =	seq.s32 s10, $0x1;
	s10 =	sld [smem:$0x3FB2];
	_ =	sdelay $0x3  }
0x37: {  	[smem:$0x3FB2] =	sst s10  }
0x38: {  	s10 =	sld [smem:$0x3FB3]  }
0x39: {  	_ = 	snop;
	(pc) =	sbr.ind lr, $3  }
0x3a: {  	_ = 	snop  }
0x3b: {  	_ = 	snop  }
0x3c: {  	p2 =	seq.s32 s10, $0x1;
	s10 =	sld [smem:$0x3FB2]  }
0x3d: {  	_ =	shalt  }
0x3e: {  	_ =	shalt  }
0x3f: {  	_ =	shalt  }
0x40: {  	_ =	shalt  }
0x41: {  	_ =	shalt  }
0x42: {  	_ =	shalt  }
0x43: {  	_ =	shalt  }
0x44: {  	_ =	shalt  }
0x45: {  	_ =	shalt  }
0x46: {  	_ =	shalt  }
0x47: {  	_ =	shalt  }
0x48: {  	_ =	shalt  }
0x49: {  	_ =	shalt  }
0x4a: {  	_ =	shalt  }
0x4b: {  	_ =	shalt  }
0x4c: {  	_ =	shalt  }
0x4d: {  	_ =	shalt  }
0x4e: {  	_ =	shalt  }
0x4f: {  	_ =	shalt  }
0x50: {  	_ =	shalt  }
0x51: {  	_ =	shalt  }
0x52: {  	_ =	shalt  }
0x53: {  	_ =	shalt  }
0x54: {  	_ =	shalt  }
0x55: {  	_ =	shalt  }
0x56: {  	_ =	shalt  }
0x57: {  	_ =	shalt  }
0x58: {  	_ =	shalt  }
0x59: {  	_ =	shalt  }
0x5a: {  	_ =	shalt  }
0x5b: {  	_ =	shalt  }
0x5c: {  	_ =	shalt  }
0x5d: {  	_ =	shalt  }
0x5e: {  	_ =	shalt  }
0x5f: {  	_ =	shalt  }
0x60: {  	_ =	shalt  }
0x61: {  	_ =	shalt  }
0x62: {  	_ =	shalt  }
0x63: {  	_ =	shalt  }
0x64: {  	_ =	shalt  }
0x65: {  	_ =	shalt  }
0x66: {  	_ =	shalt  }
0x67: {  	_ =	shalt  }
0x68: {  	_ =	shalt  }
0x69: {  	_ =	shalt  }
0x6a: {  	_ =	shalt  }
0x6b: {  	_ =	shalt  }
0x6c: {  	_ =	shalt  }
0x6d: {  	_ =	shalt  }
0x6e: {  	_ =	shalt  }
0x6f: {  	_ =	shalt  }
0x70: {  	_ =	shalt  }
0x71: {  	_ =	shalt  }
0x72: {  	_ =	shalt  }
0x73: {  	_ =	shalt  }
0x74: {  	_ =	shalt  }
0x75: {  	_ =	shalt  }
0x76: {  	_ =	shalt  }
0x77: {  	_ =	shalt  }
0x78: {  	_ =	shalt  }
0x79: {  	_ =	shalt  }
0x7a: {  	_ =	shalt  }
0x7b: {  	_ =	shalt  }
0x7c: {  	_ =	shalt  }
0x7d: {  	_ =	shalt  }
0x7e: {  	_ =	shalt  }
0x7f: {  	_ =	shalt  }
0x80: {  	_ =	shalt  }
0x81: {  	_ =	shalt  }
0x82: {  	_ =	shalt  }
0x83: {  	_ =	shalt  }
0x84: {  	_ =	shalt  }
0x85: {  	_ =	shalt  }
0x86: {  	_ =	shalt  }
0x87: {  	_ =	shalt  }
.Lfunc_end0:
.L_simem_size_0:
called_computation.1_lowered:
.L_overlay_start_0:
0x88: {  	s2 =	sld [smem:$0x3FD9]  }
0x89: {  	s3 =	sld [smem:$0x3FFE];
	_ =	sdelay $0x1  }
0x8a: {  	s1 =	srdreg.scid  }
0x8b: {  	s0 =	sand.u32 $0x1, s1  }
0x8c: {  	s14 =	sshll.u32 s0, $0xA;
	s2 =	sadd.s32 s3, s2  }
0x8d: {  	s2 =	sadd.s32 s2, s14  }
0x8e: {  	[smem:$0x3FBE] =	sst s2  }
0x8f: {  	_ = 	snop  }
0x90: {  	s2 =	sld [smem:$0x3FD0];
	_ =	sdelay $0x2  }
0x91: {  	s15 =	simm.s32 $0xA;
	s4 =	simm.s32 $0x10  }
0x92: {  	[smem:s4], [sflag:s15] =	dma.local [hbm:s2], $0x1  }
0x93: {  	_ =	swait.eq [sflag:s15], $0x1  }
0x94: {  	[sflag:s15] =	ssyncset.done $0x0  }
0x95: {  	s16 =	sld [smem:$0x10];
	[sflag:s15] =	ssyncadd.s32 $0xFFFFFFFF  }
0x96: {  	s17 =	sld [smem:$0x11];
	(tm) =	ssettm $0x1  }
0x97: {  	s18 =	sld [smem:$0x3FFB];
	_ =	sdelay $0x3  }
0x98: {  	_ =	strace s18  }
0x99: {  	s4 =	sld [smem:$0x3FFC];
	_ =	sdelay $0x3  }
0x9a: {  	_ =	strace s4  }
0x9b: {  	s4 =	sld [smem:$0x3FFD];
	_ =	sdelay $0x3  }
0x9c: {  	_ =	strace s4  }
0x9d: {  	_ =	strace $0x8FFFFFFF  }
0x9e: {  	s19 =	sld [smem:$0x3FDB];
	_ =	sdelay $0x1  }
0x9f: {  	s5 =	simm.s32 $_scs_section_size  }
0xa0: {  	s6 =	simm.s32 $_size__tile_overlayer_lowered;
	s7 =	simm.s32 $_tile_overlayer_lowered  }
0xa1: {  	s22 =	simm.s32 $0x1BFF;
	s21 =	sshll.u32 s7, $0x1;
	s4 =	sadd.s32 s5, s19  }
0xa2: {  	s8 =	simm.s32 $0x0;
	s20 =	sshll.u32 s6, $0x1;
	s6 =	sadd.s32 s21, s4  }
0xa3: {  	[timem:s8], [sflag:s22] =	dma.local [hbm:s6], s20  }
0xa4: {  	_ =	swait.ge [sflag:s22], s20  }
0xa5: {  	s5 =	ssub.s32 $0x0, s20;
	[sflag:s22] =	ssyncset.done $0x0  }
0xa6: {  	[sflag:s22] =	ssyncadd.s32 s5;
	_ =	sdelay $0x1  }
0xa7: {  	s23 =	simm.s32 $0x1B8B  }
0xa8: {  	_ =	swait.ge [sflag:s23], $0x1  }
0xa9: {  	[sflag:s23] =	ssyncset.done $0x0  }
0xaa: {  	s25 =	simm.s32 $0x1B8E;
	s24 =	sld [smem:$0x3FFE];
	[sflag:s23] =	ssyncadd.s32 $0xFFFFFFFF  }
0xab: {  	s26 =	simm.s32 $execute0_lowered;
	[smem:$0x3FD2] =	sst s25  }
0xac: {  	s6 =	sshll.u32 s26, $0x1;
	_ =	strace $0x80000049;
	[dreg:$0x1] =	wrdreg $0xFFFFFFFF  }
0xad: {  	s28 =	simm.s32 $_size_execute0_lowered;
	s4 =	sadd.s32 s4, s6;
	[dreg:$0x0] =	wrdreg $0x0  }
0xae: {  	s6 =	sshll.u32 s28, $0x1;
	[dreg:$0x2] =	wrdreg s4  }
0xaf: {  	[dreg:$0x3] =	wrdreg s6  }
0xb0: {  	[dreg:$0x4] =	wrdreg $0xC0  }
0xb1: {  	_ =	task [dreg:s8], $0x5FFFF  }
0xb2: {  	[dreg:$0x1] =	wrdreg $0xFFFFFFFF  }
0xb3: {  	[dreg:$0x0] =	wrdreg $0x60  }
0xb4: {  	[dreg:$0x2] =	wrdreg s17  }
0xb5: {  	[dreg:$0x3] =	wrdreg s16  }
0xb6: {  	[dreg:$0x4] =	wrdreg s24  }
0xb7: {  	[dreg:$0x5] =	wrdreg $0xBC000  }
0xb8: {  	[dreg:$0x6] =	wrdreg $0x9  }
0xb9: {  	_ =	task.clear_ibuf [dreg:s8], $0x7FFFF;
	_ =	strace $0x90000049  }
0xba: {  	s29 =	simm.s32 $0x9;
	_ =	strace $0x8000004B  }
0xbb: {  	_ =	swait.ge [sflag:s29], $0x1  }
0xbc: {  	[sflag:s29] =	ssyncadd.s32 $0xFFFFFFFF  }
0xbd: {  	_ =	strace $0x9000004B  }
0xbe: {  	_ =	sfence  }
0xbf: {  	s30 =	sld [smem:$0x0];
	_ =	sdelay $0x2  }
0xc0: {  	s31 =	sshll.u32 s1, $0xD;
	s1 =	sshrl.u32 s1, $0x2  }
0xc1: {  	s3 =	sand.u32 $0x4000, s31;
	s1 =	sadd.s32 s1, s30  }
0xc2: {  	s0 =	sor.u32 s3, s0;
	s1 =	sshll.u32 s1, $0x11  }
0xc3: {  	s0 =	sor.u32 s1, s0  }
0xc4: {  	s0 =	sadd.s32 $0x8F2B, s0  }
0xc5: {  	[sflag:s0] =	ssyncadd.remote.s32 $0x1  }
0xc6: {  	_ =	sfence.sel $0xFFFF  }
0xc7: {  	[dreg:$0x0] =	wrdreg $0xFFFFFFFF;
	(pc) =	sbr.abs _section_cstart, $3  }
0xc8: {  	[dreg:$0x1] =	wrdreg $0xFFFFFFFF  }
0xc9: {  	_ =	task.clear_ibuf [dreg:s8], $0x2FFFF;
	_ =	strace $0x9FFFFFFF  }
0xca: {  	(tm) =	ssettm $0x7FFFFFFF  }
0xcb: {  	_ =	shalt  }
tec
execute0_lowered:
.L_overlay_start_1:
0x0: {  	(tag) =	ssettag $0x1  }
0x1: {  	s0 =	rddreg [dreg:$0x0]  }
0x2: {  	s2 =	rddreg [dreg:$0x1]  }
0x3: {  	s5 =	rddreg [dreg:$0x2]  }
0x4: {  	s1 =	rddreg [dreg:$0x3];
	s3 =	simm.s32 $0x0  }
0x5: {  	s4 =	srdreg.scid;
	s12 =	stileid.u32;
	s16 =	simm.s32 $0x800  }
0x6: {  	s17 =	simm.s32 $0x3;
	s18 =	simm.s32 $0x400;
	s19 =	simm.s32 $0x78  }
0x7: {  	s21 =	simm.s32 $0x4400;
	s22 =	simm.s32 $0x1;
	s23 =	simm.s32 $0x100  }
0x8: {  	s28 =	simm.s32 $0x600;
	s29 =	simm.s32 $0x480;
	s30 =	simm.s32 $0x2  }
0x9: {  	s31 =	simm.s32 $0x500;
	s6 =	sand.u32 $0x1, s4;
	s7 =	smul.u32 $0x4F000, s12  }
0xa: {  	[smem:$0x7FF] =	sst s3;
	s8 =	sshll.u32 s12, $0x1;
	s9 =	smul.u32 $0x28000, s6  }
0xb: {  	s4 =	sadd.s32 $0x3200, s5;
	s8 =	sor.u32 s6, s8;
	s7 =	sshrl.u32 s7, $0x2  }
0xc: {  	s8 =	smul.u32 $0x700, s8;
	s9 =	sadd.s32 s9, s5;
	s5 =	sadd.s32 s7, s1  }
0xd: {  	_ =	strace $0x8000004A;
	s10 =	ssub.s32 $0x2, s6;
	s25 =	sadd.s32 $0x12C00, s5  }
0xe: {  	s11 =	sshrl.u32 s10, $0x1;
	s26 =	sadd.s32 s0, s8;
	[dreg:$0x5] =	wrdreg s25  }
0xf: {  	s24 =	ssub.s32 s10, s11;
	s8 =	sadd.s32 s2, s8;
	[dreg:$0x6] =	wrdreg s26  }
0x10: {  	s20 =	smul.u32 $0x2780, s12;
	s7 =	smax.u32 s24, $0x1;
	[dreg:$0x7] =	wrdreg s8  }
0x11: {  	s6 =	smul.u32 $0x700, s6;
	s24 =	sadd.s32 $0x3C00, s5;
	[dreg:$0x8] =	wrdreg s7  }
0x12: {  	s11 =	sadd.s32 $0x2B200, s9;
	s13 =	sadd.s32 $0xF000, s5;
	[dreg:$0x9] =	wrdreg s24  }
0x13: {  	s25 =	smul.u32 $0xE00, s12;
	s26 =	sadd.s32 $0x7800, s5;
	s12 =	sadd.s32 $0xB400, s5  }
0x14: {  	s24 =	sadd.s32 s20, s11;
	s20 =	simm.s32 $0x700;
	[dreg:$0xa] =	wrdreg s26  }
0x15: {  	s26 =	simm.s32 $0x200;
	s0 =	sadd.s32 s25, s0;
	s2 =	sadd.s32 s25, s2  }
0x16: {  	s25 =	simm.s32 $0x8000;
	s14 =	sadd.s32 s6, s0;
	s15 =	sadd.s32 s6, s2  }
0x17: {  	v0 =	vimm.f32 $0.0e+00;
	s0 =	simm.s32 $0x280;
	s2 =	simm.s32 $0x300;
	s6 =	simm.s32 $0x0  }
.LBB2_1:
0x18: {  	s7 =	simm.s32 $0x70;
	s8 =	simm.s32 $0x3C0  }
.LBB2_2:
0x19: {  	p0 =	sne.s32 s8, $0xEFC0;
	[tilespmem:s7+$0x800] =	vst v0  }
0x1a: {  	[tilespmem:s7+$0x790] =	vst v0  }
0x1b: {  	[tilespmem:s7+$0x7A0] =	vst v0  }
.Ltmp0:
0x1c: {  	[tilespmem:s7+$0x7B0] =	vst v0;
	(pc) =	sbr.rel @p0 .LBB2_2-.Ltmp0, $4  }
0x1d: {  	[tilespmem:s7+$0x7C0] =	vst v0  }
0x1e: {  	[tilespmem:s7+$0x7D0] =	vst v0  }
0x1f: {  	[tilespmem:s7+$0x7E0] =	vst v0  }
0x20: {  	[tilespmem:s7+$0x7F0] =	vst v0;
	s7 =	sshra.s32 s8, $0x2;
	s8 =	sadd.s32 $0x200, s8  }
0x21: {  	[tilespmem:s7+$0x800] =	vst v0  }
0x22: {  	[tilespmem:s7+$0x790] =	vst v0  }
0x23: {  	[tilespmem:s7+$0x7A0] =	vst v0  }
0x24: {  	[tilespmem:s7+$0x7B0] =	vst v0  }
0x25: {  	[tilespmem:s7+$0x7C0] =	vst v0  }
0x26: {  	[tilespmem:s7+$0x7D0] =	vst v0  }
0x27: {  	[tilespmem:s7+$0x7E0] =	vst v0  }
0x28: {  	[tilespmem:s7+$0x7F0] =	vst v0  }
0x29: {  	[spmem:s5] =	stream.linear.scatter [tilespmem:s16], [sflag:$0x3], $0x3C00, $0x38;
	[tilespmem:$0x1F800] =	vst v63  }
0x2a: {  	_ =	swait.ge [sflag:s17], $0x3C00  }
0x2b: {  	[sflag:s17] =	ssyncset.done $0x0  }
0x2c: {  	s11 =	rddreg [dreg:$0x9];
	[sflag:s17] =	ssyncadd.s32 $0xFFFFC400  }
0x2d: {  	[spmem:s11] =	stream.linear.scatter [tilespmem:s16], [sflag:$0x3], $0x3C00, $0x38;
	[tilespmem:$0x1F800] =	vst v63  }
0x2e: {  	_ =	swait.ge [sflag:s17], $0x3C00  }
0x2f: {  	[sflag:s17] =	ssyncset.done $0x0  }
0x30: {  	s8 =	rddreg [dreg:$0xa];
	[sflag:s17] =	ssyncadd.s32 $0xFFFFC400  }
0x31: {  	[spmem:s8] =	stream.linear.scatter [tilespmem:s16], [sflag:$0x3], $0x3C00, $0x38;
	[tilespmem:$0x1F800] =	vst v63  }
0x32: {  	_ =	swait.ge [sflag:s17], $0x3C00  }
0x33: {  	[sflag:s17] =	ssyncset.done $0x0  }
0x34: {  	[sflag:s17] =	ssyncadd.s32 $0xFFFFC400  }
0x35: {  	[spmem:s12] =	stream.linear.scatter [tilespmem:s16], [sflag:$0x3], $0x3C00, $0x38;
	[tilespmem:$0x1F800] =	vst v63  }
0x36: {  	_ =	swait.ge [sflag:s17], $0x3C00  }
0x37: {  	[sflag:s17] =	ssyncset.done $0x0  }
0x38: {  	[sflag:s17] =	ssyncadd.s32 $0xFFFFC400  }
0x39: {  	[spmem:s13] =	stream.linear.scatter [tilespmem:s16], [sflag:$0x3], $0x3C00, $0x38;
	[tilespmem:$0x1F800] =	vst v63  }
0x3a: {  	_ =	swait.ge [sflag:s17], $0x3C00  }
0x3b: {  	[sflag:s17] =	ssyncset.done $0x0  }
0x3c: {  	s9 =	rddreg [dreg:$0x5];
	[sflag:s17] =	ssyncadd.s32 $0xFFFFC400  }
0x3d: {  	[spmem:s9] =	stream.linear.scatter [tilespmem:s16], [sflag:$0x3], $0x1000, $0x38;
	[tilespmem:$0x1F800] =	vst v63  }
0x3e: {  	_ =	swait.ge [sflag:s17], $0x1000  }
0x3f: {  	[sflag:s17] =	ssyncset.done $0x0  }
0x40: {  	[sflag:s17] =	ssyncadd.s32 $0xFFFFF000  }
0x41: {  	[bflag:$0x0] =	sbarrier.arrive $0xFFFF  }
0x42: {  	s7 =	simm.s32 $0x0;
	s8 =	rddreg [dreg:$0x6]  }
0x43: {  	[tilespmem:s7], [sflag:$0x3] =	stream.linear.gather [hbm4b:s8+s7], $0x180, $0x38;
	[tilespmem:$0x1F800] =	vst v63  }
0x44: {  	_ =	swait.ge [sflag:s17], $0x180  }
0x45: {  	[sflag:s17] =	ssyncset.done $0x0  }
0x46: {  	s10 =	rddreg [dreg:$0x7];
	[sflag:s17] =	ssyncadd.s32 $0xFFFFFE80  }
0x47: {  	[tilespmem:s18], [sflag:$0x3] =	stream.linear.gather [hbm4b:s10+s7], $0x180, $0x38;
	[tilespmem:$0x1F800] =	vst v63  }
0x48: {  	_ =	swait.ge [sflag:s17], $0x180  }
0x49: {  	[sflag:s17] =	ssyncset.done $0x0  }
0x4a: {  	[sflag:s17] =	ssyncadd.s32 $0xFFFFFE80  }
0x4b: {  	[tilespmem:s16], [sflag:$0x1] =	stream.indirect.gather [hbm4b:s4+s19], $0x80, s7, s19, $0xb8;
	[tilespmem:$0x1F800] =	vst v63  }
0x4c: {  	s11 =	simm.s32 $0x80  }
0x4d: {  	[tilespmem:s21], [sflag:$0x1] =	stream.indirect.gather [hbm4b:s4+s19], $0x80, s11, s19, $0xb8;
	[tilespmem:$0x1F800] =	vst v63  }
.LBB2_4:
0x4e: {  	_ =	swait.ge [sflag:s22], $0x3C00  }
0x4f: {  	p0 =	seq.s32 s7, $0x0;
	[sflag:s22] =	ssyncset.done $0x0  }
0x50: {  	s8 =	simm.s32 @!p0 $0x2;
	[sflag:s22] =	ssyncadd.s32 $0xFFFFC400  }
0x51: {  	[spmem:s1] =	stream.indirect.scatter.add.f32 [tilespmem:s16], [sflag:$0x2], $0x80, s18, s19, $0xb8;
	[tilespmem:$0x1F800] =	vst v63  }
0x52: {  	_ =	swait.ge @!p0 [sflag:s8], $0x3C00  }
0x53: {  	[sflag:s8] =	ssyncset.done @!p0 $0x0  }
0x54: {  	s10 =	sadd.s32 s7, s14;
	[sflag:s8] =	ssyncadd.s32 @!p0 $0xFFFFC400  }
0x55: {  	[tilespmem:s25], [sflag:$0x1] =	stream.indirect.gather [hbm4b:s4+s19], $0x80, s23, s19, $0xb8;
	[tilespmem:$0x1F800] =	vst v63  }
0x56: {  	s8 =	sadd.s32 $0x40, s10  }
0x57: {  	[tilespmem:s26], [sflag:$0x3] =	stream.linear.gather [hbm4b:s8+s3], $0x180, $0x38;
	[tilespmem:$0x1F800] =	vst v63  }
0x58: {  	_ =	swait.ge [sflag:s17], $0x180  }
0x59: {  	s11 =	sadd.s32 s7, s15;
	[sflag:s17] =	ssyncset.done $0x0  }
0x5a: {  	s8 =	sadd.s32 $0x40, s11;
	[sflag:s17] =	ssyncadd.s32 $0xFFFFFE80  }
0x5b: {  	[tilespmem:s28], [sflag:$0x3] =	stream.linear.gather [hbm4b:s8+s3], $0x180, $0x38;
	[tilespmem:$0x1F800] =	vst v63  }
0x5c: {  	_ =	swait.ge [sflag:s17], $0x180  }
0x5d: {  	[sflag:s17] =	ssyncset.done $0x0  }
0x5e: {  	[sflag:s17] =	ssyncadd.s32 $0xFFFFFE80  }
0x5f: {  	_ =	swait.ge [sflag:s22], $0x3C00  }
0x60: {  	[sflag:s22] =	ssyncset.done $0x0  }
0x61: {  	[sflag:s22] =	ssyncadd.s32 $0xFFFFC400  }
0x62: {  	[spmem:s1] =	stream.indirect.scatter.add.f32 [tilespmem:s21], [sflag:$0x2], $0x80, s29, s19, $0xb8;
	[tilespmem:$0x1F800] =	vst v63  }
0x63: {  	_ =	swait.ge [sflag:s30], $0x3C00  }
0x64: {  	[sflag:s30] =	ssyncset.done $0x0  }
0x65: {  	[sflag:s30] =	ssyncadd.s32 $0xFFFFC400  }
0x66: {  	[tilespmem:s16], [sflag:$0x1] =	stream.indirect.gather [hbm4b:s4+s19], $0x80, s26, s19, $0xb8;
	[tilespmem:$0x1F800] =	vst v63  }
0x67: {  	_ =	swait.ge [sflag:s22], $0x3C00  }
0x68: {  	[sflag:s22] =	ssyncset.done $0x0  }
0x69: {  	[sflag:s22] =	ssyncadd.s32 $0xFFFFC400  }
0x6a: {  	[spmem:s1] =	stream.indirect.scatter.add.f32 [tilespmem:s25], [sflag:$0x2], $0x80, s31, s19, $0xb8;
	[tilespmem:$0x1F800] =	vst v63  }
0x6b: {  	_ =	swait.ge [sflag:s30], $0x3C00  }
0x6c: {  	[sflag:s30] =	ssyncset.done $0x0  }
0x6d: {  	[sflag:s30] =	ssyncadd.s32 $0xFFFFC400  }
0x6e: {  	[tilespmem:s21], [sflag:$0x1] =	stream.indirect.gather [hbm4b:s4+s19], $0x80, s0, s19, $0xb8;
	[tilespmem:$0x1F800] =	vst v63  }
0x6f: {  	_ =	swait.ge [sflag:s22], $0x3C00  }
0x70: {  	[sflag:s22] =	ssyncset.done $0x0  }
0x71: {  	[sflag:s22] =	ssyncadd.s32 $0xFFFFC400  }
0x72: {  	[spmem:s1] =	stream.indirect.scatter.add.f32 [tilespmem:s16], [sflag:$0x2], $0x80, s28, s19, $0xb8;
	[tilespmem:$0x1F800] =	vst v63  }
0x73: {  	_ =	swait.ge [sflag:s30], $0x3C00  }
0x74: {  	p0 =	seq.s32 s7, $0x680;
	[sflag:s30] =	ssyncset.done $0x0  }
0x75: {  	s8 =	simm.s32 @p0 $0x1;
	[sflag:s30] =	ssyncadd.s32 $0xFFFFC400  }
0x76: {  	[tilespmem:s25], [sflag:$0x1] =	stream.indirect.gather [hbm4b:s4+s19], $0x80, s2, s19, $0xb8;
	[tilespmem:$0x1F800] =	vst v63  }
0x77: {  	_ =	swait.ge @p0 [sflag:s8], $0x3C00  }
0x78: {  	s9 =	simm.s32 @p0 $0x680;
	[sflag:s8] =	ssyncset.done @p0 $0x0  }
0x79: {  	s10 =	simm.s32 @p0 $0x4400;
	[sflag:s8] =	ssyncadd.s32 @p0 $0xFFFFC400;
	s8 =	simm.s32 @p0 $0x78  }
0x7a: {  	[spmem:s1] =	stream.indirect.scatter.add.f32 @p0 [tilespmem:s10], [sflag:$0x2], $0x80, s9, s8, $0xb8;
	[tilespmem:$0x1F800] =	vst v63  }
0x7b: {  	s8 =	simm.s32 @p0 $0x2  }
0x7c: {  	_ =	swait.ge @p0 [sflag:s8], $0x3C00  }
0x7d: {  	s9 =	sadd.s32 @!p0 s7, s14;
	[sflag:s8] =	ssyncset.done @p0 $0x0  }
0x7e: {  	[sflag:s8] =	ssyncadd.s32 @p0 $0xFFFFC400;
	s8 =	sadd.s32 @!p0 $0x80, s9;
	s9 =	simm.s32 @!p0 $0x0  }
0x7f: {  	[tilespmem:s9], [sflag:$0x3] =	stream.linear.gather @!p0 [hbm4b:s8+s9], $0x180, $0x38;
	[tilespmem:$0x1F800] =	vst v63  }
0x80: {  	s8 =	simm.s32 @!p0 $0x3  }
0x81: {  	_ =	swait.ge @!p0 [sflag:s8], $0x180  }
0x82: {  	s10 =	sadd.s32 @!p0 s7, s15;
	[sflag:s8] =	ssyncset.done @!p0 $0x0  }
0x83: {  	s11 =	simm.s32 @!p0 $0x400;
	s10 =	sadd.s32 @!p0 $0x80, s10;
	[sflag:s8] =	ssyncadd.s32 @!p0 $0xFFFFFE80  }
0x84: {  	[tilespmem:s11], [sflag:$0x3] =	stream.linear.gather @!p0 [hbm4b:s10+s9], $0x180, $0x38;
	[tilespmem:$0x1F800] =	vst v63  }
0x85: {  	_ =	swait.ge @!p0 [sflag:s8], $0x180  }
0x86: {  	[sflag:s8] =	ssyncset.done @!p0 $0x0  }
0x87: {  	[sflag:s8] =	ssyncadd.s32 @!p0 $0xFFFFFE80;
	s8 =	simm.s32 @!p0 $0x1  }
0x88: {  	_ =	swait.ge @!p0 [sflag:s8], $0x3C00  }
0x89: {  	s10 =	simm.s32 @!p0 $0x680;
	[sflag:s8] =	ssyncset.done @!p0 $0x0  }
0x8a: {  	s11 =	simm.s32 @!p0 $0x4400;
	[sflag:s8] =	ssyncadd.s32 @!p0 $0xFFFFC400;
	s8 =	simm.s32 @!p0 $0x78  }
0x8b: {  	[spmem:s1] =	stream.indirect.scatter.add.f32 @!p0 [tilespmem:s11], [sflag:$0x2], $0x80, s10, s8, $0xb8;
	[tilespmem:$0x1F800] =	vst v63  }
0x8c: {  	s10 =	simm.s32 @!p0 $0x2  }
0x8d: {  	_ =	swait.ge @!p0 [sflag:s10], $0x3C00  }
0x8e: {  	[sflag:s10] =	ssyncset.done @!p0 $0x0  }
0x8f: {  	[sflag:s10] =	ssyncadd.s32 @!p0 $0xFFFFC400;
	s10 =	simm.s32 @!p0 $0x800  }
0x90: {  	[tilespmem:s10], [sflag:$0x1] =	stream.indirect.gather @!p0 [hbm4b:s4+s8], $0x80, s9, s8, $0xb8;
	[tilespmem:$0x1F800] =	vst v63  }
0x91: {  	_ =	swait.ge [sflag:s22], $0x3C00  }
0x92: {  	[sflag:s22] =	ssyncset.done $0x0  }
0x93: {  	[sflag:s22] =	ssyncadd.s32 $0xFFFFC400  }
0x94: {  	[spmem:s1] =	stream.indirect.scatter.add.f32 [tilespmem:s25], [sflag:$0x2], $0x80, s20, s19, $0xb8;
	[tilespmem:$0x1F800] =	vst v63  }
0x95: {  	_ =	swait.ge [sflag:s30], $0x3C00  }
0x96: {  	s7 =	sadd.s32 @!p0 $0x80, s7;
	[sflag:s30] =	ssyncset.done $0x0  }
0x97: {  	p1 =	sne.s32 @!p0 s7, $0x700;
	s9 =	simm.s32 @!p0 $0x80;
	[sflag:s30] =	ssyncadd.s32 $0xFFFFC400  }
0x98: {  	[tilespmem:s11], [sflag:$0x1] =	stream.indirect.gather @!p0 [hbm4b:s4+s8], $0x80, s9, s8, $0xb8;
	[tilespmem:$0x1F800] =	vst v63  }
0x99: {  	p0 =	por p0, !p1  }
.Ltmp1:
0x9a: {  	_ = 	snop;
	(pc) =	sbr.rel @!p0 .LBB2_4-.Ltmp1, $1  }
0x9b: {  	_ =	sdelay $0x3  }
0x9c: {  	_ =	swait.ge [sflag:s30], $0x3C00  }
0x9d: {  	s7 =	stileid.u32;
	[sflag:s30] =	ssyncset.done $0x0  }
0x9e: {  	s7 =	sshll.u32 s7, $0x6;
	[sflag:s30] =	ssyncadd.s32 $0xFFFFC400  }
0x9f: {  	s8 =	sshrl.u32 s5, $0x3;
	s7 =	sor.u32 $0x1C03, s7;
	[bflag:$0x0] =	sbarrier.arrive $0xFFFF  }
0xa0: {  	[hbm:s24], [sflag:s7] =	dma.local [spmem:s8], $0x2780  }
0xa1: {  	_ =	swait.ge [sflag:s17], $0x2780  }
0xa2: {  	s6 =	sadd.s32 $0x1, s6;
	s11 =	rddreg [dreg:$0x8]  }
0xa3: {  	p0 =	sne.s32 s6, s11  }
.Ltmp2:
0xa4: {  	_ = 	snop;
	(pc) =	sbr.rel @p0 .LBB2_1-.Ltmp2, $3  }
0xa5: {  	_ =	sdelay $0x1  }
0xa6: {  	[sflag:s17] =	ssyncset.done $0x0  }
0xa7: {  	[sflag:s17] =	ssyncadd.s32 $0xFFFFD880  }
0xa8: {  	_ =	sfence.sel $0x180000  }
0xa9: {  	[bflag:$0x0] =	sbarrier.arrive $0xFFFF  }
0xaa: {  	_ =	strace $0x9000004A  }
0xab: {  	s0 =	stileid.u32;
	[bflag:$0x2] =	sbarrier.arrive $0xFFFF  }
0xac: {  	p0 =	sne.s32 s0, $0x0;
	s0 =	rddreg [dreg:$0x4]  }
0xad: {  	s0 =	sadd.s32 @!p0 $0x100000, s0  }
0xae: {  	[sflag:s0] =	ssyncadd.tile.s32 @!p0 $0x1;
	_ =	shalt  }
.Lfunc_end2:
_tile_overlayer_lowered:
.L_overlay_start_2:
0xaf: {  	(tag) =	ssettag $0x2  }
0xb0: {  	s0 =	rddreg [dreg:$0x0];
	s2 =	stileid.u32  }
0xb1: {  	s1 =	rddreg [dreg:$0x1];
	p0 =	sne.s32 s2, $0x0  }
0xb2: {  	s3 =	rddreg [dreg:$0x2];
	[bflag:$0x3] =	sbarrier.arrive $0xFFFF;
	s2 =	simm.s32 @!p0 $0x1C03  }
0xb3: {  	[timem:s3], [sflag:s2] =	dma.local @!p0 [hbm:s0], s1  }
0xb4: {  	s0 =	simm.s32 @!p0 $0x3  }
0xb5: {  	_ =	swait.ge @!p0 [sflag:s0], s1  }
0xb6: {  	s1 =	ssub.s32 @!p0 $0x0, s1;
	[sflag:s0] =	ssyncset.done @!p0 $0x0  }
0xb7: {  	[sflag:s0] =	ssyncadd.s32 @!p0 s1  }
0xb8: {  	[bflag:$0x3] =	sbarrier.arrive $0xFFFF  }
0xb9: {  	_ =	shalt  }

// kernel: kernel.14.cloned.1.call-start
scs
__scs_entry_jumppad:
0x0: {  	(pc) =	sbr.rel $0x88, $3  }
0x1: {  	(tag) =	ssettag $0x0;
	lr =	simm.s32 $0x1  }
0x2: {  	[smem:$0x3F97] =	sst lr;
	_ =	strace $0xD0000000  }
0x3: {  	_ = 	snop  }
0x4: {  	_ = 	snop  }
0x5: {  	_ = 	snop  }
0x6: {  	_ = 	snop  }
0x7: {  	_ = 	snop  }
__scs_overlays_trampoline_lowered:
0x8: {  	[smem:$0x3FA6] =	sst s0  }
0x9: {  	[smem:$0x3FA7] =	sst s1  }
0xa: {  	[smem:$0x3FA8] =	sst s2  }
0xb: {  	[smem:$0x3FA9] =	sst s3  }
0xc: {  	[smem:$0x3FAA] =	sst s4  }
0xd: {  	[smem:$0x3FAB] =	sst s5  }
0xe: {  	[smem:$0x3FAC] =	sst s6  }
0xf: {  	[smem:$0x3FAD] =	sst s7  }
0x10: {  	[smem:$0x3FAE] =	sst s8  }
0x11: {  	[smem:$0x3FAF] =	sst s9;
	s0 =	simm.s32 @!p0 $0x0  }
0x12: {  	s1 =	sld [smem:$0x3F95];
	s0 =	simm.s32 @p0 $0x1  }
0x13: {  	[smem:$0x3FB0] =	sst s0;
	s0 =	simm.s32 @!p1 $0x0  }
0x14: {  	s2 =	sld [smem:$0x3F94];
	s0 =	simm.s32 @p1 $0x1  }
0x15: {  	[smem:$0x3FB1] =	sst s0;
	s0 =	simm.s32 @!p2 $0x0  }
0x16: {  	s3 =	sld [smem:$0x3FDB];
	s0 =	simm.s32 @p2 $0x1  }
0x17: {  	s4 =	simm.s32 $0x1BF5;
	[smem:$0x3FB3] =	sst s0  }
0x18: {  	s0 =	sld [smem:$0x3F96];
	_ =	swait.ge [sflag:s4], $0x0  }
0x19: {  	s7 =	sld [smem:$0x3F97]  }
0x1a: {  	s8 =	sadd.s32 $0xFFFFE003, lr  }
0x1b: {  	s9 =	sadd.s32 $0xFFFFFEF7, lr;
	s5 =	simm.s32 $0xFFFFFFFF;
	p2 =	slt.u32 s8, $0xFFFFF086  }
0x1c: {  	p1 =	slt.u32 s9, $0xF7A;
	s5 =	simm.s32 @!p2 $0x0  }
0x1d: {  	s5 =	simm.s32 @p1 $0x1;
	p0 =	seq.s32 s7, s2  }
0x1e: {  	s7 =	smul.u32 @!p0 $0xF7A, s2;
	p2 =	seq.s32 @!p0 s5, $0x0  }
0x1f: {  	s9 =	smul.u32 $0xF7A, s1;
	s8 =	simm.s32 @!p0 $0x1BF5;
	p2 =	por !p2, p0  }
0x20: {  	[sflag:s8] =	ssyncset.s32 @!p0 $0xFFFFF086;
	s6 =	sadd.s32 @!p0 s3, s7;
	s7 =	simm.s32 @!p0 $0x108  }
0x21: {  	s3 =	sadd.s32 s3, s9;
	s6 =	sadd.s32 @!p0 $0x88, s6;
	s7 =	simm.s32 @p2 $0x1082  }
0x22: {  	[simem:s7], [sflag:s8] =	dma.local @!p0 [hbm:s6], $0xF7A  }
0x23: {  	s9 =	sor.u32 $0xD0000000, s2;
	s6 =	simm.s32 $0x108;
	_ =	swait.ge @!p0 [sflag:s8], $0x0  }
0x24: {  	s3 =	sadd.s32 $0x88, s3;
	s6 =	simm.s32 @!p1 $0x1082;
	[sflag:s4] =	ssyncset.s32 $0xFFFFF086  }
0x25: {  	[simem:s6], [sflag:s4] =	dma.local [hbm:s3], $0xF7A  }
0x26: {  	[smem:$0x3F97] =	sst s1;
	(tag) =	ssettag s2;
	_ =	strace s9  }
0x27: {  	s1 =	sld [smem:$0x3FA7]  }
0x28: {  	s2 =	sld [smem:$0x3FA8]  }
0x29: {  	s4 =	sld [smem:$0x3FAA]  }
0x2a: {  	p0 =	seq.s32 s5, $0x0;
	s5 =	sld [smem:$0x3FAB]  }
0x2b: {  	s6 =	sld [smem:$0x3FAC]  }
0x2c: {  	s7 =	sld [smem:$0x3FAD]  }
0x2d: {  	s3 =	simm.s32 $0x108;
	s8 =	sld [smem:$0x3FAE]  }
0x2e: {  	s3 =	simm.s32 @!p0 $0x1082;
	s9 =	sld [smem:$0x3FAF]  }
0x2f: {  	lr =	sadd.s32 s0, s3;
	s0 =	sld [smem:$0x3FA6]  }
0x30: {  	s3 =	sld [smem:$0x3FA9]  }
0x31: {  	[smem:$0x3FB2] =	sst s10  }
0x32: {  	s10 =	sld [smem:$0x3FB0];
	_ =	sdelay $0x3  }
0x33: {  	p0 =	seq.s32 s10, $0x1;
	s10 =	sld [smem:$0x3FB2];
	_ =	sdelay $0x3  }
0x34: {  	[smem:$0x3FB2] =	sst s10  }
0x35: {  	s10 =	sld [smem:$0x3FB1];
	_ =	sdelay $0x3  }
0x36: {  	p1 =	seq.s32 s10, $0x1;
	s10 =	sld [smem:$0x3FB2];
	_ =	sdelay $0x3  }
0x37: {  	[smem:$0x3FB2] =	sst s10  }
0x38: {  	s10 =	sld [smem:$0x3FB3]  }
0x39: {  	_ = 	snop;
	(pc) =	sbr.ind lr, $3  }
0x3a: {  	_ = 	snop  }
0x3b: {  	_ = 	snop  }
0x3c: {  	p2 =	seq.s32 s10, $0x1;
	s10 =	sld [smem:$0x3FB2]  }
0x3d: {  	_ =	shalt  }
0x3e: {  	_ =	shalt  }
0x3f: {  	_ =	shalt  }
0x40: {  	_ =	shalt  }
0x41: {  	_ =	shalt  }
0x42: {  	_ =	shalt  }
0x43: {  	_ =	shalt  }
0x44: {  	_ =	shalt  }
0x45: {  	_ =	shalt  }
0x46: {  	_ =	shalt  }
0x47: {  	_ =	shalt  }
0x48: {  	_ =	shalt  }
0x49: {  	_ =	shalt  }
0x4a: {  	_ =	shalt  }
0x4b: {  	_ =	shalt  }
0x4c: {  	_ =	shalt  }
0x4d: {  	_ =	shalt  }
0x4e: {  	_ =	shalt  }
0x4f: {  	_ =	shalt  }
0x50: {  	_ =	shalt  }
0x51: {  	_ =	shalt  }
0x52: {  	_ =	shalt  }
0x53: {  	_ =	shalt  }
0x54: {  	_ =	shalt  }
0x55: {  	_ =	shalt  }
0x56: {  	_ =	shalt  }
0x57: {  	_ =	shalt  }
0x58: {  	_ =	shalt  }
0x59: {  	_ =	shalt  }
0x5a: {  	_ =	shalt  }
0x5b: {  	_ =	shalt  }
0x5c: {  	_ =	shalt  }
0x5d: {  	_ =	shalt  }
0x5e: {  	_ =	shalt  }
0x5f: {  	_ =	shalt  }
0x60: {  	_ =	shalt  }
0x61: {  	_ =	shalt  }
0x62: {  	_ =	shalt  }
0x63: {  	_ =	shalt  }
0x64: {  	_ =	shalt  }
0x65: {  	_ =	shalt  }
0x66: {  	_ =	shalt  }
0x67: {  	_ =	shalt  }
0x68: {  	_ =	shalt  }
0x69: {  	_ =	shalt  }
0x6a: {  	_ =	shalt  }
0x6b: {  	_ =	shalt  }
0x6c: {  	_ =	shalt  }
0x6d: {  	_ =	shalt  }
0x6e: {  	_ =	shalt  }
0x6f: {  	_ =	shalt  }
0x70: {  	_ =	shalt  }
0x71: {  	_ =	shalt  }
0x72: {  	_ =	shalt  }
0x73: {  	_ =	shalt  }
0x74: {  	_ =	shalt  }
0x75: {  	_ =	shalt  }
0x76: {  	_ =	shalt  }
0x77: {  	_ =	shalt  }
0x78: {  	_ =	shalt  }
0x79: {  	_ =	shalt  }
0x7a: {  	_ =	shalt  }
0x7b: {  	_ =	shalt  }
0x7c: {  	_ =	shalt  }
0x7d: {  	_ =	shalt  }
0x7e: {  	_ =	shalt  }
0x7f: {  	_ =	shalt  }
0x80: {  	_ =	shalt  }
0x81: {  	_ =	shalt  }
0x82: {  	_ =	shalt  }
0x83: {  	_ =	shalt  }
0x84: {  	_ =	shalt  }
0x85: {  	_ =	shalt  }
0x86: {  	_ =	shalt  }
0x87: {  	_ =	shalt  }
.Lfunc_end0:
.L_simem_size_0:
called_computation.2_lowered:
.L_overlay_start_0:
0x88: {  	s2 =	sld [smem:$0x3FD9]  }
0x89: {  	s3 =	sld [smem:$0x3FFE];
	_ =	sdelay $0x1  }
0x8a: {  	s1 =	srdreg.scid  }
0x8b: {  	s0 =	sand.u32 $0x1, s1  }
0x8c: {  	s14 =	sshll.u32 s0, $0xA;
	s2 =	sadd.s32 s3, s2  }
0x8d: {  	s2 =	sadd.s32 s2, s14  }
0x8e: {  	[smem:$0x3FBE] =	sst s2  }
0x8f: {  	_ = 	snop  }
0x90: {  	s2 =	sld [smem:$0x3FD0];
	_ =	sdelay $0x2  }
0x91: {  	s15 =	simm.s32 $0xA;
	s4 =	simm.s32 $0x10  }
0x92: {  	[smem:s4], [sflag:s15] =	dma.local [hbm:s2], $0x1  }
0x93: {  	_ =	swait.eq [sflag:s15], $0x1  }
0x94: {  	[sflag:s15] =	ssyncset.done $0x0  }
0x95: {  	s16 =	sld [smem:$0x10];
	[sflag:s15] =	ssyncadd.s32 $0xFFFFFFFF  }
0x96: {  	s17 =	sld [smem:$0x11];
	(tm) =	ssettm $0x1  }
0x97: {  	s18 =	sld [smem:$0x3FFB];
	_ =	sdelay $0x3  }
0x98: {  	_ =	strace s18  }
0x99: {  	s4 =	sld [smem:$0x3FFC];
	_ =	sdelay $0x3  }
0x9a: {  	_ =	strace s4  }
0x9b: {  	s4 =	sld [smem:$0x3FFD];
	_ =	sdelay $0x3  }
0x9c: {  	_ =	strace s4  }
0x9d: {  	_ =	strace $0x8FFFFFFF  }
0x9e: {  	s19 =	sld [smem:$0x3FDB];
	_ =	sdelay $0x1  }
0x9f: {  	s5 =	simm.s32 $_scs_section_size  }
0xa0: {  	s6 =	simm.s32 $_size__tile_overlayer_lowered;
	s7 =	simm.s32 $_tile_overlayer_lowered  }
0xa1: {  	s22 =	simm.s32 $0x1BFF;
	s21 =	sshll.u32 s7, $0x1;
	s4 =	sadd.s32 s5, s19  }
0xa2: {  	s8 =	simm.s32 $0x0;
	s20 =	sshll.u32 s6, $0x1;
	s6 =	sadd.s32 s21, s4  }
0xa3: {  	[timem:s8], [sflag:s22] =	dma.local [hbm:s6], s20  }
0xa4: {  	_ =	swait.ge [sflag:s22], s20  }
0xa5: {  	s5 =	ssub.s32 $0x0, s20;
	[sflag:s22] =	ssyncset.done $0x0  }
0xa6: {  	[sflag:s22] =	ssyncadd.s32 s5;
	_ =	sdelay $0x1  }
0xa7: {  	s23 =	simm.s32 $0x1B8B  }
0xa8: {  	_ =	swait.ge [sflag:s23], $0x1  }
0xa9: {  	[sflag:s23] =	ssyncset.done $0x0  }
0xaa: {  	s25 =	simm.s32 $0x1B8E;
	s24 =	sld [smem:$0x3FFE];
	[sflag:s23] =	ssyncadd.s32 $0xFFFFFFFF  }
0xab: {  	s26 =	simm.s32 $execute0_lowered;
	[smem:$0x3FD2] =	sst s25  }
0xac: {  	s6 =	sshll.u32 s26, $0x1;
	_ =	strace $0x8000004C;
	[dreg:$0x1] =	wrdreg $0xFFFFFFFF  }
0xad: {  	s28 =	simm.s32 $_size_execute0_lowered;
	s4 =	sadd.s32 s4, s6;
	[dreg:$0x0] =	wrdreg $0x0  }
0xae: {  	s6 =	sshll.u32 s28, $0x1;
	[dreg:$0x2] =	wrdreg s4  }
0xaf: {  	[dreg:$0x3] =	wrdreg s6  }
0xb0: {  	[dreg:$0x4] =	wrdreg $0xC0  }
0xb1: {  	_ =	task [dreg:s8], $0x5FFFF  }
0xb2: {  	[dreg:$0x1] =	wrdreg $0xFFFFFFFF  }
0xb3: {  	[dreg:$0x0] =	wrdreg $0x60  }
0xb4: {  	[dreg:$0x2] =	wrdreg s17  }
0xb5: {  	[dreg:$0x3] =	wrdreg s16  }
0xb6: {  	[dreg:$0x4] =	wrdreg s24  }
0xb7: {  	[dreg:$0x5] =	wrdreg $0xBC000  }
0xb8: {  	[dreg:$0x6] =	wrdreg $0x9  }
0xb9: {  	_ =	task.clear_ibuf [dreg:s8], $0x7FFFF;
	_ =	strace $0x9000004C  }
0xba: {  	s29 =	simm.s32 $0x9;
	_ =	strace $0x8000004E  }
0xbb: {  	_ =	swait.ge [sflag:s29], $0x1  }
0xbc: {  	[sflag:s29] =	ssyncadd.s32 $0xFFFFFFFF  }
0xbd: {  	_ =	strace $0x9000004E  }
0xbe: {  	_ =	sfence  }
0xbf: {  	s30 =	sld [smem:$0x0];
	_ =	sdelay $0x2  }
0xc0: {  	s31 =	sshll.u32 s1, $0xD;
	s1 =	sshrl.u32 s1, $0x2  }
0xc1: {  	s3 =	sand.u32 $0x4000, s31;
	s1 =	sadd.s32 s1, s30  }
0xc2: {  	s0 =	sor.u32 s3, s0;
	s1 =	sshll.u32 s1, $0x11  }
0xc3: {  	s0 =	sor.u32 s1, s0  }
0xc4: {  	s0 =	sadd.s32 $0x8F2B, s0  }
0xc5: {  	[sflag:s0] =	ssyncadd.remote.s32 $0x1  }
0xc6: {  	_ =	sfence.sel $0xFFFF  }
0xc7: {  	[dreg:$0x0] =	wrdreg $0xFFFFFFFF;
	(pc) =	sbr.abs _section_cstart, $3  }
0xc8: {  	[dreg:$0x1] =	wrdreg $0xFFFFFFFF  }
0xc9: {  	_ =	task.clear_ibuf [dreg:s8], $0x2FFFF;
	_ =	strace $0x9FFFFFFF  }
0xca: {  	(tm) =	ssettm $0x7FFFFFFF  }
0xcb: {  	_ =	shalt  }
tec
execute0_lowered:
.L_overlay_start_1:
0x0: {  	(tag) =	ssettag $0x1  }
0x1: {  	s0 =	rddreg [dreg:$0x0]  }
0x2: {  	s2 =	rddreg [dreg:$0x1]  }
0x3: {  	s5 =	rddreg [dreg:$0x2]  }
0x4: {  	s1 =	rddreg [dreg:$0x3];
	s3 =	simm.s32 $0x0  }
0x5: {  	s4 =	srdreg.scid;
	s12 =	stileid.u32;
	s16 =	simm.s32 $0x800  }
0x6: {  	s17 =	simm.s32 $0x3;
	s18 =	simm.s32 $0x400;
	s19 =	simm.s32 $0x78  }
0x7: {  	s21 =	simm.s32 $0x4400;
	s22 =	simm.s32 $0x1;
	s23 =	simm.s32 $0x100  }
0x8: {  	s28 =	simm.s32 $0x600;
	s29 =	simm.s32 $0x480;
	s30 =	simm.s32 $0x2  }
0x9: {  	s31 =	simm.s32 $0x500;
	s6 =	sand.u32 $0x1, s4;
	s7 =	smul.u32 $0x4F000, s12  }
0xa: {  	[smem:$0x7FF] =	sst s3;
	s8 =	sshll.u32 s12, $0x1;
	s9 =	smul.u32 $0x28000, s6  }
0xb: {  	s4 =	sadd.s32 $0x3200, s5;
	s8 =	sor.u32 s6, s8;
	s7 =	sshrl.u32 s7, $0x2  }
0xc: {  	s8 =	smul.u32 $0x700, s8;
	s9 =	sadd.s32 s9, s5;
	s5 =	sadd.s32 s7, s1  }
0xd: {  	_ =	strace $0x8000004D;
	s10 =	ssub.s32 $0x2, s6;
	s25 =	sadd.s32 $0x12C00, s5  }
0xe: {  	s11 =	sshrl.u32 s10, $0x1;
	s26 =	sadd.s32 s0, s8;
	[dreg:$0x5] =	wrdreg s25  }
0xf: {  	s24 =	ssub.s32 s10, s11;
	s8 =	sadd.s32 s2, s8;
	[dreg:$0x6] =	wrdreg s26  }
0x10: {  	s20 =	smul.u32 $0x2780, s12;
	s7 =	smax.u32 s24, $0x1;
	[dreg:$0x7] =	wrdreg s8  }
0x11: {  	s6 =	smul.u32 $0x700, s6;
	s24 =	sadd.s32 $0x3C00, s5;
	[dreg:$0x8] =	wrdreg s7  }
0x12: {  	s11 =	sadd.s32 $0x2B200, s9;
	s13 =	sadd.s32 $0xF000, s5;
	[dreg:$0x9] =	wrdreg s24  }
0x13: {  	s25 =	smul.u32 $0xE00, s12;
	s26 =	sadd.s32 $0x7800, s5;
	s12 =	sadd.s32 $0xB400, s5  }
0x14: {  	s24 =	sadd.s32 s20, s11;
	s20 =	simm.s32 $0x700;
	[dreg:$0xa] =	wrdreg s26  }
0x15: {  	s26 =	simm.s32 $0x200;
	s0 =	sadd.s32 s25, s0;
	s2 =	sadd.s32 s25, s2  }
0x16: {  	s25 =	simm.s32 $0x8000;
	s14 =	sadd.s32 s6, s0;
	s15 =	sadd.s32 s6, s2  }
0x17: {  	v0 =	vimm.f32 $0.0e+00;
	s0 =	simm.s32 $0x280;
	s2 =	simm.s32 $0x300;
	s6 =	simm.s32 $0x0  }
.LBB2_1:
0x18: {  	s7 =	simm.s32 $0x70;
	s8 =	simm.s32 $0x3C0  }
.LBB2_2:
0x19: {  	p0 =	sne.s32 s8, $0xEFC0;
	[tilespmem:s7+$0x800] =	vst v0  }
0x1a: {  	[tilespmem:s7+$0x790] =	vst v0  }
0x1b: {  	[tilespmem:s7+$0x7A0] =	vst v0  }
.Ltmp0:
0x1c: {  	[tilespmem:s7+$0x7B0] =	vst v0;
	(pc) =	sbr.rel @p0 .LBB2_2-.Ltmp0, $4  }
0x1d: {  	[tilespmem:s7+$0x7C0] =	vst v0  }
0x1e: {  	[tilespmem:s7+$0x7D0] =	vst v0  }
0x1f: {  	[tilespmem:s7+$0x7E0] =	vst v0  }
0x20: {  	[tilespmem:s7+$0x7F0] =	vst v0;
	s7 =	sshra.s32 s8, $0x2;
	s8 =	sadd.s32 $0x200, s8  }
0x21: {  	[tilespmem:s7+$0x800] =	vst v0  }
0x22: {  	[tilespmem:s7+$0x790] =	vst v0  }
0x23: {  	[tilespmem:s7+$0x7A0] =	vst v0  }
0x24: {  	[tilespmem:s7+$0x7B0] =	vst v0  }
0x25: {  	[tilespmem:s7+$0x7C0] =	vst v0  }
0x26: {  	[tilespmem:s7+$0x7D0] =	vst v0  }
0x27: {  	[tilespmem:s7+$0x7E0] =	vst v0  }
0x28: {  	[tilespmem:s7+$0x7F0] =	vst v0  }
0x29: {  	[spmem:s5] =	stream.linear.scatter [tilespmem:s16], [sflag:$0x3], $0x3C00, $0x38;
	[tilespmem:$0x1F800] =	vst v63  }
0x2a: {  	_ =	swait.ge [sflag:s17], $0x3C00  }
0x2b: {  	[sflag:s17] =	ssyncset.done $0x0  }
0x2c: {  	s11 =	rddreg [dreg:$0x9];
	[sflag:s17] =	ssyncadd.s32 $0xFFFFC400  }
0x2d: {  	[spmem:s11] =	stream.linear.scatter [tilespmem:s16], [sflag:$0x3], $0x3C00, $0x38;
	[tilespmem:$0x1F800] =	vst v63  }
0x2e: {  	_ =	swait.ge [sflag:s17], $0x3C00  }
0x2f: {  	[sflag:s17] =	ssyncset.done $0x0  }
0x30: {  	s8 =	rddreg [dreg:$0xa];
	[sflag:s17] =	ssyncadd.s32 $0xFFFFC400  }
0x31: {  	[spmem:s8] =	stream.linear.scatter [tilespmem:s16], [sflag:$0x3], $0x3C00, $0x38;
	[tilespmem:$0x1F800] =	vst v63  }
0x32: {  	_ =	swait.ge [sflag:s17], $0x3C00  }
0x33: {  	[sflag:s17] =	ssyncset.done $0x0  }
0x34: {  	[sflag:s17] =	ssyncadd.s32 $0xFFFFC400  }
0x35: {  	[spmem:s12] =	stream.linear.scatter [tilespmem:s16], [sflag:$0x3], $0x3C00, $0x38;
	[tilespmem:$0x1F800] =	vst v63  }
0x36: {  	_ =	swait.ge [sflag:s17], $0x3C00  }
0x37: {  	[sflag:s17] =	ssyncset.done $0x0  }
0x38: {  	[sflag:s17] =	ssyncadd.s32 $0xFFFFC400  }
0x39: {  	[spmem:s13] =	stream.linear.scatter [tilespmem:s16], [sflag:$0x3], $0x3C00, $0x38;
	[tilespmem:$0x1F800] =	vst v63  }
0x3a: {  	_ =	swait.ge [sflag:s17], $0x3C00  }
0x3b: {  	[sflag:s17] =	ssyncset.done $0x0  }
0x3c: {  	s9 =	rddreg [dreg:$0x5];
	[sflag:s17] =	ssyncadd.s32 $0xFFFFC400  }
0x3d: {  	[spmem:s9] =	stream.linear.scatter [tilespmem:s16], [sflag:$0x3], $0x1000, $0x38;
	[tilespmem:$0x1F800] =	vst v63  }
0x3e: {  	_ =	swait.ge [sflag:s17], $0x1000  }
0x3f: {  	[sflag:s17] =	ssyncset.done $0x0  }
0x40: {  	[sflag:s17] =	ssyncadd.s32 $0xFFFFF000  }
0x41: {  	[bflag:$0x0] =	sbarrier.arrive $0xFFFF  }
0x42: {  	s7 =	simm.s32 $0x0;
	s8 =	rddreg [dreg:$0x6]  }
0x43: {  	[tilespmem:s7], [sflag:$0x3] =	stream.linear.gather [hbm4b:s8+s7], $0x180, $0x38;
	[tilespmem:$0x1F800] =	vst v63  }
0x44: {  	_ =	swait.ge [sflag:s17], $0x180  }
0x45: {  	[sflag:s17] =	ssyncset.done $0x0  }
0x46: {  	s10 =	rddreg [dreg:$0x7];
	[sflag:s17] =	ssyncadd.s32 $0xFFFFFE80  }
0x47: {  	[tilespmem:s18], [sflag:$0x3] =	stream.linear.gather [hbm4b:s10+s7], $0x180, $0x38;
	[tilespmem:$0x1F800] =	vst v63  }
0x48: {  	_ =	swait.ge [sflag:s17], $0x180  }
0x49: {  	[sflag:s17] =	ssyncset.done $0x0  }
0x4a: {  	[sflag:s17] =	ssyncadd.s32 $0xFFFFFE80  }
0x4b: {  	[tilespmem:s16], [sflag:$0x1] =	stream.indirect.gather [hbm4b:s4+s19], $0x80, s7, s19, $0xb8;
	[tilespmem:$0x1F800] =	vst v63  }
0x4c: {  	s11 =	simm.s32 $0x80  }
0x4d: {  	[tilespmem:s21], [sflag:$0x1] =	stream.indirect.gather [hbm4b:s4+s19], $0x80, s11, s19, $0xb8;
	[tilespmem:$0x1F800] =	vst v63  }
.LBB2_4:
0x4e: {  	_ =	swait.ge [sflag:s22], $0x3C00  }
0x4f: {  	p0 =	seq.s32 s7, $0x0;
	[sflag:s22] =	ssyncset.done $0x0  }
0x50: {  	s8 =	simm.s32 @!p0 $0x2;
	[sflag:s22] =	ssyncadd.s32 $0xFFFFC400  }
0x51: {  	[spmem:s1] =	stream.indirect.scatter.add.f32 [tilespmem:s16], [sflag:$0x2], $0x80, s18, s19, $0xb8;
	[tilespmem:$0x1F800] =	vst v63  }
0x52: {  	_ =	swait.ge @!p0 [sflag:s8], $0x3C00  }
0x53: {  	[sflag:s8] =	ssyncset.done @!p0 $0x0  }
0x54: {  	s10 =	sadd.s32 s7, s14;
	[sflag:s8] =	ssyncadd.s32 @!p0 $0xFFFFC400  }
0x55: {  	[tilespmem:s25], [sflag:$0x1] =	stream.indirect.gather [hbm4b:s4+s19], $0x80, s23, s19, $0xb8;
	[tilespmem:$0x1F800] =	vst v63  }
0x56: {  	s8 =	sadd.s32 $0x40, s10  }
0x57: {  	[tilespmem:s26], [sflag:$0x3] =	stream.linear.gather [hbm4b:s8+s3], $0x180, $0x38;
	[tilespmem:$0x1F800] =	vst v63  }
0x58: {  	_ =	swait.ge [sflag:s17], $0x180  }
0x59: {  	s11 =	sadd.s32 s7, s15;
	[sflag:s17] =	ssyncset.done $0x0  }
0x5a: {  	s8 =	sadd.s32 $0x40, s11;
	[sflag:s17] =	ssyncadd.s32 $0xFFFFFE80  }
0x5b: {  	[tilespmem:s28], [sflag:$0x3] =	stream.linear.gather [hbm4b:s8+s3], $0x180, $0x38;
	[tilespmem:$0x1F800] =	vst v63  }
0x5c: {  	_ =	swait.ge [sflag:s17], $0x180  }
0x5d: {  	[sflag:s17] =	ssyncset.done $0x0  }
0x5e: {  	[sflag:s17] =	ssyncadd.s32 $0xFFFFFE80  }
0x5f: {  	_ =	swait.ge [sflag:s22], $0x3C00  }
0x60: {  	[sflag:s22] =	ssyncset.done $0x0  }
0x61: {  	[sflag:s22] =	ssyncadd.s32 $0xFFFFC400  }
0x62: {  	[spmem:s1] =	stream.indirect.scatter.add.f32 [tilespmem:s21], [sflag:$0x2], $0x80, s29, s19, $0xb8;
	[tilespmem:$0x1F800] =	vst v63  }
0x63: {  	_ =	swait.ge [sflag:s30], $0x3C00  }
0x64: {  	[sflag:s30] =	ssyncset.done $0x0  }
0x65: {  	[sflag:s30] =	ssyncadd.s32 $0xFFFFC400  }
0x66: {  	[tilespmem:s16], [sflag:$0x1] =	stream.indirect.gather [hbm4b:s4+s19], $0x80, s26, s19, $0xb8;
	[tilespmem:$0x1F800] =	vst v63  }
0x67: {  	_ =	swait.ge [sflag:s22], $0x3C00  }
0x68: {  	[sflag:s22] =	ssyncset.done $0x0  }
0x69: {  	[sflag:s22] =	ssyncadd.s32 $0xFFFFC400  }
0x6a: {  	[spmem:s1] =	stream.indirect.scatter.add.f32 [tilespmem:s25], [sflag:$0x2], $0x80, s31, s19, $0xb8;
	[tilespmem:$0x1F800] =	vst v63  }
0x6b: {  	_ =	swait.ge [sflag:s30], $0x3C00  }
0x6c: {  	[sflag:s30] =	ssyncset.done $0x0  }
0x6d: {  	[sflag:s30] =	ssyncadd.s32 $0xFFFFC400  }
0x6e: {  	[tilespmem:s21], [sflag:$0x1] =	stream.indirect.gather [hbm4b:s4+s19], $0x80, s0, s19, $0xb8;
	[tilespmem:$0x1F800] =	vst v63  }
0x6f: {  	_ =	swait.ge [sflag:s22], $0x3C00  }
0x70: {  	[sflag:s22] =	ssyncset.done $0x0  }
0x71: {  	[sflag:s22] =	ssyncadd.s32 $0xFFFFC400  }
0x72: {  	[spmem:s1] =	stream.indirect.scatter.add.f32 [tilespmem:s16], [sflag:$0x2], $0x80, s28, s19, $0xb8;
	[tilespmem:$0x1F800] =	vst v63  }
0x73: {  	_ =	swait.ge [sflag:s30], $0x3C00  }
0x74: {  	p0 =	seq.s32 s7, $0x680;
	[sflag:s30] =	ssyncset.done $0x0  }
0x75: {  	s8 =	simm.s32 @p0 $0x1;
	[sflag:s30] =	ssyncadd.s32 $0xFFFFC400  }
0x76: {  	[tilespmem:s25], [sflag:$0x1] =	stream.indirect.gather [hbm4b:s4+s19], $0x80, s2, s19, $0xb8;
	[tilespmem:$0x1F800] =	vst v63  }
0x77: {  	_ =	swait.ge @p0 [sflag:s8], $0x3C00  }
0x78: {  	s9 =	simm.s32 @p0 $0x680;
	[sflag:s8] =	ssyncset.done @p0 $0x0  }
0x79: {  	s10 =	simm.s32 @p0 $0x4400;
	[sflag:s8] =	ssyncadd.s32 @p0 $0xFFFFC400;
	s8 =	simm.s32 @p0 $0x78  }
0x7a: {  	[spmem:s1] =	stream.indirect.scatter.add.f32 @p0 [tilespmem:s10], [sflag:$0x2], $0x80, s9, s8, $0xb8;
	[tilespmem:$0x1F800] =	vst v63  }
0x7b: {  	s8 =	simm.s32 @p0 $0x2  }
0x7c: {  	_ =	swait.ge @p0 [sflag:s8], $0x3C00  }
0x7d: {  	s9 =	sadd.s32 @!p0 s7, s14;
	[sflag:s8] =	ssyncset.done @p0 $0x0  }
0x7e: {  	[sflag:s8] =	ssyncadd.s32 @p0 $0xFFFFC400;
	s8 =	sadd.s32 @!p0 $0x80, s9;
	s9 =	simm.s32 @!p0 $0x0  }
0x7f: {  	[tilespmem:s9], [sflag:$0x3] =	stream.linear.gather @!p0 [hbm4b:s8+s9], $0x180, $0x38;
	[tilespmem:$0x1F800] =	vst v63  }
0x80: {  	s8 =	simm.s32 @!p0 $0x3  }
0x81: {  	_ =	swait.ge @!p0 [sflag:s8], $0x180  }
0x82: {  	s10 =	sadd.s32 @!p0 s7, s15;
	[sflag:s8] =	ssyncset.done @!p0 $0x0  }
0x83: {  	s11 =	simm.s32 @!p0 $0x400;
	s10 =	sadd.s32 @!p0 $0x80, s10;
	[sflag:s8] =	ssyncadd.s32 @!p0 $0xFFFFFE80  }
0x84: {  	[tilespmem:s11], [sflag:$0x3] =	stream.linear.gather @!p0 [hbm4b:s10+s9], $0x180, $0x38;
	[tilespmem:$0x1F800] =	vst v63  }
0x85: {  	_ =	swait.ge @!p0 [sflag:s8], $0x180  }
0x86: {  	[sflag:s8] =	ssyncset.done @!p0 $0x0  }
0x87: {  	[sflag:s8] =	ssyncadd.s32 @!p0 $0xFFFFFE80;
	s8 =	simm.s32 @!p0 $0x1  }
0x88: {  	_ =	swait.ge @!p0 [sflag:s8], $0x3C00  }
0x89: {  	s10 =	simm.s32 @!p0 $0x680;
	[sflag:s8] =	ssyncset.done @!p0 $0x0  }
0x8a: {  	s11 =	simm.s32 @!p0 $0x4400;
	[sflag:s8] =	ssyncadd.s32 @!p0 $0xFFFFC400;
	s8 =	simm.s32 @!p0 $0x78  }
0x8b: {  	[spmem:s1] =	stream.indirect.scatter.add.f32 @!p0 [tilespmem:s11], [sflag:$0x2], $0x80, s10, s8, $0xb8;
	[tilespmem:$0x1F800] =	vst v63  }
0x8c: {  	s10 =	simm.s32 @!p0 $0x2  }
0x8d: {  	_ =	swait.ge @!p0 [sflag:s10], $0x3C00  }
0x8e: {  	[sflag:s10] =	ssyncset.done @!p0 $0x0  }
0x8f: {  	[sflag:s10] =	ssyncadd.s32 @!p0 $0xFFFFC400;
	s10 =	simm.s32 @!p0 $0x800  }
0x90: {  	[tilespmem:s10], [sflag:$0x1] =	stream.indirect.gather @!p0 [hbm4b:s4+s8], $0x80, s9, s8, $0xb8;
	[tilespmem:$0x1F800] =	vst v63  }
0x91: {  	_ =	swait.ge [sflag:s22], $0x3C00  }
0x92: {  	[sflag:s22] =	ssyncset.done $0x0  }
0x93: {  	[sflag:s22] =	ssyncadd.s32 $0xFFFFC400  }
0x94: {  	[spmem:s1] =	stream.indirect.scatter.add.f32 [tilespmem:s25], [sflag:$0x2], $0x80, s20, s19, $0xb8;
	[tilespmem:$0x1F800] =	vst v63  }
0x95: {  	_ =	swait.ge [sflag:s30], $0x3C00  }
0x96: {  	s7 =	sadd.s32 @!p0 $0x80, s7;
	[sflag:s30] =	ssyncset.done $0x0  }
0x97: {  	p1 =	sne.s32 @!p0 s7, $0x700;
	s9 =	simm.s32 @!p0 $0x80;
	[sflag:s30] =	ssyncadd.s32 $0xFFFFC400  }
0x98: {  	[tilespmem:s11], [sflag:$0x1] =	stream.indirect.gather @!p0 [hbm4b:s4+s8], $0x80, s9, s8, $0xb8;
	[tilespmem:$0x1F800] =	vst v63  }
0x99: {  	p0 =	por p0, !p1  }
.Ltmp1:
0x9a: {  	_ = 	snop;
	(pc) =	sbr.rel @!p0 .LBB2_4-.Ltmp1, $1  }
0x9b: {  	_ =	sdelay $0x3  }
0x9c: {  	_ =	swait.ge [sflag:s30], $0x3C00  }
0x9d: {  	s7 =	stileid.u32;
	[sflag:s30] =	ssyncset.done $0x0  }
0x9e: {  	s7 =	sshll.u32 s7, $0x6;
	[sflag:s30] =	ssyncadd.s32 $0xFFFFC400  }
0x9f: {  	s8 =	sshrl.u32 s5, $0x3;
	s7 =	sor.u32 $0x1C03, s7;
	[bflag:$0x0] =	sbarrier.arrive $0xFFFF  }
0xa0: {  	[hbm:s24], [sflag:s7] =	dma.local [spmem:s8], $0x2780  }
0xa1: {  	_ =	swait.ge [sflag:s17], $0x2780  }
0xa2: {  	s6 =	sadd.s32 $0x1, s6;
	s11 =	rddreg [dreg:$0x8]  }
0xa3: {  	p0 =	sne.s32 s6, s11  }
.Ltmp2:
0xa4: {  	_ = 	snop;
	(pc) =	sbr.rel @p0 .LBB2_1-.Ltmp2, $3  }
0xa5: {  	_ =	sdelay $0x1  }
0xa6: {  	[sflag:s17] =	ssyncset.done $0x0  }
0xa7: {  	[sflag:s17] =	ssyncadd.s32 $0xFFFFD880  }
0xa8: {  	_ =	sfence.sel $0x180000  }
0xa9: {  	[bflag:$0x0] =	sbarrier.arrive $0xFFFF  }
0xaa: {  	_ =	strace $0x9000004D  }
0xab: {  	s0 =	stileid.u32;
	[bflag:$0x2] =	sbarrier.arrive $0xFFFF  }
0xac: {  	p0 =	sne.s32 s0, $0x0;
	s0 =	rddreg [dreg:$0x4]  }
0xad: {  	s0 =	sadd.s32 @!p0 $0x100000, s0  }
0xae: {  	[sflag:s0] =	ssyncadd.tile.s32 @!p0 $0x1;
	_ =	shalt  }
.Lfunc_end2:
_tile_overlayer_lowered:
.L_overlay_start_2:
0xaf: {  	(tag) =	ssettag $0x2  }
0xb0: {  	s0 =	rddreg [dreg:$0x0];
	s2 =	stileid.u32  }
0xb1: {  	s1 =	rddreg [dreg:$0x1];
	p0 =	sne.s32 s2, $0x0  }
0xb2: {  	s3 =	rddreg [dreg:$0x2];
	[bflag:$0x3] =	sbarrier.arrive $0xFFFF;
	s2 =	simm.s32 @!p0 $0x1C03  }
0xb3: {  	[timem:s3], [sflag:s2] =	dma.local @!p0 [hbm:s0], s1  }
0xb4: {  	s0 =	simm.s32 @!p0 $0x3  }
0xb5: {  	_ =	swait.ge @!p0 [sflag:s0], s1  }
0xb6: {  	s1 =	ssub.s32 @!p0 $0x0, s1;
	[sflag:s0] =	ssyncset.done @!p0 $0x0  }
0xb7: {  	[sflag:s0] =	ssyncadd.s32 @!p0 s1  }
0xb8: {  	[bflag:$0x3] =	sbarrier.arrive $0xFFFF  }
0xb9: {  	_ =	shalt  }

// kernel: kernel.8.cloned.1.call-start
scs
__scs_entry_jumppad:
0x0: {  	(pc) =	sbr.rel $0x88, $3  }
0x1: {  	(tag) =	ssettag $0x0;
	lr =	simm.s32 $0x1  }
0x2: {  	[smem:$0x3F97] =	sst lr;
	_ =	strace $0xD0000000  }
0x3: {  	_ = 	snop  }
0x4: {  	_ = 	snop  }
0x5: {  	_ = 	snop  }
0x6: {  	_ = 	snop  }
0x7: {  	_ = 	snop  }
__scs_overlays_trampoline_lowered:
0x8: {  	[smem:$0x3FA6] =	sst s0  }
0x9: {  	[smem:$0x3FA7] =	sst s1  }
0xa: {  	[smem:$0x3FA8] =	sst s2  }
0xb: {  	[smem:$0x3FA9] =	sst s3  }
0xc: {  	[smem:$0x3FAA] =	sst s4  }
0xd: {  	[smem:$0x3FAB] =	sst s5  }
0xe: {  	[smem:$0x3FAC] =	sst s6  }
0xf: {  	[smem:$0x3FAD] =	sst s7  }
0x10: {  	[smem:$0x3FAE] =	sst s8  }
0x11: {  	[smem:$0x3FAF] =	sst s9;
	s0 =	simm.s32 @!p0 $0x0  }
0x12: {  	s1 =	sld [smem:$0x3F95];
	s0 =	simm.s32 @p0 $0x1  }
0x13: {  	[smem:$0x3FB0] =	sst s0;
	s0 =	simm.s32 @!p1 $0x0  }
0x14: {  	s2 =	sld [smem:$0x3F94];
	s0 =	simm.s32 @p1 $0x1  }
0x15: {  	[smem:$0x3FB1] =	sst s0;
	s0 =	simm.s32 @!p2 $0x0  }
0x16: {  	s3 =	sld [smem:$0x3FDB];
	s0 =	simm.s32 @p2 $0x1  }
0x17: {  	s4 =	simm.s32 $0x1BF5;
	[smem:$0x3FB3] =	sst s0  }
0x18: {  	s0 =	sld [smem:$0x3F96];
	_ =	swait.ge [sflag:s4], $0x0  }
0x19: {  	s7 =	sld [smem:$0x3F97]  }
0x1a: {  	s8 =	sadd.s32 $0xFFFFE003, lr  }
0x1b: {  	s9 =	sadd.s32 $0xFFFFFEF7, lr;
	s5 =	simm.s32 $0xFFFFFFFF;
	p2 =	slt.u32 s8, $0xFFFFF086  }
0x1c: {  	p1 =	slt.u32 s9, $0xF7A;
	s5 =	simm.s32 @!p2 $0x0  }
0x1d: {  	s5 =	simm.s32 @p1 $0x1;
	p0 =	seq.s32 s7, s2  }
0x1e: {  	s7 =	smul.u32 @!p0 $0xF7A, s2;
	p2 =	seq.s32 @!p0 s5, $0x0  }
0x1f: {  	s9 =	smul.u32 $0xF7A, s1;
	s8 =	simm.s32 @!p0 $0x1BF5;
	p2 =	por !p2, p0  }
0x20: {  	[sflag:s8] =	ssyncset.s32 @!p0 $0xFFFFF086;
	s6 =	sadd.s32 @!p0 s3, s7;
	s7 =	simm.s32 @!p0 $0x108  }
0x21: {  	s3 =	sadd.s32 s3, s9;
	s6 =	sadd.s32 @!p0 $0x88, s6;
	s7 =	simm.s32 @p2 $0x1082  }
0x22: {  	[simem:s7], [sflag:s8] =	dma.local @!p0 [hbm:s6], $0xF7A  }
0x23: {  	s9 =	sor.u32 $0xD0000000, s2;
	s6 =	simm.s32 $0x108;
	_ =	swait.ge @!p0 [sflag:s8], $0x0  }
0x24: {  	s3 =	sadd.s32 $0x88, s3;
	s6 =	simm.s32 @!p1 $0x1082;
	[sflag:s4] =	ssyncset.s32 $0xFFFFF086  }
0x25: {  	[simem:s6], [sflag:s4] =	dma.local [hbm:s3], $0xF7A  }
0x26: {  	[smem:$0x3F97] =	sst s1;
	(tag) =	ssettag s2;
	_ =	strace s9  }
0x27: {  	s1 =	sld [smem:$0x3FA7]  }
0x28: {  	s2 =	sld [smem:$0x3FA8]  }
0x29: {  	s4 =	sld [smem:$0x3FAA]  }
0x2a: {  	p0 =	seq.s32 s5, $0x0;
	s5 =	sld [smem:$0x3FAB]  }
0x2b: {  	s6 =	sld [smem:$0x3FAC]  }
0x2c: {  	s7 =	sld [smem:$0x3FAD]  }
0x2d: {  	s3 =	simm.s32 $0x108;
	s8 =	sld [smem:$0x3FAE]  }
0x2e: {  	s3 =	simm.s32 @!p0 $0x1082;
	s9 =	sld [smem:$0x3FAF]  }
0x2f: {  	lr =	sadd.s32 s0, s3;
	s0 =	sld [smem:$0x3FA6]  }
0x30: {  	s3 =	sld [smem:$0x3FA9]  }
0x31: {  	[smem:$0x3FB2] =	sst s10  }
0x32: {  	s10 =	sld [smem:$0x3FB0];
	_ =	sdelay $0x3  }
0x33: {  	p0 =	seq.s32 s10, $0x1;
	s10 =	sld [smem:$0x3FB2];
	_ =	sdelay $0x3  }
0x34: {  	[smem:$0x3FB2] =	sst s10  }
0x35: {  	s10 =	sld [smem:$0x3FB1];
	_ =	sdelay $0x3  }
0x36: {  	p1 =	seq.s32 s10, $0x1;
	s10 =	sld [smem:$0x3FB2];
	_ =	sdelay $0x3  }
0x37: {  	[smem:$0x3FB2] =	sst s10  }
0x38: {  	s10 =	sld [smem:$0x3FB3]  }
0x39: {  	_ = 	snop;
	(pc) =	sbr.ind lr, $3  }
0x3a: {  	_ = 	snop  }
0x3b: {  	_ = 	snop  }
0x3c: {  	p2 =	seq.s32 s10, $0x1;
	s10 =	sld [smem:$0x3FB2]  }
0x3d: {  	_ =	shalt  }
0x3e: {  	_ =	shalt  }
0x3f: {  	_ =	shalt  }
0x40: {  	_ =	shalt  }
0x41: {  	_ =	shalt  }
0x42: {  	_ =	shalt  }
0x43: {  	_ =	shalt  }
0x44: {  	_ =	shalt  }
0x45: {  	_ =	shalt  }
0x46: {  	_ =	shalt  }
0x47: {  	_ =	shalt  }
0x48: {  	_ =	shalt  }
0x49: {  	_ =	shalt  }
0x4a: {  	_ =	shalt  }
0x4b: {  	_ =	shalt  }
0x4c: {  	_ =	shalt  }
0x4d: {  	_ =	shalt  }
0x4e: {  	_ =	shalt  }
0x4f: {  	_ =	shalt  }
0x50: {  	_ =	shalt  }
0x51: {  	_ =	shalt  }
0x52: {  	_ =	shalt  }
0x53: {  	_ =	shalt  }
0x54: {  	_ =	shalt  }
0x55: {  	_ =	shalt  }
0x56: {  	_ =	shalt  }
0x57: {  	_ =	shalt  }
0x58: {  	_ =	shalt  }
0x59: {  	_ =	shalt  }
0x5a: {  	_ =	shalt  }
0x5b: {  	_ =	shalt  }
0x5c: {  	_ =	shalt  }
0x5d: {  	_ =	shalt  }
0x5e: {  	_ =	shalt  }
0x5f: {  	_ =	shalt  }
0x60: {  	_ =	shalt  }
0x61: {  	_ =	shalt  }
0x62: {  	_ =	shalt  }
0x63: {  	_ =	shalt  }
0x64: {  	_ =	shalt  }
0x65: {  	_ =	shalt  }
0x66: {  	_ =	shalt  }
0x67: {  	_ =	shalt  }
0x68: {  	_ =	shalt  }
0x69: {  	_ =	shalt  }
0x6a: {  	_ =	shalt  }
0x6b: {  	_ =	shalt  }
0x6c: {  	_ =	shalt  }
0x6d: {  	_ =	shalt  }
0x6e: {  	_ =	shalt  }
0x6f: {  	_ =	shalt  }
0x70: {  	_ =	shalt  }
0x71: {  	_ =	shalt  }
0x72: {  	_ =	shalt  }
0x73: {  	_ =	shalt  }
0x74: {  	_ =	shalt  }
0x75: {  	_ =	shalt  }
0x76: {  	_ =	shalt  }
0x77: {  	_ =	shalt  }
0x78: {  	_ =	shalt  }
0x79: {  	_ =	shalt  }
0x7a: {  	_ =	shalt  }
0x7b: {  	_ =	shalt  }
0x7c: {  	_ =	shalt  }
0x7d: {  	_ =	shalt  }
0x7e: {  	_ =	shalt  }
0x7f: {  	_ =	shalt  }
0x80: {  	_ =	shalt  }
0x81: {  	_ =	shalt  }
0x82: {  	_ =	shalt  }
0x83: {  	_ =	shalt  }
0x84: {  	_ =	shalt  }
0x85: {  	_ =	shalt  }
0x86: {  	_ =	shalt  }
0x87: {  	_ =	shalt  }
.Lfunc_end0:
.L_simem_size_0:
called_computation_lowered:
.L_overlay_start_0:
0x88: {  	s2 =	sld [smem:$0x3FD9]  }
0x89: {  	s3 =	sld [smem:$0x3FFE];
	_ =	sdelay $0x1  }
0x8a: {  	s1 =	srdreg.scid  }
0x8b: {  	s0 =	sand.u32 $0x1, s1  }
0x8c: {  	s16 =	sshll.u32 s0, $0xA;
	s2 =	sadd.s32 s3, s2  }
0x8d: {  	s2 =	sadd.s32 s2, s16  }
0x8e: {  	[smem:$0x3FBE] =	sst s2  }
0x8f: {  	_ = 	snop  }
0x90: {  	(tm) =	ssettm $0x1  }
0x91: {  	s17 =	sld [smem:$0x3FFB];
	_ =	sdelay $0x3  }
0x92: {  	_ =	strace s17  }
0x93: {  	s2 =	sld [smem:$0x3FFC];
	_ =	sdelay $0x3  }
0x94: {  	_ =	strace s2  }
0x95: {  	s2 =	sld [smem:$0x3FFD];
	_ =	sdelay $0x3  }
0x96: {  	_ =	strace s2  }
0x97: {  	_ =	strace $0x8FFFFFFF  }
0x98: {  	s18 =	sld [smem:$0x3FDB];
	_ =	sdelay $0x1  }
0x99: {  	s19 =	simm.s32 $_scs_section_size  }
0x9a: {  	s4 =	simm.s32 $_size__tile_overlayer_lowered;
	s5 =	simm.s32 $_tile_overlayer_lowered  }
0x9b: {  	s22 =	simm.s32 $0x1BFF;
	s21 =	sshll.u32 s5, $0x1;
	s2 =	sadd.s32 s19, s18  }
0x9c: {  	s6 =	simm.s32 $0x0;
	s20 =	sshll.u32 s4, $0x1;
	s4 =	sadd.s32 s21, s2  }
0x9d: {  	[timem:s6], [sflag:s22] =	dma.local [hbm:s4], s20  }
0x9e: {  	_ =	swait.ge [sflag:s22], s20  }
0x9f: {  	s3 =	ssub.s32 $0x0, s20;
	[sflag:s22] =	ssyncset.done $0x0  }
0xa0: {  	[sflag:s22] =	ssyncadd.s32 s3;
	_ =	sdelay $0x1  }
0xa1: {  	s23 =	simm.s32 $0x1B8B  }
0xa2: {  	_ =	swait.ge [sflag:s23], $0x1  }
0xa3: {  	[sflag:s23] =	ssyncset.done $0x0  }
0xa4: {  	s25 =	simm.s32 $0x1B8E;
	s24 =	sld [smem:$0x3FFE];
	[sflag:s23] =	ssyncadd.s32 $0xFFFFFFFF  }
0xa5: {  	s26 =	simm.s32 $execute0_lowered;
	[smem:$0x3FD2] =	sst s25  }
0xa6: {  	s4 =	sshll.u32 s26, $0x1;
	_ =	strace $0x80000046;
	[dreg:$0x1] =	wrdreg $0xFFFFFFFF  }
0xa7: {  	s28 =	simm.s32 $_size_execute0_lowered;
	s2 =	sadd.s32 s2, s4;
	[dreg:$0x0] =	wrdreg $0x0  }
0xa8: {  	s4 =	sshll.u32 s28, $0x1;
	[dreg:$0x2] =	wrdreg s2  }
0xa9: {  	[dreg:$0x3] =	wrdreg s4  }
0xaa: {  	[dreg:$0x4] =	wrdreg $0xC0  }
0xab: {  	_ =	task [dreg:s6], $0x5FFFF  }
0xac: {  	[dreg:$0x1] =	wrdreg $0xFFFFFFFF  }
0xad: {  	[dreg:$0x0] =	wrdreg $0x60  }
0xae: {  	[dreg:$0x2] =	wrdreg s24  }
0xaf: {  	[dreg:$0x3] =	wrdreg $0x9  }
0xb0: {  	_ =	task.clear_ibuf [dreg:s6], $0x4FFFF;
	_ =	strace $0x90000046  }
0xb1: {  	s29 =	simm.s32 $0x9;
	_ =	strace $0x80000048  }
0xb2: {  	_ =	swait.ge [sflag:s29], $0x1  }
0xb3: {  	[sflag:s29] =	ssyncadd.s32 $0xFFFFFFFF  }
0xb4: {  	_ =	strace $0x90000048  }
0xb5: {  	_ =	sfence  }
0xb6: {  	s30 =	sld [smem:$0x0];
	_ =	sdelay $0x2  }
0xb7: {  	s31 =	sshll.u32 s1, $0xD;
	s1 =	sshrl.u32 s1, $0x2  }
0xb8: {  	s3 =	sand.u32 $0x4000, s31;
	s1 =	sadd.s32 s1, s30  }
0xb9: {  	s0 =	sor.u32 s3, s0;
	s1 =	sshll.u32 s1, $0x11  }
0xba: {  	s0 =	sor.u32 s1, s0  }
0xbb: {  	s0 =	sadd.s32 $0x8F2B, s0  }
0xbc: {  	[sflag:s0] =	ssyncadd.remote.s32 $0x1  }
0xbd: {  	_ =	sfence.sel $0xFFFF  }
0xbe: {  	[dreg:$0x0] =	wrdreg $0xFFFFFFFF;
	(pc) =	sbr.abs _section_cstart, $3  }
0xbf: {  	[dreg:$0x1] =	wrdreg $0xFFFFFFFF  }
0xc0: {  	_ =	task.clear_ibuf [dreg:s6], $0x2FFFF;
	_ =	strace $0x9FFFFFFF  }
0xc1: {  	(tm) =	ssettm $0x7FFFFFFF  }
tec
execute0_lowered:
.L_overlay_start_1:
0x0: {  	(tag) =	ssettag $0x1  }
0x1: {  	s1 =	srdreg.scid;
	s0 =	stileid.u32  }
0x2: {  	s5 =	rddreg [dreg:$0x0];
	s2 =	simm.s32 $0x0;
	s8 =	simm.s32 $0x1  }
0x3: {  	s9 =	simm.s32 $0x80;
	s3 =	sand.u32 $0x1, s1;
	s28 =	sshll.u32 s0, $0x1  }
0x4: {  	s10 =	simm.s32 $0x400;
	s29 =	sshrl.u32 s0, $0x2;
	s4 =	sor.u32 s3, s28  }
0x5: {  	s1 =	rddreg [dreg:$0x1];
	s6 =	smul.u32 $0x14000, s29;
	s7 =	sshll.u32 s4, $0x7  }
0x6: {  	s11 =	simm.s32 $0x0;
	[smem:$0x7FF] =	sst s2;
	s7 =	sand.u32 $0x380, s7  }
0x7: {  	_ =	strace $0x80000047;
	s30 =	ssub.s32 $0x2, s3;
	s6 =	sor.u32 s6, s7  }
0x8: {  	s3 =	sadd.s32 $0x3200, s5;
	s31 =	sshrl.u32 s30, $0x1;
	s6 =	sshrl.u32 s6, $0x3  }
0x9: {  	s4 =	smul.u32 $0x2800, s4;
	s5 =	sadd.s32 s6, s5;
	s6 =	ssub.s32 s30, s31  }
0xa: {  	v0 =	vimm.f32 $0.0e+00;
	v1 =	vimm.f32 $1.000000000e+00;
	s7 =	simm.s32 $0x2800;
	s5 =	sadd.s32 $0xD200, s5;
	s6 =	smax.u32 s6, $0x1  }
.LBB2_1:
0xb: {  	s12 =	simm.s32 $0x40;
	s13 =	simm.s32 $0x0  }
.LBB2_2:
0xc: {  	p0 =	sne.s32 s12, $0x9FC0;
	[tilespmem:s13+$0x0] =	vst v0;
	s13 =	smov.u32 s12;
	s12 =	sadd.s32 $0x40, s12  }
.Ltmp0:
0xd: {  	(pc) =	sbr.rel @p0 .LBB2_2-.Ltmp0, $2  }
0xe: {  	_ =	sdelay $0x2  }
0xf: {  	s13 =	sshra.s32 s13, $0x2  }
0x10: {  	[tilespmem:s13+$0x0] =	vst v0;
	s12 =	simm.s32 $0x0;
	s13 =	simm.s32 $0x0  }
.LBB2_4:
0x11: {  	s14 =	sshll.u32 s13, $0xB  }
0x12: {  	s14 =	sadd.s32 s4, s14  }
0x13: {  	s14 =	sshrl.u32 s14, $0x3  }
0x14: {  	s14 =	sadd.s32 s3, s14  }
0x15: {  	[tilespmem:s7], [sflag:$0x1] =	stream.linear.gather [hbm4b:s14+s12], $0x800, $0x38;
	[tilespmem:$0x3000] =	vst v63  }
0x16: {  	_ =	swait.ge [sflag:s8], $0x800  }
0x17: {  	[sflag:s8] =	ssyncset.done $0x0  }
0x18: {  	s14 =	simm.s32 $0x0;
	[sflag:s8] =	ssyncadd.s32 $0xFFFFF800  }
.LBB2_5:
0x19: {  	s15 =	sshra.s32 s14, $0x2  }
0x1a: {  	v2 =	vld [tilespmem:s15+$0x2800];
	_ =	sdelay $0x7  }
0x1b: {  	[tilespmem:v2+s2+$0x0] =	vst.idx.add.f32.msk $0xffff, v1  }
0x1c: {  	v2 =	vld [tilespmem:s15+$0x2810];
	_ =	sdelay $0x7  }
0x1d: {  	[tilespmem:v2+s2+$0x0] =	vst.idx.add.f32.msk $0xffff, v1  }
0x1e: {  	v2 =	vld [tilespmem:s15+$0x2820];
	_ =	sdelay $0x7  }
0x1f: {  	[tilespmem:v2+s2+$0x0] =	vst.idx.add.f32.msk $0xffff, v1  }
0x20: {  	v2 =	vld [tilespmem:s15+$0x2830];
	_ =	sdelay $0x7  }
0x21: {  	[tilespmem:v2+s2+$0x0] =	vst.idx.add.f32.msk $0xffff, v1  }
0x22: {  	v2 =	vld [tilespmem:s15+$0x2840];
	_ =	sdelay $0x7  }
0x23: {  	[tilespmem:v2+s2+$0x0] =	vst.idx.add.f32.msk $0xffff, v1  }
0x24: {  	v2 =	vld [tilespmem:s15+$0x2850];
	_ =	sdelay $0x7  }
0x25: {  	[tilespmem:v2+s2+$0x0] =	vst.idx.add.f32.msk $0xffff, v1  }
0x26: {  	v2 =	vld [tilespmem:s15+$0x2860];
	_ =	sdelay $0x7  }
0x27: {  	[tilespmem:v2+s2+$0x0] =	vst.idx.add.f32.msk $0xffff, v1  }
0x28: {  	v2 =	vld [tilespmem:s15+$0x2870];
	_ =	sdelay $0x2  }
0x29: {  	p0 =	sne.s32 s14, $0x1E00  }
.Ltmp1:
0x2a: {  	_ = 	snop;
	(pc) =	sbr.rel @p0 .LBB2_5-.Ltmp1, $2  }
0x2b: {  	_ =	sdelay $0x2  }
0x2c: {  	s14 =	sadd.s32 $0x200, s14;
	[tilespmem:v2+s2+$0x0] =	vst.idx.add.f32.msk $0xffff, v1  }
0x2d: {  	s13 =	sadd.s32 $0x1, s13  }
0x2e: {  	p0 =	sne.s32 s13, $0x5  }
.Ltmp2:
0x2f: {  	_ = 	snop;
	(pc) =	sbr.rel @p0 .LBB2_4-.Ltmp2, $1  }
0x30: {  	_ =	sdelay $0x3  }
0x31: {  	s11 =	sadd.s32 $0x1, s11  }
0x32: {  	p0 =	sne.s32 s11, s6  }
.Ltmp3:
0x33: {  	_ = 	snop;
	(pc) =	sbr.rel @p0 .LBB2_1-.Ltmp3, $4  }
0x34: {  	[hbm4b:s5+s9] =	stream.strided.scatter [tilespmem:s2], [sflag:$0x1], $0x2800, s10, s9, $0x38;
	[tilespmem:$0x3000] =	vst v63  }
0x35: {  	_ =	swait.ge [sflag:s8], $0x2800  }
0x36: {  	[sflag:s8] =	ssyncset.done $0x0  }
0x37: {  	[sflag:s8] =	ssyncadd.s32 $0xFFFFD800  }
0x38: {  	_ =	sfence.sel $0x180000  }
0x39: {  	[bflag:$0x0] =	sbarrier.arrive $0xFFFF  }
0x3a: {  	p0 =	sne.s32 s0, $0x0;
	_ =	strace $0x90000047  }
0x3b: {  	s0 =	sadd.s32 @!p0 $0x100000, s1;
	[bflag:$0x2] =	sbarrier.arrive $0xFFFF  }
0x3c: {  	[sflag:s0] =	ssyncadd.tile.s32 @!p0 $0x1;
	_ =	shalt  }
.Lfunc_end2:
_tile_overlayer_lowered:
.L_overlay_start_2:
0x3d: {  	(tag) =	ssettag $0x2  }
0x3e: {  	s0 =	rddreg [dreg:$0x0];
	s2 =	stileid.u32  }
0x3f: {  	s1 =	rddreg [dreg:$0x1];
	p0 =	sne.s32 s2, $0x0  }
0x40: {  	s3 =	rddreg [dreg:$0x2];
	[bflag:$0x3] =	sbarrier.arrive $0xFFFF;
	s2 =	simm.s32 @!p0 $0x1C01  }
0x41: {  	[timem:s3], [sflag:s2] =	dma.local @!p0 [hbm:s0], s1  }
0x42: {  	s0 =	simm.s32 @!p0 $0x1  }
0x43: {  	_ =	swait.ge @!p0 [sflag:s0], s1  }
0x44: {  	s1 =	ssub.s32 @!p0 $0x0, s1;
	[sflag:s0] =	ssyncset.done @!p0 $0x0  }
0x45: {  	[sflag:s0] =	ssyncadd.s32 @!p0 s1  }
0x46: {  	[bflag:$0x3] =	sbarrier.arrive $0xFFFF  }
0x47: {  	_ =	shalt  }

</sc_bundles>
